<compile_context>
chip_gen: v7x
topology: tpu7x:2x2x1
jax: 0.10.2.dev20260603
libtpu: 0.0.44.dev20260713+nightly
codegen_flags: <defaults>
</compile_context>

<pallas_src>
import functools
import jax
import jax.numpy as jnp
from jax import lax
from jax.experimental import pallas as pl
from jax.experimental.pallas import tpu as pltpu
from jax.experimental.pallas import tpu_sc as plsc

EPS = 1e-5
B = 8
N = 1024
K = 32
TILE_N = 256
S_TILE = TILE_N * K
CNT = B * N * K


def _leaky(y):
    return jnp.where(y >= 0, y, 0.2 * y)


def _nd_body(tab_ref, o_ref):
    tb = tab_ref[0]
    G = lax.dot_general(tb, tb, (((0,), (0,)), ((), ())))
    xx = jnp.sum(tb * tb, axis=0)
    inner = -2.0 * G
    o_ref[0] = (-xx[:, None] - inner) - xx[None, :]


def _neg_dist(tab):
    C = tab.shape[1]
    return pl.pallas_call(
        _nd_body,
        grid=(B,),
        in_specs=[pl.BlockSpec((1, C, N), lambda b: (b, 0, 0))],
        out_specs=pl.BlockSpec((1, N, N), lambda b: (b, 0, 0)),
        out_shape=jax.ShapeDtypeStruct((B, N, N), jnp.float32),
    )(tab)


def _gather_lanes(tab, idxb):
    C, S = idxb.shape
    CH = 512
    parts = []
    for s0 in range(0, S, CH):
        idc = idxb[:, s0:s0 + CH]
        wdc = lax.shift_right_logical(idc, 7)
        ilo = jnp.bitwise_and(idc, 127)
        out = jnp.zeros((C, CH), jnp.float32)
        for w in range(N // 128):
            g = jnp.take_along_axis(tab[:, w * 128:(w + 1) * 128], ilo, axis=1)
            out = jnp.where(wdc == w, g, out)
        parts.append(out)
    return jnp.concatenate(parts, axis=1)


def _k3_body(tab_ref, idx_ref, w1_ref, y1_ref, st_ref, *, C):
    tb = tab_ref[0]
    t = pl.program_id(1)
    base = t * TILE_N
    idx = idx_ref[0, 0]
    idxb = jnp.broadcast_to(idx[None, :], (C, S_TILE))
    feat = _gather_lanes(tb, idxb)
    center = jnp.tile(tab_ref[0, :, pl.ds(base, TILE_N)], (1, K))
    g = jnp.concatenate([center, feat - center], axis=0)
    y1 = lax.dot_general(w1_ref[...], g, (((1,), (0,)), ((), ())))
    y1_ref[0] = y1
    part = jnp.stack([jnp.sum(y1, axis=1), jnp.sum(y1 * y1, axis=1)], axis=0)

    @pl.when(jnp.logical_and(pl.program_id(0) == 0, t == 0))
    def _():
        st_ref[...] = jnp.zeros_like(st_ref)

    st_ref[...] += part


def _k3(tab, idx_r, W1):
    C = tab.shape[1]
    body = functools.partial(_k3_body, C=C)
    return pl.pallas_call(
        body,
        grid=(B, N // TILE_N),
        in_specs=[
            pl.BlockSpec((1, C, N), lambda b, t: (b, 0, 0)),
            pl.BlockSpec((1, 1, S_TILE), lambda b, t: (b * (N // TILE_N) + t, 0, 0)),
            pl.BlockSpec((64, 2 * C), lambda b, t: (0, 0)),
        ],
        out_specs=[
            pl.BlockSpec((1, 64, S_TILE), lambda b, t: (b, 0, t)),
            pl.BlockSpec((2, 64), lambda b, t: (0, 0)),
        ],
        out_shape=[
            jax.ShapeDtypeStruct((B, 64, N * K), jnp.float32),
            jax.ShapeDtypeStruct((2, 64), jnp.float32),
        ],
    )(tab, idx_r, W1)


def _k4_body(y1_ref, st_ref, g1_ref, b1_ref, w2_ref, a1_ref, st2_ref):
    s1 = st_ref[0]
    s2 = st_ref[1]
    mean = s1 / CNT
    var = s2 / CNT - mean * mean
    sc = g1_ref[0] / jnp.sqrt(var + EPS)
    bi = b1_ref[0] - sc * mean
    a1 = _leaky(sc[:, None] * y1_ref[0] + bi[:, None])
    a1_ref[0] = a1
    y2 = lax.dot_general(w2_ref[...], a1, (((1,), (0,)), ((), ())))
    part = jnp.stack([jnp.sum(y2, axis=1), jnp.sum(y2 * y2, axis=1)], axis=0)

    @pl.when(jnp.logical_and(pl.program_id(0) == 0, pl.program_id(1) == 0))
    def _():
        st2_ref[...] = jnp.zeros_like(st2_ref)

    st2_ref[...] += part


def _k4(y1, stats1, g1, b1, W2):
    return pl.pallas_call(
        _k4_body,
        grid=(B, N // TILE_N),
        in_specs=[
            pl.BlockSpec((1, 64, S_TILE), lambda b, t: (b, 0, t)),
            pl.BlockSpec((2, 64), lambda b, t: (0, 0)),
            pl.BlockSpec((1, 64), lambda b, t: (0, 0)),
            pl.BlockSpec((1, 64), lambda b, t: (0, 0)),
            pl.BlockSpec((64, 64), lambda b, t: (0, 0)),
        ],
        out_specs=[
            pl.BlockSpec((1, 64, S_TILE), lambda b, t: (b, 0, t)),
            pl.BlockSpec((2, 64), lambda b, t: (0, 0)),
        ],
        out_shape=[
            jax.ShapeDtypeStruct((B, 64, N * K), jnp.float32),
            jax.ShapeDtypeStruct((2, 64), jnp.float32),
        ],
    )(y1, stats1, g1.reshape(1, 64), b1.reshape(1, 64), W2)


def _k5_body(a1_ref, st2_ref, w2_ref, g2_ref, b2_ref, o_ref):
    W2 = w2_ref[...]
    mean = st2_ref[0] / CNT
    var = st2_ref[1] / CNT - mean * mean
    sc = g2_ref[0] / jnp.sqrt(var + EPS)
    bi = b2_ref[0] - sc * mean
    sgn = jnp.where(sc >= 0, 1.0, -1.0)
    W2s = sgn[:, None] * W2
    y2 = lax.dot_general(W2s, a1_ref[0], (((1,), (0,)), ((), ())))
    zh = jnp.max(y2.reshape(64, K, TILE_N), axis=1)
    z = sgn[:, None] * zh
    o_ref[0] = _leaky(sc[:, None] * z + bi[:, None])


def _k5(a1, stats2, W2, g2, b2):
    return pl.pallas_call(
        _k5_body,
        grid=(B, N // TILE_N),
        in_specs=[
            pl.BlockSpec((1, 64, S_TILE), lambda b, t: (b, 0, t)),
            pl.BlockSpec((2, 64), lambda b, t: (0, 0)),
            pl.BlockSpec((64, 64), lambda b, t: (0, 0)),
            pl.BlockSpec((1, 64), lambda b, t: (0, 0)),
            pl.BlockSpec((1, 64), lambda b, t: (0, 0)),
        ],
        out_specs=pl.BlockSpec((1, 64, TILE_N), lambda b, t: (b, 0, t)),
        out_shape=jax.ShapeDtypeStruct((B, 64, N), jnp.float32),
    )(a1, stats2, W2, g2.reshape(1, 64), b2.reshape(1, 64))



ROWS_BLK = 8
NWORK = 32
ROWS_PER_W = (B * N) // NWORK
SV = 1024 + 32


def _rev(x):
    return lax.rev(x, (0,))


def _sortkv(v, i):
    return plsc.sort_key_val(v, i, descending=True)


def _merge16v(a, b):
    rb = _rev(b)
    u = jnp.maximum(a, rb)
    l = jnp.minimum(a, rb)
    iw = lax.iota(jnp.int32, 16)
    u, _ = _sortkv(u, iw)
    l, _ = _sortkv(l, iw)
    return u, l


def _merge16kv(av, ai, bv, bi):
    rbv, rbi = _rev(bv), _rev(bi)
    m = av >= rbv
    uv = jnp.where(m, av, rbv)
    ui = jnp.where(m, ai, rbi)
    lv = jnp.where(m, rbv, av)
    li = jnp.where(m, rbi, ai)
    uv, ui = _sortkv(uv, ui)
    lv, li = _sortkv(lv, li)
    return uv, ui, lv, li


def _merge32_16(thi, tih, tlo, til, cv, ci):
    rcv, rci = _rev(cv), _rev(ci)
    m = tlo >= rcv
    mv = jnp.where(m, tlo, rcv)
    mi = jnp.where(m, til, rci)
    m2 = thi >= mv
    av = jnp.where(m2, thi, mv)
    ai = jnp.where(m2, tih, mi)
    bv = jnp.where(m2, mv, thi)
    bi = jnp.where(m2, mi, tih)
    av, ai = _sortkv(av, ai)
    bv, bi = _sortkv(bv, bi)
    return av, ai, bv, bi


def _sc_topk_body(nd_ref, idx_ref, row_buf, out_buf, sv_val, sv_idx):
    wid = lax.axis_index("s") * 2 + lax.axis_index("c")
    row0 = wid * ROWS_PER_W
    iota16 = lax.iota(jnp.int32, 16)
    neg = jnp.full((16,), -jnp.inf, jnp.float32)

    def row_body(r, _):

        def chunk(j):
            return row_buf[r, pl.ds(j * 16, 16)]

        gm = []
        for gi in range(4):
            m = chunk(gi * 16)
            for j in range(1, 16):
                m = jnp.maximum(m, chunk(gi * 16 + j))
            gm.append(_sortkv(m, iota16)[0])
        u1, l1 = _merge16v(gm[0], gm[1])
        u2, l2 = _merge16v(gm[2], gm[3])
        p1 = jnp.maximum(u1, _rev(l2))
        p2 = jnp.maximum(l1, _rev(u2))
        t0 = jnp.min(jnp.minimum(p1, p2))

        pcs = []
        for j in range(64):
            pc = plsc.all_reduce_population_count(chunk(j) >= t0)
            pcs.append(jnp.squeeze(lax.slice(pc, (0,), (1,))))
        offs = [jnp.int32(0)]
        for j in range(64):
            offs.append(offs[-1] + pcs[j])
        for j in range(64):
            c = chunk(j)
            m = c >= t0
            plsc.store_compressed(sv_val.at[pl.ds(offs[j], 16)], c, mask=m)
            plsc.store_compressed(sv_idx.at[pl.ds(offs[j], 16)], iota16 + j * 16, mask=m)
        total = offs[64]
        plsc.store_scatter(sv_val, [total + iota16], neg)

        ngrp = (total + 15) // 16
        s0v, s0i = _sortkv(sv_val[pl.ds(0, 16)], sv_idx[pl.ds(0, 16)])
        s1v, s1i = _sortkv(sv_val[pl.ds(16, 16)], sv_idx[pl.ds(16, 16)])
        thi, tih, tlo, til = _merge16kv(s0v, s0i, s1v, s1i)

        def wcond(st):
            return st[0] < ngrp

        def wbody(st):
            g, thi, tih, tlo, til = st
            cv = sv_val[pl.ds(g * 16, 16)]
            ci = sv_idx[pl.ds(g * 16, 16)]
            cv, ci = _sortkv(cv, ci)
            thi, tih, tlo, til = _merge32_16(thi, tih, tlo, til, cv, ci)
            return (g + 1, thi, tih, tlo, til)

        st = lax.while_loop(wcond, wbody, (jnp.int32(2), thi, tih, tlo, til))
        _, thi, tih, tlo, til = st
        out_buf[r, pl.ds(0, 16)] = tih
        out_buf[r, pl.ds(16, 16)] = til
        return 0

    def blk_body(blk, _):
        r0 = row0 + blk * ROWS_BLK
        pltpu.sync_copy(nd_ref.at[pl.ds(r0, ROWS_BLK)], row_buf)
        lax.fori_loop(0, ROWS_BLK, row_body, 0)
        pltpu.sync_copy(out_buf, idx_ref.at[pl.ds(r0, ROWS_BLK)])
        return 0

    lax.fori_loop(0, ROWS_PER_W // ROWS_BLK, blk_body, 0)


@jax.jit
def _sc_topk(nd2d):
    mesh = plsc.VectorSubcoreMesh(core_axis_name="c", subcore_axis_name="s")
    f = functools.partial(
        pl.kernel,
        out_type=jax.ShapeDtypeStruct((B * N, K), jnp.int32),
        mesh=mesh,
        compiler_params=pltpu.CompilerParams(needs_layout_passes=False),
        scratch_types=[
            pltpu.VMEM((ROWS_BLK, N), jnp.float32),
            pltpu.VMEM((ROWS_BLK, K), jnp.int32),
            pltpu.VMEM((SV,), jnp.float32),
            pltpu.VMEM((SV,), jnp.int32),
        ],
    )(_sc_topk_body)
    return f(nd2d)


def _topk_idx(nd):
    idx2d = _sc_topk(nd.reshape(B * N, N))
    return idx2d.reshape(B, N, K)


def _edge_layer(tab, W1, g1, b1, W2, g2, b2):
    nd = _neg_dist(tab)
    idx = _topk_idx(nd)
    idx_r = idx.transpose(0, 2, 1).reshape(B, K, N // TILE_N, TILE_N)
    idx_r = idx_r.transpose(0, 2, 1, 3).reshape(B * (N // TILE_N), 1, S_TILE)
    y1, stats1 = _k3(tab, idx_r, W1)
    a1, stats2 = _k4(y1, stats1, g1, b1, W2)
    return _k5(a1, stats2, W2, g2, b2)


def kernel(x, W1_0, g1_0, b1_0, W2_0, g2_0, b2_0, W1_1, g1_1, b1_1, W2_1, g2_1, b2_1):
    h = _edge_layer(x, W1_0, g1_0, b1_0, W2_0, g2_0, b2_0)
    h = _edge_layer(h, W1_1, g1_1, b1_1, W2_1, g2_1, b2_1)
    return h

# --- scband reference (transcript-rebuilt; emitter-appended) ---
"""Pipeline reference for scband-simplified-edge-conv-block-17145509446494 (READ-ONLY COPY).

The authoritative reference and input builder live on the scoring server;
editing this copy changes nothing except your own understanding.
"""

import jax, jax.numpy as jnp
import numpy as np


def _bn(y, gamma, beta, eps=1e-5):
    mean = jnp.mean(y, axis=(0, 2, 3), keepdims=True)
    var = jnp.var(y, axis=(0, 2, 3), keepdims=True)
    yhat = (y - mean) / jnp.sqrt(var + eps)
    return yhat * gamma[None, :, None, None] + beta[None, :, None, None]


def _leaky(y):
    return jnp.where(y >= 0, y, 0.2 * y)


def _knn(xt, k):
    # xt: [B, N, C] -> idx [B, N, k] of nearest neighbors (incl. self)
    inner = -2.0 * jnp.einsum('bnc,bmc->bnm', xt, xt)
    xx = jnp.sum(xt * xt, axis=-1)
    neg_dist = -xx[:, :, None] - inner - xx[:, None, :]
    _, idx = jax.lax.top_k(neg_dist, k)
    return idx


def _group_center_diff(x, k):
    # x: [B, C, N] -> grouped [B, 2C, N, k]
    xt = jnp.transpose(x, (0, 2, 1))  # [B, N, C]
    idx = _knn(xt, k)  # [B, N, k]
    feat = jax.vmap(lambda pts, i: pts[i])(xt, idx)  # [B, N, k, C] gather
    center = xt[:, :, None, :]  # [B, N, 1, C]
    g = jnp.concatenate([jnp.broadcast_to(center, feat.shape), feat - center], axis=-1)
    return jnp.transpose(g, (0, 3, 1, 2))  # [B, 2C, N, k]


def _edgeconv(x, k, W1, g1, b1, W2, g2, b2):
    g = _group_center_diff(x, k)
    y = jnp.einsum('oc,bcnk->bonk', W1, g)
    y = _leaky(_bn(y, g1, b1))
    y = jnp.einsum('oc,bcnk->bonk', W2, y)
    y = _leaky(_bn(y, g2, b2))
    return jnp.max(y, axis=-1)  # [B, Cout, N]


def setup_inputs(seed: int = 0):
    key = jax.random.key(seed)
    ks = jax.random.split(key, 8)
    x = jax.random.normal(ks[0], (8, 3, 1024), dtype=jnp.float32)

    def w(k, o, i):
        return jax.random.normal(k, (o, i), dtype=jnp.float32) * (1.0 / np.sqrt(i))

    return {
        'x': x,
        'W1_0': w(ks[1], 64, 6),
        'g1_0': jnp.ones((64,), jnp.float32),
        'b1_0': jnp.zeros((64,), jnp.float32),
        'W2_0': w(ks[2], 64, 64),
        'g2_0': jnp.ones((64,), jnp.float32),
        'b2_0': jnp.zeros((64,), jnp.float32),
        'W1_1': w(ks[3], 64, 128),
        'g1_1': jnp.ones((64,), jnp.float32),
        'b1_1': jnp.zeros((64,), jnp.float32),
        'W2_1': w(ks[4], 64, 64),
        'g2_1': jnp.ones((64,), jnp.float32),
        'b2_1': jnp.zeros((64,), jnp.float32),
    }


def reference(x, W1_0, g1_0, b1_0, W2_0, g2_0, b2_0, W1_1, g1_1, b1_1, W2_1, g2_1, b2_1):
    h = _edgeconv(x, 32, W1_0, g1_0, b1_0, W2_0, g2_0, b2_0)
    h = _edgeconv(h, 32, W1_1, g1_1, b1_1, W2_1, g2_1, b2_1)
    return h

if __name__ == "__main__":
    import jax
    _d = setup_inputs()
    print(jax.jit(kernel)(*tuple(_d.values())))

</pallas_src>

<mosaic_0001>
#map = affine_map<(d0, d1) -> (0, 0)>
module attributes {stable_mosaic.version = 14 : i64} {
  func.func @_sc_topk_body(%arg0: i32, %arg1: i32, %arg2: memref<8192x1024xf32, #tpu.memory_space<hbm>>, %arg3: memref<8192x32xi32, #tpu.memory_space<hbm>>, %arg4: memref<8x1024xf32, #tpu.memory_space<vmem>>, %arg5: memref<8x32xi32, #tpu.memory_space<vmem>>, %arg6: memref<1056xf32, #tpu.memory_space<vmem>>, %arg7: memref<1056xi32, #tpu.memory_space<vmem>>) attributes {dimension_semantics = [#tpu.dimension_semantics<core_parallel>, #tpu.dimension_semantics<subcore_parallel>], iteration_bounds = array<i64: 2, 16>, scalar_prefetch = 0 : i64, scratch_operands = 4 : i64, tpu.core_type = #tpu.core_type<sc_vector_subcore>, window_params = [{transform_indices = #map}, {transform_indices = #map}]} {
    %mul3A = arith.constant 2 : i32
    %mul3A_0 = arith.muli %arg1, %mul3A : i32
    %add3A = arith.addi %mul3A_0, %arg0 : i32
    %mul3A_1 = arith.constant 256 : i32
    %mul3A_2 = arith.muli %add3A, %mul3A_1 : i32
    %iota3A = tpu.iota {dimensions = array<i32: 0>} : vector<16xi32>
    %broadcast_in_dim3A = arith.constant 0xFF800000 : f32
    %broadcast_in_dim3A_3 = vector.broadcast %broadcast_in_dim3A : f32 to vector<16xf32>
    %scan3A = arith.constant 0 : i32
    %scan3A_4 = arith.constant 0 : i32
    %scan3A_5 = arith.constant 32 : i32
    %scan3A_6 = arith.addi %scan3A_4, %scan3A_5 : i32
    %scan3A_7 = arith.constant 1 : i32
    %scan3A_8 = scf.for %scan3A_10 = %scan3A_4 to %scan3A_6 step %scan3A_7 iter_args(%scan3A_11 = %scan3A) -> (i32)  : i32 {
      %mul3A_12 = arith.constant 8 : i32
      %mul3A_13 = arith.muli %scan3A_10, %mul3A_12 : i32
      %add3A_14 = arith.addi %mul3A_2, %mul3A_13 : i32
      "tpu.region"() ({
        %run_scoped3A = tpu.sem_alloc : memref<!tpu.dma_semaphore, #tpu.memory_space<semaphore_mem>>
        %dma_start3A = arith.constant 0 : i32
        %dma_start3A_23 = tpu.memref_slice %arg2[%add3A_14, %dma_start3A] : memref<8192x1024xf32, #tpu.memory_space<hbm>> -> memref<8x1024xf32, #tpu.memory_space<hbm>>
        %dma_start3A_24 = arith.constant 0 : i32
        %dma_start3A_25 = tpu.memref_slice %arg2[%add3A_14, %dma_start3A_24] : memref<8192x1024xf32, #tpu.memory_space<hbm>> -> memref<8x1024xf32, #tpu.memory_space<hbm>>
        tpu.enqueue_dma source(%dma_start3A_25 : memref<8x1024xf32, #tpu.memory_space<hbm>>) target(%arg4 : memref<8x1024xf32, #tpu.memory_space<vmem>>) target_semaphore(%run_scoped3A : memref<!tpu.dma_semaphore, #tpu.memory_space<semaphore_mem>>)
        %dma_wait3A = arith.constant 0 : i32
        %dma_wait3A_26 = tpu.memref_slice %arg2[%add3A_14, %dma_wait3A] : memref<8192x1024xf32, #tpu.memory_space<hbm>> -> memref<8x1024xf32, #tpu.memory_space<hbm>>
        %dma_wait3A_27 = arith.constant 0 : i32
        %dma_wait3A_28 = tpu.memref_slice %arg2[%add3A_14, %dma_wait3A_27] : memref<8192x1024xf32, #tpu.memory_space<hbm>> -> memref<8x1024xf32, #tpu.memory_space<hbm>>
        tpu.wait_dma2 semaphore(%run_scoped3A : memref<!tpu.dma_semaphore, #tpu.memory_space<semaphore_mem>>) src(%dma_wait3A_28 : memref<8x1024xf32, #tpu.memory_space<hbm>>) dst(%arg4 : memref<8x1024xf32, #tpu.memory_space<vmem>>)
        tpu.yield
      }) : () -> ()
      %scan3A_15 = arith.constant 0 : i32
      %scan3A_16 = arith.constant 0 : i32
      %scan3A_17 = arith.constant 8 : i32
      %scan3A_18 = arith.addi %scan3A_16, %scan3A_17 : i32
      %scan3A_19 = arith.constant 1 : i32
      %scan3A_20 = scf.for %scan3A_23 = %scan3A_16 to %scan3A_18 step %scan3A_19 iter_args(%scan3A_24 = %scan3A_15) -> (i32)  : i32 {
        %get3A = arith.index_cast %scan3A_23 : i32 to index
        %get3A_25 = arith.constant 0 : index
        %get3A_26 = tpu.vector_load %arg4[%get3A, %get3A_25] {strides = array<i32>} : memref<8x1024xf32, #tpu.memory_space<vmem>>, vector<16xf32>,
        %get3A_27 = arith.index_cast %scan3A_23 : i32 to index
        %get3A_28 = arith.constant 16 : index
        %get3A_29 = tpu.vector_load %arg4[%get3A_27, %get3A_28] {strides = array<i32>} : memref<8x1024xf32, #tpu.memory_space<vmem>>, vector<16xf32>,
        %max3A = arith.maximumf %get3A_26, %get3A_29 : vector<16xf32>
        %get3A_30 = arith.index_cast %scan3A_23 : i32 to index
        %get3A_31 = arith.constant 32 : index
        %get3A_32 = tpu.vector_load %arg4[%get3A_30, %get3A_31] {strides = array<i32>} : memref<8x1024xf32, #tpu.memory_space<vmem>>, vector<16xf32>,
        %max3A_33 = arith.maximumf %max3A, %get3A_32 : vector<16xf32>
        %get3A_34 = arith.index_cast %scan3A_23 : i32 to index
        %get3A_35 = arith.constant 48 : index
        %get3A_36 = tpu.vector_load %arg4[%get3A_34, %get3A_35] {strides = array<i32>} : memref<8x1024xf32, #tpu.memory_space<vmem>>, vector<16xf32>,
        %max3A_37 = arith.maximumf %max3A_33, %get3A_36 : vector<16xf32>
        %get3A_38 = arith.index_cast %scan3A_23 : i32 to index
        %get3A_39 = arith.constant 64 : index
        %get3A_40 = tpu.vector_load %arg4[%get3A_38, %get3A_39] {strides = array<i32>} : memref<8x1024xf32, #tpu.memory_space<vmem>>, vector<16xf32>,
        %max3A_41 = arith.maximumf %max3A_37, %get3A_40 : vector<16xf32>
        %get3A_42 = arith.index_cast %scan3A_23 : i32 to index
        %get3A_43 = arith.constant 80 : index
        %get3A_44 = tpu.vector_load %arg4[%get3A_42, %get3A_43] {strides = array<i32>} : memref<8x1024xf32, #tpu.memory_space<vmem>>, vector<16xf32>,
        %max3A_45 = arith.maximumf %max3A_41, %get3A_44 : vector<16xf32>
        %get3A_46 = arith.index_cast %scan3A_23 : i32 to index
        %get3A_47 = arith.constant 96 : index
        %get3A_48 = tpu.vector_load %arg4[%get3A_46, %get3A_47] {strides = array<i32>} : memref<8x1024xf32, #tpu.memory_space<vmem>>, vector<16xf32>,
        %max3A_49 = arith.maximumf %max3A_45, %get3A_48 : vector<16xf32>
        %get3A_50 = arith.index_cast %scan3A_23 : i32 to index
        %get3A_51 = arith.constant 112 : index
        %get3A_52 = tpu.vector_load %arg4[%get3A_50, %get3A_51] {strides = array<i32>} : memref<8x1024xf32, #tpu.memory_space<vmem>>, vector<16xf32>,
        %max3A_53 = arith.maximumf %max3A_49, %get3A_52 : vector<16xf32>
        %get3A_54 = arith.index_cast %scan3A_23 : i32 to index
        %get3A_55 = arith.constant 128 : index
        %get3A_56 = tpu.vector_load %arg4[%get3A_54, %get3A_55] {strides = array<i32>} : memref<8x1024xf32, #tpu.memory_space<vmem>>, vector<16xf32>,
        %max3A_57 = arith.maximumf %max3A_53, %get3A_56 : vector<16xf32>
        %get3A_58 = arith.index_cast %scan3A_23 : i32 to index
        %get3A_59 = arith.constant 144 : index
        %get3A_60 = tpu.vector_load %arg4[%get3A_58, %get3A_59] {strides = array<i32>} : memref<8x1024xf32, #tpu.memory_space<vmem>>, vector<16xf32>,
        %max3A_61 = arith.maximumf %max3A_57, %get3A_60 : vector<16xf32>
        %get3A_62 = arith.index_cast %scan3A_23 : i32 to index
        %get3A_63 = arith.constant 160 : index
        %get3A_64 = tpu.vector_load %arg4[%get3A_62, %get3A_63] {strides = array<i32>} : memref<8x1024xf32, #tpu.memory_space<vmem>>, vector<16xf32>,
        %max3A_65 = arith.maximumf %max3A_61, %get3A_64 : vector<16xf32>
        %get3A_66 = arith.index_cast %scan3A_23 : i32 to index
        %get3A_67 = arith.constant 176 : index
        %get3A_68 = tpu.vector_load %arg4[%get3A_66, %get3A_67] {strides = array<i32>} : memref<8x1024xf32, #tpu.memory_space<vmem>>, vector<16xf32>,
        %max3A_69 = arith.maximumf %max3A_65, %get3A_68 : vector<16xf32>
        %get3A_70 = arith.index_cast %scan3A_23 : i32 to index
        %get3A_71 = arith.constant 192 : index
        %get3A_72 = tpu.vector_load %arg4[%get3A_70, %get3A_71] {strides = array<i32>} : memref<8x1024xf32, #tpu.memory_space<vmem>>, vector<16xf32>,
        %max3A_73 = arith.maximumf %max3A_69, %get3A_72 : vector<16xf32>
        %get3A_74 = arith.index_cast %scan3A_23 : i32 to index
        %get3A_75 = arith.constant 208 : index
        %get3A_76 = tpu.vector_load %arg4[%get3A_74, %get3A_75] {strides = array<i32>} : memref<8x1024xf32, #tpu.memory_space<vmem>>, vector<16xf32>,
        %max3A_77 = arith.maximumf %max3A_73, %get3A_76 : vector<16xf32>
        %get3A_78 = arith.index_cast %scan3A_23 : i32 to index
        %get3A_79 = arith.constant 224 : index
        %get3A_80 = tpu.vector_load %arg4[%get3A_78, %get3A_79] {strides = array<i32>} : memref<8x1024xf32, #tpu.memory_space<vmem>>, vector<16xf32>,
        %max3A_81 = arith.maximumf %max3A_77, %get3A_80 : vector<16xf32>
        %get3A_82 = arith.index_cast %scan3A_23 : i32 to index
        %get3A_83 = arith.constant 240 : index
        %get3A_84 = tpu.vector_load %arg4[%get3A_82, %get3A_83] {strides = array<i32>} : memref<8x1024xf32, #tpu.memory_space<vmem>>, vector<16xf32>,
        %max3A_85 = arith.maximumf %max3A_81, %get3A_84 : vector<16xf32>
        %masked_sort3A = arith.constant dense<true> : vector<16xi1>
        %masked_sort3A_86, %masked_sort3A_87, %masked_sort3A_88 = tpu.sort %max3A_85, %iota3A masked %masked_sort3A {descending = true} : (vector<16xf32>, vector<16xi32>, vector<16xi1>) -> (vector<16xi1>, vector<16xf32>, vector<16xi32>)
        %get3A_89 = arith.index_cast %scan3A_23 : i32 to index
        %get3A_90 = arith.constant 256 : index
        %get3A_91 = tpu.vector_load %arg4[%get3A_89, %get3A_90] {strides = array<i32>} : memref<8x1024xf32, #tpu.memory_space<vmem>>, vector<16xf32>,
        %get3A_92 = arith.index_cast %scan3A_23 : i32 to index
        %get3A_93 = arith.constant 272 : index
        %get3A_94 = tpu.vector_load %arg4[%get3A_92, %get3A_93] {strides = array<i32>} : memref<8x1024xf32, #tpu.memory_space<vmem>>, vector<16xf32>,
        %max3A_95 = arith.maximumf %get3A_91, %get3A_94 : vector<16xf32>
        %get3A_96 = arith.index_cast %scan3A_23 : i32 to index
        %get3A_97 = arith.constant 288 : index
        %get3A_98 = tpu.vector_load %arg4[%get3A_96, %get3A_97] {strides = array<i32>} : memref<8x1024xf32, #tpu.memory_space<vmem>>, vector<16xf32>,
        %max3A_99 = arith.maximumf %max3A_95, %get3A_98 : vector<16xf32>
        %get3A_100 = arith.index_cast %scan3A_23 : i32 to index
        %get3A_101 = arith.constant 304 : index
        %get3A_102 = tpu.vector_load %arg4[%get3A_100, %get3A_101] {strides = array<i32>} : memref<8x1024xf32, #tpu.memory_space<vmem>>, vector<16xf32>,
        %max3A_103 = arith.maximumf %max3A_99, %get3A_102 : vector<16xf32>
        %get3A_104 = arith.index_cast %scan3A_23 : i32 to index
        %get3A_105 = arith.constant 320 : index
        %get3A_106 = tpu.vector_load %arg4[%get3A_104, %get3A_105] {strides = array<i32>} : memref<8x1024xf32, #tpu.memory_space<vmem>>, vector<16xf32>,
        %max3A_107 = arith.maximumf %max3A_103, %get3A_106 : vector<16xf32>
        %get3A_108 = arith.index_cast %scan3A_23 : i32 to index
        %get3A_109 = arith.constant 336 : index
        %get3A_110 = tpu.vector_load %arg4[%get3A_108, %get3A_109] {strides = array<i32>} : memref<8x1024xf32, #tpu.memory_space<vmem>>, vector<16xf32>,
        %max3A_111 = arith.maximumf %max3A_107, %get3A_110 : vector<16xf32>
        %get3A_112 = arith.index_cast %scan3A_23 : i32 to index
        %get3A_113 = arith.constant 352 : index
        %get3A_114 = tpu.vector_load %arg4[%get3A_112, %get3A_113] {strides = array<i32>} : memref<8x1024xf32, #tpu.memory_space<vmem>>, vector<16xf32>,
        %max3A_115 = arith.maximumf %max3A_111, %get3A_114 : vector<16xf32>
        %get3A_116 = arith.index_cast %scan3A_23 : i32 to index
        %get3A_117 = arith.constant 368 : index
        %get3A_118 = tpu.vector_load %arg4[%get3A_116, %get3A_117] {strides = array<i32>} : memref<8x1024xf32, #tpu.memory_space<vmem>>, vector<16xf32>,
        %max3A_119 = arith.maximumf %max3A_115, %get3A_118 : vector<16xf32>
        %get3A_120 = arith.index_cast %scan3A_23 : i32 to index
        %get3A_121 = arith.constant 384 : index
        %get3A_122 = tpu.vector_load %arg4[%get3A_120, %get3A_121] {strides = array<i32>} : memref<8x1024xf32, #tpu.memory_space<vmem>>, vector<16xf32>,
        %max3A_123 = arith.maximumf %max3A_119, %get3A_122 : vector<16xf32>
        %get3A_124 = arith.index_cast %scan3A_23 : i32 to index
        %get3A_125 = arith.constant 400 : index
        %get3A_126 = tpu.vector_load %arg4[%get3A_124, %get3A_125] {strides = array<i32>} : memref<8x1024xf32, #tpu.memory_space<vmem>>, vector<16xf32>,
        %max3A_127 = arith.maximumf %max3A_123, %get3A_126 : vector<16xf32>
        %get3A_128 = arith.index_cast %scan3A_23 : i32 to index
        %get3A_129 = arith.constant 416 : index
        %get3A_130 = tpu.vector_load %arg4[%get3A_128, %get3A_129] {strides = array<i32>} : memref<8x1024xf32, #tpu.memory_space<vmem>>, vector<16xf32>,
        %max3A_131 = arith.maximumf %max3A_127, %get3A_130 : vector<16xf32>
        %get3A_132 = arith.index_cast %scan3A_23 : i32 to index
        %get3A_133 = arith.constant 432 : index
        %get3A_134 = tpu.vector_load %arg4[%get3A_132, %get3A_133] {strides = array<i32>} : memref<8x1024xf32, #tpu.memory_space<vmem>>, vector<16xf32>,
        %max3A_135 = arith.maximumf %max3A_131, %get3A_134 : vector<16xf32>
        %get3A_136 = arith.index_cast %scan3A_23 : i32 to index
        %get3A_137 = arith.constant 448 : index
        %get3A_138 = tpu.vector_load %arg4[%get3A_136, %get3A_137] {strides = array<i32>} : memref<8x1024xf32, #tpu.memory_space<vmem>>, vector<16xf32>,
        %max3A_139 = arith.maximumf %max3A_135, %get3A_138 : vector<16xf32>
        %get3A_140 = arith.index_cast %scan3A_23 : i32 to index
        %get3A_141 = arith.constant 464 : index
        %get3A_142 = tpu.vector_load %arg4[%get3A_140, %get3A_141] {strides = array<i32>} : memref<8x1024xf32, #tpu.memory_space<vmem>>, vector<16xf32>,
        %max3A_143 = arith.maximumf %max3A_139, %get3A_142 : vector<16xf32>
        %get3A_144 = arith.index_cast %scan3A_23 : i32 to index
        %get3A_145 = arith.constant 480 : index
        %get3A_146 = tpu.vector_load %arg4[%get3A_144, %get3A_145] {strides = array<i32>} : memref<8x1024xf32, #tpu.memory_space<vmem>>, vector<16xf32>,
        %max3A_147 = arith.maximumf %max3A_143, %get3A_146 : vector<16xf32>
        %get3A_148 = arith.index_cast %scan3A_23 : i32 to index
        %get3A_149 = arith.constant 496 : index
        %get3A_150 = tpu.vector_load %arg4[%get3A_148, %get3A_149] {strides = array<i32>} : memref<8x1024xf32, #tpu.memory_space<vmem>>, vector<16xf32>,
        %max3A_151 = arith.maximumf %max3A_147, %get3A_150 : vector<16xf32>
        %masked_sort3A_152 = arith.constant dense<true> : vector<16xi1>
        %masked_sort3A_153, %masked_sort3A_154, %masked_sort3A_155 = tpu.sort %max3A_151, %iota3A masked %masked_sort3A_152 {descending = true} : (vector<16xf32>, vector<16xi32>, vector<16xi1>) -> (vector<16xi1>, vector<16xf32>, vector<16xi32>)
        %get3A_156 = arith.index_cast %scan3A_23 : i32 to index
        %get3A_157 = arith.constant 512 : index
        %get3A_158 = tpu.vector_load %arg4[%get3A_156, %get3A_157] {strides = array<i32>} : memref<8x1024xf32, #tpu.memory_space<vmem>>, vector<16xf32>,
        %get3A_159 = arith.index_cast %scan3A_23 : i32 to index
        %get3A_160 = arith.constant 528 : index
        %get3A_161 = tpu.vector_load %arg4[%get3A_159, %get3A_160] {strides = array<i32>} : memref<8x1024xf32, #tpu.memory_space<vmem>>, vector<16xf32>,
        %max3A_162 = arith.maximumf %get3A_158, %get3A_161 : vector<16xf32>
        %get3A_163 = arith.index_cast %scan3A_23 : i32 to index
        %get3A_164 = arith.constant 544 : index
        %get3A_165 = tpu.vector_load %arg4[%get3A_163, %get3A_164] {strides = array<i32>} : memref<8x1024xf32, #tpu.memory_space<vmem>>, vector<16xf32>,
        %max3A_166 = arith.maximumf %max3A_162, %get3A_165 : vector<16xf32>
        %get3A_167 = arith.index_cast %scan3A_23 : i32 to index
        %get3A_168 = arith.constant 560 : index
        %get3A_169 = tpu.vector_load %arg4[%get3A_167, %get3A_168] {strides = array<i32>} : memref<8x1024xf32, #tpu.memory_space<vmem>>, vector<16xf32>,
        %max3A_170 = arith.maximumf %max3A_166, %get3A_169 : vector<16xf32>
        %get3A_171 = arith.index_cast %scan3A_23 : i32 to index
        %get3A_172 = arith.constant 576 : index
        %get3A_173 = tpu.vector_load %arg4[%get3A_171, %get3A_172] {strides = array<i32>} : memref<8x1024xf32, #tpu.memory_space<vmem>>, vector<16xf32>,
        %max3A_174 = arith.maximumf %max3A_170, %get3A_173 : vector<16xf32>
        %get3A_175 = arith.index_cast %scan3A_23 : i32 to index
        %get3A_176 = arith.constant 592 : index
        %get3A_177 = tpu.vector_load %arg4[%get3A_175, %get3A_176] {strides = array<i32>} : memref<8x1024xf32, #tpu.memory_space<vmem>>, vector<16xf32>,
        %max3A_178 = arith.maximumf %max3A_174, %get3A_177 : vector<16xf32>
        %get3A_179 = arith.index_cast %scan3A_23 : i32 to index
        %get3A_180 = arith.constant 608 : index
        %get3A_181 = tpu.vector_load %arg4[%get3A_179, %get3A_180] {strides = array<i32>} : memref<8x1024xf32, #tpu.memory_space<vmem>>, vector<16xf32>,
        %max3A_182 = arith.maximumf %max3A_178, %get3A_181 : vector<16xf32>
        %get3A_183 = arith.index_cast %scan3A_23 : i32 to index
        %get3A_184 = arith.constant 624 : index
        %get3A_185 = tpu.vector_load %arg4[%get3A_183, %get3A_184] {strides = array<i32>} : memref<8x1024xf32, #tpu.memory_space<vmem>>, vector<16xf32>,
        %max3A_186 = arith.maximumf %max3A_182, %get3A_185 : vector<16xf32>
        %get3A_187 = arith.index_cast %scan3A_23 : i32 to index
        %get3A_188 = arith.constant 640 : index
        %get3A_189 = tpu.vector_load %arg4[%get3A_187, %get3A_188] {strides = array<i32>} : memref<8x1024xf32, #tpu.memory_space<vmem>>, vector<16xf32>,
        %max3A_190 = arith.maximumf %max3A_186, %get3A_189 : vector<16xf32>
        %get3A_191 = arith.index_cast %scan3A_23 : i32 to index
        %get3A_192 = arith.constant 656 : index
        %get3A_193 = tpu.vector_load %arg4[%get3A_191, %get3A_192] {strides = array<i32>} : memref<8x1024xf32, #tpu.memory_space<vmem>>, vector<16xf32>,
        %max3A_194 = arith.maximumf %max3A_190, %get3A_193 : vector<16xf32>
        %get3A_195 = arith.index_cast %scan3A_23 : i32 to index
        %get3A_196 = arith.constant 672 : index
        %get3A_197 = tpu.vector_load %arg4[%get3A_195, %get3A_196] {strides = array<i32>} : memref<8x1024xf32, #tpu.memory_space<vmem>>, vector<16xf32>,
        %max3A_198 = arith.maximumf %max3A_194, %get3A_197 : vector<16xf32>
        %get3A_199 = arith.index_cast %scan3A_23 : i32 to index
        %get3A_200 = arith.constant 688 : index
        %get3A_201 = tpu.vector_load %arg4[%get3A_199, %get3A_200] {strides = array<i32>} : memref<8x1024xf32, #tpu.memory_space<vmem>>, vector<16xf32>,
        %max3A_202 = arith.maximumf %max3A_198, %get3A_201 : vector<16xf32>
        %get3A_203 = arith.index_cast %scan3A_23 : i32 to index
        %get3A_204 = arith.constant 704 : index
        %get3A_205 = tpu.vector_load %arg4[%get3A_203, %get3A_204] {strides = array<i32>} : memref<8x1024xf32, #tpu.memory_space<vmem>>, vector<16xf32>,
        %max3A_206 = arith.maximumf %max3A_202, %get3A_205 : vector<16xf32>
        %get3A_207 = arith.index_cast %scan3A_23 : i32 to index
        %get3A_208 = arith.constant 720 : index
        %get3A_209 = tpu.vector_load %arg4[%get3A_207, %get3A_208] {strides = array<i32>} : memref<8x1024xf32, #tpu.memory_space<vmem>>, vector<16xf32>,
        %max3A_210 = arith.maximumf %max3A_206, %get3A_209 : vector<16xf32>
        %get3A_211 = arith.index_cast %scan3A_23 : i32 to index
        %get3A_212 = arith.constant 736 : index
        %get3A_213 = tpu.vector_load %arg4[%get3A_211, %get3A_212] {strides = array<i32>} : memref<8x1024xf32, #tpu.memory_space<vmem>>, vector<16xf32>,
        %max3A_214 = arith.maximumf %max3A_210, %get3A_213 : vector<16xf32>
        %get3A_215 = arith.index_cast %scan3A_23 : i32 to index
        %get3A_216 = arith.constant 752 : index
        %get3A_217 = tpu.vector_load %arg4[%get3A_215, %get3A_216] {strides = array<i32>} : memref<8x1024xf32, #tpu.memory_space<vmem>>, vector<16xf32>,
        %max3A_218 = arith.maximumf %max3A_214, %get3A_217 : vector<16xf32>
        %masked_sort3A_219 = arith.constant dense<true> : vector<16xi1>
        %masked_sort3A_220, %masked_sort3A_221, %masked_sort3A_222 = tpu.sort %max3A_218, %iota3A masked %masked_sort3A_219 {descending = true} : (vector<16xf32>, vector<16xi32>, vector<16xi1>) -> (vector<16xi1>, vector<16xf32>, vector<16xi32>)
        %get3A_223 = arith.index_cast %scan3A_23 : i32 to index
        %get3A_224 = arith.constant 768 : index
        %get3A_225 = tpu.vector_load %arg4[%get3A_223, %get3A_224] {strides = array<i32>} : memref<8x1024xf32, #tpu.memory_space<vmem>>, vector<16xf32>,
        %get3A_226 = arith.index_cast %scan3A_23 : i32 to index
        %get3A_227 = arith.constant 784 : index
        %get3A_228 = tpu.vector_load %arg4[%get3A_226, %get3A_227] {strides = array<i32>} : memref<8x1024xf32, #tpu.memory_space<vmem>>, vector<16xf32>,
        %max3A_229 = arith.maximumf %get3A_225, %get3A_228 : vector<16xf32>
        %get3A_230 = arith.index_cast %scan3A_23 : i32 to index
        %get3A_231 = arith.constant 800 : index
        %get3A_232 = tpu.vector_load %arg4[%get3A_230, %get3A_231] {strides = array<i32>} : memref<8x1024xf32, #tpu.memory_space<vmem>>, vector<16xf32>,
        %max3A_233 = arith.maximumf %max3A_229, %get3A_232 : vector<16xf32>
        %get3A_234 = arith.index_cast %scan3A_23 : i32 to index
        %get3A_235 = arith.constant 816 : index
        %get3A_236 = tpu.vector_load %arg4[%get3A_234, %get3A_235] {strides = array<i32>} : memref<8x1024xf32, #tpu.memory_space<vmem>>, vector<16xf32>,
        %max3A_237 = arith.maximumf %max3A_233, %get3A_236 : vector<16xf32>
        %get3A_238 = arith.index_cast %scan3A_23 : i32 to index
        %get3A_239 = arith.constant 832 : index
        %get3A_240 = tpu.vector_load %arg4[%get3A_238, %get3A_239] {strides = array<i32>} : memref<8x1024xf32, #tpu.memory_space<vmem>>, vector<16xf32>,
        %max3A_241 = arith.maximumf %max3A_237, %get3A_240 : vector<16xf32>
        %get3A_242 = arith.index_cast %scan3A_23 : i32 to index
        %get3A_243 = arith.constant 848 : index
        %get3A_244 = tpu.vector_load %arg4[%get3A_242, %get3A_243] {strides = array<i32>} : memref<8x1024xf32, #tpu.memory_space<vmem>>, vector<16xf32>,
        %max3A_245 = arith.maximumf %max3A_241, %get3A_244 : vector<16xf32>
        %get3A_246 = arith.index_cast %scan3A_23 : i32 to index
        %get3A_247 = arith.constant 864 : index
        %get3A_248 = tpu.vector_load %arg4[%get3A_246, %get3A_247] {strides = array<i32>} : memref<8x1024xf32, #tpu.memory_space<vmem>>, vector<16xf32>,
        %max3A_249 = arith.maximumf %max3A_245, %get3A_248 : vector<16xf32>
        %get3A_250 = arith.index_cast %scan3A_23 : i32 to index
        %get3A_251 = arith.constant 880 : index
        %get3A_252 = tpu.vector_load %arg4[%get3A_250, %get3A_251] {strides = array<i32>} : memref<8x1024xf32, #tpu.memory_space<vmem>>, vector<16xf32>,
        %max3A_253 = arith.maximumf %max3A_249, %get3A_252 : vector<16xf32>
        %get3A_254 = arith.index_cast %scan3A_23 : i32 to index
        %get3A_255 = arith.constant 896 : index
        %get3A_256 = tpu.vector_load %arg4[%get3A_254, %get3A_255] {strides = array<i32>} : memref<8x1024xf32, #tpu.memory_space<vmem>>, vector<16xf32>,
        %max3A_257 = arith.maximumf %max3A_253, %get3A_256 : vector<16xf32>
        %get3A_258 = arith.index_cast %scan3A_23 : i32 to index
        %get3A_259 = arith.constant 912 : index
        %get3A_260 = tpu.vector_load %arg4[%get3A_258, %get3A_259] {strides = array<i32>} : memref<8x1024xf32, #tpu.memory_space<vmem>>, vector<16xf32>,
        %max3A_261 = arith.maximumf %max3A_257, %get3A_260 : vector<16xf32>
        %get3A_262 = arith.index_cast %scan3A_23 : i32 to index
        %get3A_263 = arith.constant 928 : index
        %get3A_264 = tpu.vector_load %arg4[%get3A_262, %get3A_263] {strides = array<i32>} : memref<8x1024xf32, #tpu.memory_space<vmem>>, vector<16xf32>,
        %max3A_265 = arith.maximumf %max3A_261, %get3A_264 : vector<16xf32>
        %get3A_266 = arith.index_cast %scan3A_23 : i32 to index
        %get3A_267 = arith.constant 944 : index
        %get3A_268 = tpu.vector_load %arg4[%get3A_266, %get3A_267] {strides = array<i32>} : memref<8x1024xf32, #tpu.memory_space<vmem>>, vector<16xf32>,
        %max3A_269 = arith.maximumf %max3A_265, %get3A_268 : vector<16xf32>
        %get3A_270 = arith.index_cast %scan3A_23 : i32 to index
        %get3A_271 = arith.constant 960 : index
        %get3A_272 = tpu.vector_load %arg4[%get3A_270, %get3A_271] {strides = array<i32>} : memref<8x1024xf32, #tpu.memory_space<vmem>>, vector<16xf32>,
        %max3A_273 = arith.maximumf %max3A_269, %get3A_272 : vector<16xf32>
        %get3A_274 = arith.index_cast %scan3A_23 : i32 to index
        %get3A_275 = arith.constant 976 : index
        %get3A_276 = tpu.vector_load %arg4[%get3A_274, %get3A_275] {strides = array<i32>} : memref<8x1024xf32, #tpu.memory_space<vmem>>, vector<16xf32>,
        %max3A_277 = arith.maximumf %max3A_273, %get3A_276 : vector<16xf32>
        %get3A_278 = arith.index_cast %scan3A_23 : i32 to index
        %get3A_279 = arith.constant 992 : index
        %get3A_280 = tpu.vector_load %arg4[%get3A_278, %get3A_279] {strides = array<i32>} : memref<8x1024xf32, #tpu.memory_space<vmem>>, vector<16xf32>,
        %max3A_281 = arith.maximumf %max3A_277, %get3A_280 : vector<16xf32>
        %get3A_282 = arith.index_cast %scan3A_23 : i32 to index
        %get3A_283 = arith.constant 1008 : index
        %get3A_284 = tpu.vector_load %arg4[%get3A_282, %get3A_283] {strides = array<i32>} : memref<8x1024xf32, #tpu.memory_space<vmem>>, vector<16xf32>,
        %max3A_285 = arith.maximumf %max3A_281, %get3A_284 : vector<16xf32>
        %masked_sort3A_286 = arith.constant dense<true> : vector<16xi1>
        %masked_sort3A_287, %masked_sort3A_288, %masked_sort3A_289 = tpu.sort %max3A_285, %iota3A masked %masked_sort3A_286 {descending = true} : (vector<16xf32>, vector<16xi32>, vector<16xi1>) -> (vector<16xi1>, vector<16xf32>, vector<16xi32>)
        %rev3A = arith.constant 15 : i32
        %rev3A_290 = vector.broadcast %rev3A : i32 to vector<16xi32>
        %rev3A_291 = tpu.iota {dimensions = array<i32: 0>} : vector<16xi32>
        %rev3A_292 = arith.subi %rev3A_290, %rev3A_291 : vector<16xi32>
        %rev3A_293 = tpu.dynamic_gather %masked_sort3A_154[%rev3A_292] in [0] : vector<16xf32>, vector<16xi32> -> vector<16xf32>
        %max3A_294 = arith.maximumf %masked_sort3A_87, %rev3A_293 : vector<16xf32>
        %min3A = arith.minimumf %masked_sort3A_87, %rev3A_293 : vector<16xf32>
        %iota3A_295 = tpu.iota {dimensions = array<i32: 0>} : vector<16xi32>
        %masked_sort3A_296 = arith.constant dense<true> : vector<16xi1>
        %masked_sort3A_297, %masked_sort3A_298, %masked_sort3A_299 = tpu.sort %max3A_294, %iota3A_295 masked %masked_sort3A_296 {descending = true} : (vector<16xf32>, vector<16xi32>, vector<16xi1>) -> (vector<16xi1>, vector<16xf32>, vector<16xi32>)
        %masked_sort3A_300 = arith.constant dense<true> : vector<16xi1>
        %masked_sort3A_301, %masked_sort3A_302, %masked_sort3A_303 = tpu.sort %min3A, %iota3A_295 masked %masked_sort3A_300 {descending = true} : (vector<16xf32>, vector<16xi32>, vector<16xi1>) -> (vector<16xi1>, vector<16xf32>, vector<16xi32>)
        %rev3A_304 = arith.constant 15 : i32
        %rev3A_305 = vector.broadcast %rev3A_304 : i32 to vector<16xi32>
        %rev3A_306 = tpu.iota {dimensions = array<i32: 0>} : vector<16xi32>
        %rev3A_307 = arith.subi %rev3A_305, %rev3A_306 : vector<16xi32>
        %rev3A_308 = tpu.dynamic_gather %masked_sort3A_288[%rev3A_307] in [0] : vector<16xf32>, vector<16xi32> -> vector<16xf32>
        %max3A_309 = arith.maximumf %masked_sort3A_221, %rev3A_308 : vector<16xf32>
        %min3A_310 = arith.minimumf %masked_sort3A_221, %rev3A_308 : vector<16xf32>
        %iota3A_311 = tpu.iota {dimensions = array<i32: 0>} : vector<16xi32>
        %masked_sort3A_312 = arith.constant dense<true> : vector<16xi1>
        %masked_sort3A_313, %masked_sort3A_314, %masked_sort3A_315 = tpu.sort %max3A_309, %iota3A_311 masked %masked_sort3A_312 {descending = true} : (vector<16xf32>, vector<16xi32>, vector<16xi1>) -> (vector<16xi1>, vector<16xf32>, vector<16xi32>)
        %masked_sort3A_316 = arith.constant dense<true> : vector<16xi1>
        %masked_sort3A_317, %masked_sort3A_318, %masked_sort3A_319 = tpu.sort %min3A_310, %iota3A_311 masked %masked_sort3A_316 {descending = true} : (vector<16xf32>, vector<16xi32>, vector<16xi1>) -> (vector<16xi1>, vector<16xf32>, vector<16xi32>)
        %rev3A_320 = arith.constant 15 : i32
        %rev3A_321 = vector.broadcast %rev3A_320 : i32 to vector<16xi32>
        %rev3A_322 = tpu.iota {dimensions = array<i32: 0>} : vector<16xi32>
        %rev3A_323 = arith.subi %rev3A_321, %rev3A_322 : vector<16xi32>
        %rev3A_324 = tpu.dynamic_gather %masked_sort3A_318[%rev3A_323] in [0] : vector<16xf32>, vector<16xi32> -> vector<16xf32>
        %max3A_325 = arith.maximumf %masked_sort3A_298, %rev3A_324 : vector<16xf32>
        %rev3A_326 = arith.constant 15 : i32
        %rev3A_327 = vector.broadcast %rev3A_326 : i32 to vector<16xi32>
        %rev3A_328 = tpu.iota {dimensions = array<i32: 0>} : vector<16xi32>
        %rev3A_329 = arith.subi %rev3A_327, %rev3A_328 : vector<16xi32>
        %rev3A_330 = tpu.dynamic_gather %masked_sort3A_314[%rev3A_329] in [0] : vector<16xf32>, vector<16xi32> -> vector<16xf32>
        %max3A_331 = arith.maximumf %masked_sort3A_302, %rev3A_330 : vector<16xf32>
        %min3A_332 = arith.minimumf %max3A_325, %max3A_331 : vector<16xf32>
        %reduce_min3A = arith.constant true
        %reduce_min3A_333 = vector.broadcast %reduce_min3A : i1 to vector<16xi1>
        %reduce_min3A_334 = tpu.scan <min>, %min3A_332 masked %reduce_min3A_333 : vector<16xf32>, vector<16xi1> -> vector<16xf32>
        %reduce_min3A_335 = vector.extract %reduce_min3A_334[15] : f32 from vector<16xf32>
        %get3A_336 = arith.index_cast %scan3A_23 : i32 to index
        %get3A_337 = arith.constant 0 : index
        %get3A_338 = tpu.vector_load %arg4[%get3A_336, %get3A_337] {strides = array<i32>} : memref<8x1024xf32, #tpu.memory_space<vmem>>, vector<16xf32>,
        %ge3A = vector.broadcast %reduce_min3A_335 : f32 to vector<16xf32>
        %ge3A_339 = arith.cmpf oge, %get3A_338, %ge3A : vector<16xf32>
        %all_reduce_population_count3A = tpu.all_reduce %ge3A_339 {dim = 0 : i64, kind = #tpu.reduction_kind<sum>} : vector<16xi1> -> vector<16xi32>
        %slice3A = vector.extract_strided_slice %all_reduce_population_count3A {offsets = [0], sizes = [1], strides = [1]} : vector<16xi32> to vector<1xi32>
        %squeeze3A = vector.extract %slice3A[0] : i32 from vector<1xi32>
        %get3A_340 = arith.index_cast %scan3A_23 : i32 to index
        %get3A_341 = arith.constant 16 : index
        %get3A_342 = tpu.vector_load %arg4[%get3A_340, %get3A_341] {strides = array<i32>} : memref<8x1024xf32, #tpu.memory_space<vmem>>, vector<16xf32>,
        %ge3A_343 = vector.broadcast %reduce_min3A_335 : f32 to vector<16xf32>
        %ge3A_344 = arith.cmpf oge, %get3A_342, %ge3A_343 : vector<16xf32>
        %all_reduce_population_count3A_345 = tpu.all_reduce %ge3A_344 {dim = 0 : i64, kind = #tpu.reduction_kind<sum>} : vector<16xi1> -> vector<16xi32>
        %slice3A_346 = vector.extract_strided_slice %all_reduce_population_count3A_345 {offsets = [0], sizes = [1], strides = [1]} : vector<16xi32> to vector<1xi32>
        %squeeze3A_347 = vector.extract %slice3A_346[0] : i32 from vector<1xi32>
        %get3A_348 = arith.index_cast %scan3A_23 : i32 to index
        %get3A_349 = arith.constant 32 : index
        %get3A_350 = tpu.vector_load %arg4[%get3A_348, %get3A_349] {strides = array<i32>} : memref<8x1024xf32, #tpu.memory_space<vmem>>, vector<16xf32>,
        %ge3A_351 = vector.broadcast %reduce_min3A_335 : f32 to vector<16xf32>
        %ge3A_352 = arith.cmpf oge, %get3A_350, %ge3A_351 : vector<16xf32>
        %all_reduce_population_count3A_353 = tpu.all_reduce %ge3A_352 {dim = 0 : i64, kind = #tpu.reduction_kind<sum>} : vector<16xi1> -> vector<16xi32>
        %slice3A_354 = vector.extract_strided_slice %all_reduce_population_count3A_353 {offsets = [0], sizes = [1], strides = [1]} : vector<16xi32> to vector<1xi32>
        %squeeze3A_355 = vector.extract %slice3A_354[0] : i32 from vector<1xi32>
        %get3A_356 = arith.index_cast %scan3A_23 : i32 to index
        %get3A_357 = arith.constant 48 : index
        %get3A_358 = tpu.vector_load %arg4[%get3A_356, %get3A_357] {strides = array<i32>} : memref<8x1024xf32, #tpu.memory_space<vmem>>, vector<16xf32>,
        %ge3A_359 = vector.broadcast %reduce_min3A_335 : f32 to vector<16xf32>
        %ge3A_360 = arith.cmpf oge, %get3A_358, %ge3A_359 : vector<16xf32>
        %all_reduce_population_count3A_361 = tpu.all_reduce %ge3A_360 {dim = 0 : i64, kind = #tpu.reduction_kind<sum>} : vector<16xi1> -> vector<16xi32>
        %slice3A_362 = vector.extract_strided_slice %all_reduce_population_count3A_361 {offsets = [0], sizes = [1], strides = [1]} : vector<16xi32> to vector<1xi32>
        %squeeze3A_363 = vector.extract %slice3A_362[0] : i32 from vector<1xi32>
        %get3A_364 = arith.index_cast %scan3A_23 : i32 to index
        %get3A_365 = arith.constant 64 : index
        %get3A_366 = tpu.vector_load %arg4[%get3A_364, %get3A_365] {strides = array<i32>} : memref<8x1024xf32, #tpu.memory_space<vmem>>, vector<16xf32>,
        %ge3A_367 = vector.broadcast %reduce_min3A_335 : f32 to vector<16xf32>
        %ge3A_368 = arith.cmpf oge, %get3A_366, %ge3A_367 : vector<16xf32>
        %all_reduce_population_count3A_369 = tpu.all_reduce %ge3A_368 {dim = 0 : i64, kind = #tpu.reduction_kind<sum>} : vector<16xi1> -> vector<16xi32>
        %slice3A_370 = vector.extract_strided_slice %all_reduce_population_count3A_369 {offsets = [0], sizes = [1], strides = [1]} : vector<16xi32> to vector<1xi32>
        %squeeze3A_371 = vector.extract %slice3A_370[0] : i32 from vector<1xi32>
        %get3A_372 = arith.index_cast %scan3A_23 : i32 to index
        %get3A_373 = arith.constant 80 : index
        %get3A_374 = tpu.vector_load %arg4[%get3A_372, %get3A_373] {strides = array<i32>} : memref<8x1024xf32, #tpu.memory_space<vmem>>, vector<16xf32>,
        %ge3A_375 = vector.broadcast %reduce_min3A_335 : f32 to vector<16xf32>
        %ge3A_376 = arith.cmpf oge, %get3A_374, %ge3A_375 : vector<16xf32>
        %all_reduce_population_count3A_377 = tpu.all_reduce %ge3A_376 {dim = 0 : i64, kind = #tpu.reduction_kind<sum>} : vector<16xi1> -> vector<16xi32>
        %slice3A_378 = vector.extract_strided_slice %all_reduce_population_count3A_377 {offsets = [0], sizes = [1], strides = [1]} : vector<16xi32> to vector<1xi32>
        %squeeze3A_379 = vector.extract %slice3A_378[0] : i32 from vector<1xi32>
        %get3A_380 = arith.index_cast %scan3A_23 : i32 to index
        %get3A_381 = arith.constant 96 : index
        %get3A_382 = tpu.vector_load %arg4[%get3A_380, %get3A_381] {strides = array<i32>} : memref<8x1024xf32, #tpu.memory_space<vmem>>, vector<16xf32>,
        %ge3A_383 = vector.broadcast %reduce_min3A_335 : f32 to vector<16xf32>
        %ge3A_384 = arith.cmpf oge, %get3A_382, %ge3A_383 : vector<16xf32>
        %all_reduce_population_count3A_385 = tpu.all_reduce %ge3A_384 {dim = 0 : i64, kind = #tpu.reduction_kind<sum>} : vector<16xi1> -> vector<16xi32>
        %slice3A_386 = vector.extract_strided_slice %all_reduce_population_count3A_385 {offsets = [0], sizes = [1], strides = [1]} : vector<16xi32> to vector<1xi32>
        %squeeze3A_387 = vector.extract %slice3A_386[0] : i32 from vector<1xi32>
        %get3A_388 = arith.index_cast %scan3A_23 : i32 to index
        %get3A_389 = arith.constant 112 : index
        %get3A_390 = tpu.vector_load %arg4[%get3A_388, %get3A_389] {strides = array<i32>} : memref<8x1024xf32, #tpu.memory_space<vmem>>, vector<16xf32>,
        %ge3A_391 = vector.broadcast %reduce_min3A_335 : f32 to vector<16xf32>
        %ge3A_392 = arith.cmpf oge, %get3A_390, %ge3A_391 : vector<16xf32>
        %all_reduce_population_count3A_393 = tpu.all_reduce %ge3A_392 {dim = 0 : i64, kind = #tpu.reduction_kind<sum>} : vector<16xi1> -> vector<16xi32>
        %slice3A_394 = vector.extract_strided_slice %all_reduce_population_count3A_393 {offsets = [0], sizes = [1], strides = [1]} : vector<16xi32> to vector<1xi32>
        %squeeze3A_395 = vector.extract %slice3A_394[0] : i32 from vector<1xi32>
        %get3A_396 = arith.index_cast %scan3A_23 : i32 to index
        %get3A_397 = arith.constant 128 : index
        %get3A_398 = tpu.vector_load %arg4[%get3A_396, %get3A_397] {strides = array<i32>} : memref<8x1024xf32, #tpu.memory_space<vmem>>, vector<16xf32>,
        %ge3A_399 = vector.broadcast %reduce_min3A_335 : f32 to vector<16xf32>
        %ge3A_400 = arith.cmpf oge, %get3A_398, %ge3A_399 : vector<16xf32>
        %all_reduce_population_count3A_401 = tpu.all_reduce %ge3A_400 {dim = 0 : i64, kind = #tpu.reduction_kind<sum>} : vector<16xi1> -> vector<16xi32>
        %slice3A_402 = vector.extract_strided_slice %all_reduce_population_count3A_401 {offsets = [0], sizes = [1], strides = [1]} : vector<16xi32> to vector<1xi32>
        %squeeze3A_403 = vector.extract %slice3A_402[0] : i32 from vector<1xi32>
        %get3A_404 = arith.index_cast %scan3A_23 : i32 to index
        %get3A_405 = arith.constant 144 : index
        %get3A_406 = tpu.vector_load %arg4[%get3A_404, %get3A_405] {strides = array<i32>} : memref<8x1024xf32, #tpu.memory_space<vmem>>, vector<16xf32>,
        %ge3A_407 = vector.broadcast %reduce_min3A_335 : f32 to vector<16xf32>
        %ge3A_408 = arith.cmpf oge, %get3A_406, %ge3A_407 : vector<16xf32>
        %all_reduce_population_count3A_409 = tpu.all_reduce %ge3A_408 {dim = 0 : i64, kind = #tpu.reduction_kind<sum>} : vector<16xi1> -> vector<16xi32>
        %slice3A_410 = vector.extract_strided_slice %all_reduce_population_count3A_409 {offsets = [0], sizes = [1], strides = [1]} : vector<16xi32> to vector<1xi32>
        %squeeze3A_411 = vector.extract %slice3A_410[0] : i32 from vector<1xi32>
        %get3A_412 = arith.index_cast %scan3A_23 : i32 to index
        %get3A_413 = arith.constant 160 : index
        %get3A_414 = tpu.vector_load %arg4[%get3A_412, %get3A_413] {strides = array<i32>} : memref<8x1024xf32, #tpu.memory_space<vmem>>, vector<16xf32>,
        %ge3A_415 = vector.broadcast %reduce_min3A_335 : f32 to vector<16xf32>
        %ge3A_416 = arith.cmpf oge, %get3A_414, %ge3A_415 : vector<16xf32>
        %all_reduce_population_count3A_417 = tpu.all_reduce %ge3A_416 {dim = 0 : i64, kind = #tpu.reduction_kind<sum>} : vector<16xi1> -> vector<16xi32>
        %slice3A_418 = vector.extract_strided_slice %all_reduce_population_count3A_417 {offsets = [0], sizes = [1], strides = [1]} : vector<16xi32> to vector<1xi32>
        %squeeze3A_419 = vector.extract %slice3A_418[0] : i32 from vector<1xi32>
        %get3A_420 = arith.index_cast %scan3A_23 : i32 to index
        %get3A_421 = arith.constant 176 : index
        %get3A_422 = tpu.vector_load %arg4[%get3A_420, %get3A_421] {strides = array<i32>} : memref<8x1024xf32, #tpu.memory_space<vmem>>, vector<16xf32>,
        %ge3A_423 = vector.broadcast %reduce_min3A_335 : f32 to vector<16xf32>
        %ge3A_424 = arith.cmpf oge, %get3A_422, %ge3A_423 : vector<16xf32>
        %all_reduce_population_count3A_425 = tpu.all_reduce %ge3A_424 {dim = 0 : i64, kind = #tpu.reduction_kind<sum>} : vector<16xi1> -> vector<16xi32>
        %slice3A_426 = vector.extract_strided_slice %all_reduce_population_count3A_425 {offsets = [0], sizes = [1], strides = [1]} : vector<16xi32> to vector<1xi32>
        %squeeze3A_427 = vector.extract %slice3A_426[0] : i32 from vector<1xi32>
        %get3A_428 = arith.index_cast %scan3A_23 : i32 to index
        %get3A_429 = arith.constant 192 : index
        %get3A_430 = tpu.vector_load %arg4[%get3A_428, %get3A_429] {strides = array<i32>} : memref<8x1024xf32, #tpu.memory_space<vmem>>, vector<16xf32>,
        %ge3A_431 = vector.broadcast %reduce_min3A_335 : f32 to vector<16xf32>
        %ge3A_432 = arith.cmpf oge, %get3A_430, %ge3A_431 : vector<16xf32>
        %all_reduce_population_count3A_433 = tpu.all_reduce %ge3A_432 {dim = 0 : i64, kind = #tpu.reduction_kind<sum>} : vector<16xi1> -> vector<16xi32>
        %slice3A_434 = vector.extract_strided_slice %all_reduce_population_count3A_433 {offsets = [0], sizes = [1], strides = [1]} : vector<16xi32> to vector<1xi32>
        %squeeze3A_435 = vector.extract %slice3A_434[0] : i32 from vector<1xi32>
        %get3A_436 = arith.index_cast %scan3A_23 : i32 to index
        %get3A_437 = arith.constant 208 : index
        %get3A_438 = tpu.vector_load %arg4[%get3A_436, %get3A_437] {strides = array<i32>} : memref<8x1024xf32, #tpu.memory_space<vmem>>, vector<16xf32>,
        %ge3A_439 = vector.broadcast %reduce_min3A_335 : f32 to vector<16xf32>
        %ge3A_440 = arith.cmpf oge, %get3A_438, %ge3A_439 : vector<16xf32>
        %all_reduce_population_count3A_441 = tpu.all_reduce %ge3A_440 {dim = 0 : i64, kind = #tpu.reduction_kind<sum>} : vector<16xi1> -> vector<16xi32>
        %slice3A_442 = vector.extract_strided_slice %all_reduce_population_count3A_441 {offsets = [0], sizes = [1], strides = [1]} : vector<16xi32> to vector<1xi32>
        %squeeze3A_443 = vector.extract %slice3A_442[0] : i32 from vector<1xi32>
        %get3A_444 = arith.index_cast %scan3A_23 : i32 to index
        %get3A_445 = arith.constant 224 : index
        %get3A_446 = tpu.vector_load %arg4[%get3A_444, %get3A_445] {strides = array<i32>} : memref<8x1024xf32, #tpu.memory_space<vmem>>, vector<16xf32>,
        %ge3A_447 = vector.broadcast %reduce_min3A_335 : f32 to vector<16xf32>
        %ge3A_448 = arith.cmpf oge, %get3A_446, %ge3A_447 : vector<16xf32>
        %all_reduce_population_count3A_449 = tpu.all_reduce %ge3A_448 {dim = 0 : i64, kind = #tpu.reduction_kind<sum>} : vector<16xi1> -> vector<16xi32>
        %slice3A_450 = vector.extract_strided_slice %all_reduce_population_count3A_449 {offsets = [0], sizes = [1], strides = [1]} : vector<16xi32> to vector<1xi32>
        %squeeze3A_451 = vector.extract %slice3A_450[0] : i32 from vector<1xi32>
        %get3A_452 = arith.index_cast %scan3A_23 : i32 to index
        %get3A_453 = arith.constant 240 : index
        %get3A_454 = tpu.vector_load %arg4[%get3A_452, %get3A_453] {strides = array<i32>} : memref<8x1024xf32, #tpu.memory_space<vmem>>, vector<16xf32>,
        %ge3A_455 = vector.broadcast %reduce_min3A_335 : f32 to vector<16xf32>
        %ge3A_456 = arith.cmpf oge, %get3A_454, %ge3A_455 : vector<16xf32>
        %all_reduce_population_count3A_457 = tpu.all_reduce %ge3A_456 {dim = 0 : i64, kind = #tpu.reduction_kind<sum>} : vector<16xi1> -> vector<16xi32>
        %slice3A_458 = vector.extract_strided_slice %all_reduce_population_count3A_457 {offsets = [0], sizes = [1], strides = [1]} : vector<16xi32> to vector<1xi32>
        %squeeze3A_459 = vector.extract %slice3A_458[0] : i32 from vector<1xi32>
        %get3A_460 = arith.index_cast %scan3A_23 : i32 to index
        %get3A_461 = arith.constant 256 : index
        %get3A_462 = tpu.vector_load %arg4[%get3A_460, %get3A_461] {strides = array<i32>} : memref<8x1024xf32, #tpu.memory_space<vmem>>, vector<16xf32>,
        %ge3A_463 = vector.broadcast %reduce_min3A_335 : f32 to vector<16xf32>
        %ge3A_464 = arith.cmpf oge, %get3A_462, %ge3A_463 : vector<16xf32>
        %all_reduce_population_count3A_465 = tpu.all_reduce %ge3A_464 {dim = 0 : i64, kind = #tpu.reduction_kind<sum>} : vector<16xi1> -> vector<16xi32>
        %slice3A_466 = vector.extract_strided_slice %all_reduce_population_count3A_465 {offsets = [0], sizes = [1], strides = [1]} : vector<16xi32> to vector<1xi32>
        %squeeze3A_467 = vector.extract %slice3A_466[0] : i32 from vector<1xi32>
        %get3A_468 = arith.index_cast %scan3A_23 : i32 to index
        %get3A_469 = arith.constant 272 : index
        %get3A_470 = tpu.vector_load %arg4[%get3A_468, %get3A_469] {strides = array<i32>} : memref<8x1024xf32, #tpu.memory_space<vmem>>, vector<16xf32>,
        %ge3A_471 = vector.broadcast %reduce_min3A_335 : f32 to vector<16xf32>
        %ge3A_472 = arith.cmpf oge, %get3A_470, %ge3A_471 : vector<16xf32>
        %all_reduce_population_count3A_473 = tpu.all_reduce %ge3A_472 {dim = 0 : i64, kind = #tpu.reduction_kind<sum>} : vector<16xi1> -> vector<16xi32>
        %slice3A_474 = vector.extract_strided_slice %all_reduce_population_count3A_473 {offsets = [0], sizes = [1], strides = [1]} : vector<16xi32> to vector<1xi32>
        %squeeze3A_475 = vector.extract %slice3A_474[0] : i32 from vector<1xi32>
        %get3A_476 = arith.index_cast %scan3A_23 : i32 to index
        %get3A_477 = arith.constant 288 : index
        %get3A_478 = tpu.vector_load %arg4[%get3A_476, %get3A_477] {strides = array<i32>} : memref<8x1024xf32, #tpu.memory_space<vmem>>, vector<16xf32>,
        %ge3A_479 = vector.broadcast %reduce_min3A_335 : f32 to vector<16xf32>
        %ge3A_480 = arith.cmpf oge, %get3A_478, %ge3A_479 : vector<16xf32>
        %all_reduce_population_count3A_481 = tpu.all_reduce %ge3A_480 {dim = 0 : i64, kind = #tpu.reduction_kind<sum>} : vector<16xi1> -> vector<16xi32>
        %slice3A_482 = vector.extract_strided_slice %all_reduce_population_count3A_481 {offsets = [0], sizes = [1], strides = [1]} : vector<16xi32> to vector<1xi32>
        %squeeze3A_483 = vector.extract %slice3A_482[0] : i32 from vector<1xi32>
        %get3A_484 = arith.index_cast %scan3A_23 : i32 to index
        %get3A_485 = arith.constant 304 : index
        %get3A_486 = tpu.vector_load %arg4[%get3A_484, %get3A_485] {strides = array<i32>} : memref<8x1024xf32, #tpu.memory_space<vmem>>, vector<16xf32>,
        %ge3A_487 = vector.broadcast %reduce_min3A_335 : f32 to vector<16xf32>
        %ge3A_488 = arith.cmpf oge, %get3A_486, %ge3A_487 : vector<16xf32>
        %all_reduce_population_count3A_489 = tpu.all_reduce %ge3A_488 {dim = 0 : i64, kind = #tpu.reduction_kind<sum>} : vector<16xi1> -> vector<16xi32>
        %slice3A_490 = vector.extract_strided_slice %all_reduce_population_count3A_489 {offsets = [0], sizes = [1], strides = [1]} : vector<16xi32> to vector<1xi32>
        %squeeze3A_491 = vector.extract %slice3A_490[0] : i32 from vector<1xi32>
        %get3A_492 = arith.index_cast %scan3A_23 : i32 to index
        %get3A_493 = arith.constant 320 : index
        %get3A_494 = tpu.vector_load %arg4[%get3A_492, %get3A_493] {strides = array<i32>} : memref<8x1024xf32, #tpu.memory_space<vmem>>, vector<16xf32>,
        %ge3A_495 = vector.broadcast %reduce_min3A_335 : f32 to vector<16xf32>
        %ge3A_496 = arith.cmpf oge, %get3A_494, %ge3A_495 : vector<16xf32>
        %all_reduce_population_count3A_497 = tpu.all_reduce %ge3A_496 {dim = 0 : i64, kind = #tpu.reduction_kind<sum>} : vector<16xi1> -> vector<16xi32>
        %slice3A_498 = vector.extract_strided_slice %all_reduce_population_count3A_497 {offsets = [0], sizes = [1], strides = [1]} : vector<16xi32> to vector<1xi32>
        %squeeze3A_499 = vector.extract %slice3A_498[0] : i32 from vector<1xi32>
        %get3A_500 = arith.index_cast %scan3A_23 : i32 to index
        %get3A_501 = arith.constant 336 : index
        %get3A_502 = tpu.vector_load %arg4[%get3A_500, %get3A_501] {strides = array<i32>} : memref<8x1024xf32, #tpu.memory_space<vmem>>, vector<16xf32>,
        %ge3A_503 = vector.broadcast %reduce_min3A_335 : f32 to vector<16xf32>
        %ge3A_504 = arith.cmpf oge, %get3A_502, %ge3A_503 : vector<16xf32>
        %all_reduce_population_count3A_505 = tpu.all_reduce %ge3A_504 {dim = 0 : i64, kind = #tpu.reduction_kind<sum>} : vector<16xi1> -> vector<16xi32>
        %slice3A_506 = vector.extract_strided_slice %all_reduce_population_count3A_505 {offsets = [0], sizes = [1], strides = [1]} : vector<16xi32> to vector<1xi32>
        %squeeze3A_507 = vector.extract %slice3A_506[0] : i32 from vector<1xi32>
        %get3A_508 = arith.index_cast %scan3A_23 : i32 to index
        %get3A_509 = arith.constant 352 : index
        %get3A_510 = tpu.vector_load %arg4[%get3A_508, %get3A_509] {strides = array<i32>} : memref<8x1024xf32, #tpu.memory_space<vmem>>, vector<16xf32>,
        %ge3A_511 = vector.broadcast %reduce_min3A_335 : f32 to vector<16xf32>
        %ge3A_512 = arith.cmpf oge, %get3A_510, %ge3A_511 : vector<16xf32>
        %all_reduce_population_count3A_513 = tpu.all_reduce %ge3A_512 {dim = 0 : i64, kind = #tpu.reduction_kind<sum>} : vector<16xi1> -> vector<16xi32>
        %slice3A_514 = vector.extract_strided_slice %all_reduce_population_count3A_513 {offsets = [0], sizes = [1], strides = [1]} : vector<16xi32> to vector<1xi32>
        %squeeze3A_515 = vector.extract %slice3A_514[0] : i32 from vector<1xi32>
        %get3A_516 = arith.index_cast %scan3A_23 : i32 to index
        %get3A_517 = arith.constant 368 : index
        %get3A_518 = tpu.vector_load %arg4[%get3A_516, %get3A_517] {strides = array<i32>} : memref<8x1024xf32, #tpu.memory_space<vmem>>, vector<16xf32>,
        %ge3A_519 = vector.broadcast %reduce_min3A_335 : f32 to vector<16xf32>
        %ge3A_520 = arith.cmpf oge, %get3A_518, %ge3A_519 : vector<16xf32>
        %all_reduce_population_count3A_521 = tpu.all_reduce %ge3A_520 {dim = 0 : i64, kind = #tpu.reduction_kind<sum>} : vector<16xi1> -> vector<16xi32>
        %slice3A_522 = vector.extract_strided_slice %all_reduce_population_count3A_521 {offsets = [0], sizes = [1], strides = [1]} : vector<16xi32> to vector<1xi32>
        %squeeze3A_523 = vector.extract %slice3A_522[0] : i32 from vector<1xi32>
        %get3A_524 = arith.index_cast %scan3A_23 : i32 to index
        %get3A_525 = arith.constant 384 : index
        %get3A_526 = tpu.vector_load %arg4[%get3A_524, %get3A_525] {strides = array<i32>} : memref<8x1024xf32, #tpu.memory_space<vmem>>, vector<16xf32>,
        %ge3A_527 = vector.broadcast %reduce_min3A_335 : f32 to vector<16xf32>
        %ge3A_528 = arith.cmpf oge, %get3A_526, %ge3A_527 : vector<16xf32>
        %all_reduce_population_count3A_529 = tpu.all_reduce %ge3A_528 {dim = 0 : i64, kind = #tpu.reduction_kind<sum>} : vector<16xi1> -> vector<16xi32>
        %slice3A_530 = vector.extract_strided_slice %all_reduce_population_count3A_529 {offsets = [0], sizes = [1], strides = [1]} : vector<16xi32> to vector<1xi32>
        %squeeze3A_531 = vector.extract %slice3A_530[0] : i32 from vector<1xi32>
        %get3A_532 = arith.index_cast %scan3A_23 : i32 to index
        %get3A_533 = arith.constant 400 : index
        %get3A_534 = tpu.vector_load %arg4[%get3A_532, %get3A_533] {strides = array<i32>} : memref<8x1024xf32, #tpu.memory_space<vmem>>, vector<16xf32>,
        %ge3A_535 = vector.broadcast %reduce_min3A_335 : f32 to vector<16xf32>
        %ge3A_536 = arith.cmpf oge, %get3A_534, %ge3A_535 : vector<16xf32>
        %all_reduce_population_count3A_537 = tpu.all_reduce %ge3A_536 {dim = 0 : i64, kind = #tpu.reduction_kind<sum>} : vector<16xi1> -> vector<16xi32>
        %slice3A_538 = vector.extract_strided_slice %all_reduce_population_count3A_537 {offsets = [0], sizes = [1], strides = [1]} : vector<16xi32> to vector<1xi32>
        %squeeze3A_539 = vector.extract %slice3A_538[0] : i32 from vector<1xi32>
        %get3A_540 = arith.index_cast %scan3A_23 : i32 to index
        %get3A_541 = arith.constant 416 : index
        %get3A_542 = tpu.vector_load %arg4[%get3A_540, %get3A_541] {strides = array<i32>} : memref<8x1024xf32, #tpu.memory_space<vmem>>, vector<16xf32>,
        %ge3A_543 = vector.broadcast %reduce_min3A_335 : f32 to vector<16xf32>
        %ge3A_544 = arith.cmpf oge, %get3A_542, %ge3A_543 : vector<16xf32>
        %all_reduce_population_count3A_545 = tpu.all_reduce %ge3A_544 {dim = 0 : i64, kind = #tpu.reduction_kind<sum>} : vector<16xi1> -> vector<16xi32>
        %slice3A_546 = vector.extract_strided_slice %all_reduce_population_count3A_545 {offsets = [0], sizes = [1], strides = [1]} : vector<16xi32> to vector<1xi32>
        %squeeze3A_547 = vector.extract %slice3A_546[0] : i32 from vector<1xi32>
        %get3A_548 = arith.index_cast %scan3A_23 : i32 to index
        %get3A_549 = arith.constant 432 : index
        %get3A_550 = tpu.vector_load %arg4[%get3A_548, %get3A_549] {strides = array<i32>} : memref<8x1024xf32, #tpu.memory_space<vmem>>, vector<16xf32>,
        %ge3A_551 = vector.broadcast %reduce_min3A_335 : f32 to vector<16xf32>
        %ge3A_552 = arith.cmpf oge, %get3A_550, %ge3A_551 : vector<16xf32>
        %all_reduce_population_count3A_553 = tpu.all_reduce %ge3A_552 {dim = 0 : i64, kind = #tpu.reduction_kind<sum>} : vector<16xi1> -> vector<16xi32>
        %slice3A_554 = vector.extract_strided_slice %all_reduce_population_count3A_553 {offsets = [0], sizes = [1], strides = [1]} : vector<16xi32> to vector<1xi32>
        %squeeze3A_555 = vector.extract %slice3A_554[0] : i32 from vector<1xi32>
        %get3A_556 = arith.index_cast %scan3A_23 : i32 to index
        %get3A_557 = arith.constant 448 : index
        %get3A_558 = tpu.vector_load %arg4[%get3A_556, %get3A_557] {strides = array<i32>} : memref<8x1024xf32, #tpu.memory_space<vmem>>, vector<16xf32>,
        %ge3A_559 = vector.broadcast %reduce_min3A_335 : f32 to vector<16xf32>
        %ge3A_560 = arith.cmpf oge, %get3A_558, %ge3A_559 : vector<16xf32>
        %all_reduce_population_count3A_561 = tpu.all_reduce %ge3A_560 {dim = 0 : i64, kind = #tpu.reduction_kind<sum>} : vector<16xi1> -> vector<16xi32>
        %slice3A_562 = vector.extract_strided_slice %all_reduce_population_count3A_561 {offsets = [0], sizes = [1], strides = [1]} : vector<16xi32> to vector<1xi32>
        %squeeze3A_563 = vector.extract %slice3A_562[0] : i32 from vector<1xi32>
        %get3A_564 = arith.index_cast %scan3A_23 : i32 to index
        %get3A_565 = arith.constant 464 : index
        %get3A_566 = tpu.vector_load %arg4[%get3A_564, %get3A_565] {strides = array<i32>} : memref<8x1024xf32, #tpu.memory_space<vmem>>, vector<16xf32>,
        %ge3A_567 = vector.broadcast %reduce_min3A_335 : f32 to vector<16xf32>
        %ge3A_568 = arith.cmpf oge, %get3A_566, %ge3A_567 : vector<16xf32>
        %all_reduce_population_count3A_569 = tpu.all_reduce %ge3A_568 {dim = 0 : i64, kind = #tpu.reduction_kind<sum>} : vector<16xi1> -> vector<16xi32>
        %slice3A_570 = vector.extract_strided_slice %all_reduce_population_count3A_569 {offsets = [0], sizes = [1], strides = [1]} : vector<16xi32> to vector<1xi32>
        %squeeze3A_571 = vector.extract %slice3A_570[0] : i32 from vector<1xi32>
        %get3A_572 = arith.index_cast %scan3A_23 : i32 to index
        %get3A_573 = arith.constant 480 : index
        %get3A_574 = tpu.vector_load %arg4[%get3A_572, %get3A_573] {strides = array<i32>} : memref<8x1024xf32, #tpu.memory_space<vmem>>, vector<16xf32>,
        %ge3A_575 = vector.broadcast %reduce_min3A_335 : f32 to vector<16xf32>
        %ge3A_576 = arith.cmpf oge, %get3A_574, %ge3A_575 : vector<16xf32>
        %all_reduce_population_count3A_577 = tpu.all_reduce %ge3A_576 {dim = 0 : i64, kind = #tpu.reduction_kind<sum>} : vector<16xi1> -> vector<16xi32>
        %slice3A_578 = vector.extract_strided_slice %all_reduce_population_count3A_577 {offsets = [0], sizes = [1], strides = [1]} : vector<16xi32> to vector<1xi32>
        %squeeze3A_579 = vector.extract %slice3A_578[0] : i32 from vector<1xi32>
        %get3A_580 = arith.index_cast %scan3A_23 : i32 to index
        %get3A_581 = arith.constant 496 : index
        %get3A_582 = tpu.vector_load %arg4[%get3A_580, %get3A_581] {strides = array<i32>} : memref<8x1024xf32, #tpu.memory_space<vmem>>, vector<16xf32>,
        %ge3A_583 = vector.broadcast %reduce_min3A_335 : f32 to vector<16xf32>
        %ge3A_584 = arith.cmpf oge, %get3A_582, %ge3A_583 : vector<16xf32>
        %all_reduce_population_count3A_585 = tpu.all_reduce %ge3A_584 {dim = 0 : i64, kind = #tpu.reduction_kind<sum>} : vector<16xi1> -> vector<16xi32>
        %slice3A_586 = vector.extract_strided_slice %all_reduce_population_count3A_585 {offsets = [0], sizes = [1], strides = [1]} : vector<16xi32> to vector<1xi32>
        %squeeze3A_587 = vector.extract %slice3A_586[0] : i32 from vector<1xi32>
        %get3A_588 = arith.index_cast %scan3A_23 : i32 to index
        %get3A_589 = arith.constant 512 : index
        %get3A_590 = tpu.vector_load %arg4[%get3A_588, %get3A_589] {strides = array<i32>} : memref<8x1024xf32, #tpu.memory_space<vmem>>, vector<16xf32>,
        %ge3A_591 = vector.broadcast %reduce_min3A_335 : f32 to vector<16xf32>
        %ge3A_592 = arith.cmpf oge, %get3A_590, %ge3A_591 : vector<16xf32>
        %all_reduce_population_count3A_593 = tpu.all_reduce %ge3A_592 {dim = 0 : i64, kind = #tpu.reduction_kind<sum>} : vector<16xi1> -> vector<16xi32>
        %slice3A_594 = vector.extract_strided_slice %all_reduce_population_count3A_593 {offsets = [0], sizes = [1], strides = [1]} : vector<16xi32> to vector<1xi32>
        %squeeze3A_595 = vector.extract %slice3A_594[0] : i32 from vector<1xi32>
        %get3A_596 = arith.index_cast %scan3A_23 : i32 to index
        %get3A_597 = arith.constant 528 : index
        %get3A_598 = tpu.vector_load %arg4[%get3A_596, %get3A_597] {strides = array<i32>} : memref<8x1024xf32, #tpu.memory_space<vmem>>, vector<16xf32>,
        %ge3A_599 = vector.broadcast %reduce_min3A_335 : f32 to vector<16xf32>
        %ge3A_600 = arith.cmpf oge, %get3A_598, %ge3A_599 : vector<16xf32>
        %all_reduce_population_count3A_601 = tpu.all_reduce %ge3A_600 {dim = 0 : i64, kind = #tpu.reduction_kind<sum>} : vector<16xi1> -> vector<16xi32>
        %slice3A_602 = vector.extract_strided_slice %all_reduce_population_count3A_601 {offsets = [0], sizes = [1], strides = [1]} : vector<16xi32> to vector<1xi32>
        %squeeze3A_603 = vector.extract %slice3A_602[0] : i32 from vector<1xi32>
        %get3A_604 = arith.index_cast %scan3A_23 : i32 to index
        %get3A_605 = arith.constant 544 : index
        %get3A_606 = tpu.vector_load %arg4[%get3A_604, %get3A_605] {strides = array<i32>} : memref<8x1024xf32, #tpu.memory_space<vmem>>, vector<16xf32>,
        %ge3A_607 = vector.broadcast %reduce_min3A_335 : f32 to vector<16xf32>
        %ge3A_608 = arith.cmpf oge, %get3A_606, %ge3A_607 : vector<16xf32>
        %all_reduce_population_count3A_609 = tpu.all_reduce %ge3A_608 {dim = 0 : i64, kind = #tpu.reduction_kind<sum>} : vector<16xi1> -> vector<16xi32>
        %slice3A_610 = vector.extract_strided_slice %all_reduce_population_count3A_609 {offsets = [0], sizes = [1], strides = [1]} : vector<16xi32> to vector<1xi32>
        %squeeze3A_611 = vector.extract %slice3A_610[0] : i32 from vector<1xi32>
        %get3A_612 = arith.index_cast %scan3A_23 : i32 to index
        %get3A_613 = arith.constant 560 : index
        %get3A_614 = tpu.vector_load %arg4[%get3A_612, %get3A_613] {strides = array<i32>} : memref<8x1024xf32, #tpu.memory_space<vmem>>, vector<16xf32>,
        %ge3A_615 = vector.broadcast %reduce_min3A_335 : f32 to vector<16xf32>
        %ge3A_616 = arith.cmpf oge, %get3A_614, %ge3A_615 : vector<16xf32>
        %all_reduce_population_count3A_617 = tpu.all_reduce %ge3A_616 {dim = 0 : i64, kind = #tpu.reduction_kind<sum>} : vector<16xi1> -> vector<16xi32>
        %slice3A_618 = vector.extract_strided_slice %all_reduce_population_count3A_617 {offsets = [0], sizes = [1], strides = [1]} : vector<16xi32> to vector<1xi32>
        %squeeze3A_619 = vector.extract %slice3A_618[0] : i32 from vector<1xi32>
        %get3A_620 = arith.index_cast %scan3A_23 : i32 to index
        %get3A_621 = arith.constant 576 : index
        %get3A_622 = tpu.vector_load %arg4[%get3A_620, %get3A_621] {strides = array<i32>} : memref<8x1024xf32, #tpu.memory_space<vmem>>, vector<16xf32>,
        %ge3A_623 = vector.broadcast %reduce_min3A_335 : f32 to vector<16xf32>
        %ge3A_624 = arith.cmpf oge, %get3A_622, %ge3A_623 : vector<16xf32>
        %all_reduce_population_count3A_625 = tpu.all_reduce %ge3A_624 {dim = 0 : i64, kind = #tpu.reduction_kind<sum>} : vector<16xi1> -> vector<16xi32>
        %slice3A_626 = vector.extract_strided_slice %all_reduce_population_count3A_625 {offsets = [0], sizes = [1], strides = [1]} : vector<16xi32> to vector<1xi32>
        %squeeze3A_627 = vector.extract %slice3A_626[0] : i32 from vector<1xi32>
        %get3A_628 = arith.index_cast %scan3A_23 : i32 to index
        %get3A_629 = arith.constant 592 : index
        %get3A_630 = tpu.vector_load %arg4[%get3A_628, %get3A_629] {strides = array<i32>} : memref<8x1024xf32, #tpu.memory_space<vmem>>, vector<16xf32>,
        %ge3A_631 = vector.broadcast %reduce_min3A_335 : f32 to vector<16xf32>
        %ge3A_632 = arith.cmpf oge, %get3A_630, %ge3A_631 : vector<16xf32>
        %all_reduce_population_count3A_633 = tpu.all_reduce %ge3A_632 {dim = 0 : i64, kind = #tpu.reduction_kind<sum>} : vector<16xi1> -> vector<16xi32>
        %slice3A_634 = vector.extract_strided_slice %all_reduce_population_count3A_633 {offsets = [0], sizes = [1], strides = [1]} : vector<16xi32> to vector<1xi32>
        %squeeze3A_635 = vector.extract %slice3A_634[0] : i32 from vector<1xi32>
        %get3A_636 = arith.index_cast %scan3A_23 : i32 to index
        %get3A_637 = arith.constant 608 : index
        %get3A_638 = tpu.vector_load %arg4[%get3A_636, %get3A_637] {strides = array<i32>} : memref<8x1024xf32, #tpu.memory_space<vmem>>, vector<16xf32>,
        %ge3A_639 = vector.broadcast %reduce_min3A_335 : f32 to vector<16xf32>
        %ge3A_640 = arith.cmpf oge, %get3A_638, %ge3A_639 : vector<16xf32>
        %all_reduce_population_count3A_641 = tpu.all_reduce %ge3A_640 {dim = 0 : i64, kind = #tpu.reduction_kind<sum>} : vector<16xi1> -> vector<16xi32>
        %slice3A_642 = vector.extract_strided_slice %all_reduce_population_count3A_641 {offsets = [0], sizes = [1], strides = [1]} : vector<16xi32> to vector<1xi32>
        %squeeze3A_643 = vector.extract %slice3A_642[0] : i32 from vector<1xi32>
        %get3A_644 = arith.index_cast %scan3A_23 : i32 to index
        %get3A_645 = arith.constant 624 : index
        %get3A_646 = tpu.vector_load %arg4[%get3A_644, %get3A_645] {strides = array<i32>} : memref<8x1024xf32, #tpu.memory_space<vmem>>, vector<16xf32>,
        %ge3A_647 = vector.broadcast %reduce_min3A_335 : f32 to vector<16xf32>
        %ge3A_648 = arith.cmpf oge, %get3A_646, %ge3A_647 : vector<16xf32>
        %all_reduce_population_count3A_649 = tpu.all_reduce %ge3A_648 {dim = 0 : i64, kind = #tpu.reduction_kind<sum>} : vector<16xi1> -> vector<16xi32>
        %slice3A_650 = vector.extract_strided_slice %all_reduce_population_count3A_649 {offsets = [0], sizes = [1], strides = [1]} : vector<16xi32> to vector<1xi32>
        %squeeze3A_651 = vector.extract %slice3A_650[0] : i32 from vector<1xi32>
        %get3A_652 = arith.index_cast %scan3A_23 : i32 to index
        %get3A_653 = arith.constant 640 : index
        %get3A_654 = tpu.vector_load %arg4[%get3A_652, %get3A_653] {strides = array<i32>} : memref<8x1024xf32, #tpu.memory_space<vmem>>, vector<16xf32>,
        %ge3A_655 = vector.broadcast %reduce_min3A_335 : f32 to vector<16xf32>
        %ge3A_656 = arith.cmpf oge, %get3A_654, %ge3A_655 : vector<16xf32>
        %all_reduce_population_count3A_657 = tpu.all_reduce %ge3A_656 {dim = 0 : i64, kind = #tpu.reduction_kind<sum>} : vector<16xi1> -> vector<16xi32>
        %slice3A_658 = vector.extract_strided_slice %all_reduce_population_count3A_657 {offsets = [0], sizes = [1], strides = [1]} : vector<16xi32> to vector<1xi32>
        %squeeze3A_659 = vector.extract %slice3A_658[0] : i32 from vector<1xi32>
        %get3A_660 = arith.index_cast %scan3A_23 : i32 to index
        %get3A_661 = arith.constant 656 : index
        %get3A_662 = tpu.vector_load %arg4[%get3A_660, %get3A_661] {strides = array<i32>} : memref<8x1024xf32, #tpu.memory_space<vmem>>, vector<16xf32>,
        %ge3A_663 = vector.broadcast %reduce_min3A_335 : f32 to vector<16xf32>
        %ge3A_664 = arith.cmpf oge, %get3A_662, %ge3A_663 : vector<16xf32>
        %all_reduce_population_count3A_665 = tpu.all_reduce %ge3A_664 {dim = 0 : i64, kind = #tpu.reduction_kind<sum>} : vector<16xi1> -> vector<16xi32>
        %slice3A_666 = vector.extract_strided_slice %all_reduce_population_count3A_665 {offsets = [0], sizes = [1], strides = [1]} : vector<16xi32> to vector<1xi32>
        %squeeze3A_667 = vector.extract %slice3A_666[0] : i32 from vector<1xi32>
        %get3A_668 = arith.index_cast %scan3A_23 : i32 to index
        %get3A_669 = arith.constant 672 : index
        %get3A_670 = tpu.vector_load %arg4[%get3A_668, %get3A_669] {strides = array<i32>} : memref<8x1024xf32, #tpu.memory_space<vmem>>, vector<16xf32>,
        %ge3A_671 = vector.broadcast %reduce_min3A_335 : f32 to vector<16xf32>
        %ge3A_672 = arith.cmpf oge, %get3A_670, %ge3A_671 : vector<16xf32>
        %all_reduce_population_count3A_673 = tpu.all_reduce %ge3A_672 {dim = 0 : i64, kind = #tpu.reduction_kind<sum>} : vector<16xi1> -> vector<16xi32>
        %slice3A_674 = vector.extract_strided_slice %all_reduce_population_count3A_673 {offsets = [0], sizes = [1], strides = [1]} : vector<16xi32> to vector<1xi32>
        %squeeze3A_675 = vector.extract %slice3A_674[0] : i32 from vector<1xi32>
        %get3A_676 = arith.index_cast %scan3A_23 : i32 to index
        %get3A_677 = arith.constant 688 : index
        %get3A_678 = tpu.vector_load %arg4[%get3A_676, %get3A_677] {strides = array<i32>} : memref<8x1024xf32, #tpu.memory_space<vmem>>, vector<16xf32>,
        %ge3A_679 = vector.broadcast %reduce_min3A_335 : f32 to vector<16xf32>
        %ge3A_680 = arith.cmpf oge, %get3A_678, %ge3A_679 : vector<16xf32>
        %all_reduce_population_count3A_681 = tpu.all_reduce %ge3A_680 {dim = 0 : i64, kind = #tpu.reduction_kind<sum>} : vector<16xi1> -> vector<16xi32>
        %slice3A_682 = vector.extract_strided_slice %all_reduce_population_count3A_681 {offsets = [0], sizes = [1], strides = [1]} : vector<16xi32> to vector<1xi32>
        %squeeze3A_683 = vector.extract %slice3A_682[0] : i32 from vector<1xi32>
        %get3A_684 = arith.index_cast %scan3A_23 : i32 to index
        %get3A_685 = arith.constant 704 : index
        %get3A_686 = tpu.vector_load %arg4[%get3A_684, %get3A_685] {strides = array<i32>} : memref<8x1024xf32, #tpu.memory_space<vmem>>, vector<16xf32>,
        %ge3A_687 = vector.broadcast %reduce_min3A_335 : f32 to vector<16xf32>
        %ge3A_688 = arith.cmpf oge, %get3A_686, %ge3A_687 : vector<16xf32>
        %all_reduce_population_count3A_689 = tpu.all_reduce %ge3A_688 {dim = 0 : i64, kind = #tpu.reduction_kind<sum>} : vector<16xi1> -> vector<16xi32>
        %slice3A_690 = vector.extract_strided_slice %all_reduce_population_count3A_689 {offsets = [0], sizes = [1], strides = [1]} : vector<16xi32> to vector<1xi32>
        %squeeze3A_691 = vector.extract %slice3A_690[0] : i32 from vector<1xi32>
        %get3A_692 = arith.index_cast %scan3A_23 : i32 to index
        %get3A_693 = arith.constant 720 : index
        %get3A_694 = tpu.vector_load %arg4[%get3A_692, %get3A_693] {strides = array<i32>} : memref<8x1024xf32, #tpu.memory_space<vmem>>, vector<16xf32>,
        %ge3A_695 = vector.broadcast %reduce_min3A_335 : f32 to vector<16xf32>
        %ge3A_696 = arith.cmpf oge, %get3A_694, %ge3A_695 : vector<16xf32>
        %all_reduce_population_count3A_697 = tpu.all_reduce %ge3A_696 {dim = 0 : i64, kind = #tpu.reduction_kind<sum>} : vector<16xi1> -> vector<16xi32>
        %slice3A_698 = vector.extract_strided_slice %all_reduce_population_count3A_697 {offsets = [0], sizes = [1], strides = [1]} : vector<16xi32> to vector<1xi32>
        %squeeze3A_699 = vector.extract %slice3A_698[0] : i32 from vector<1xi32>
        %get3A_700 = arith.index_cast %scan3A_23 : i32 to index
        %get3A_701 = arith.constant 736 : index
        %get3A_702 = tpu.vector_load %arg4[%get3A_700, %get3A_701] {strides = array<i32>} : memref<8x1024xf32, #tpu.memory_space<vmem>>, vector<16xf32>,
        %ge3A_703 = vector.broadcast %reduce_min3A_335 : f32 to vector<16xf32>
        %ge3A_704 = arith.cmpf oge, %get3A_702, %ge3A_703 : vector<16xf32>
        %all_reduce_population_count3A_705 = tpu.all_reduce %ge3A_704 {dim = 0 : i64, kind = #tpu.reduction_kind<sum>} : vector<16xi1> -> vector<16xi32>
        %slice3A_706 = vector.extract_strided_slice %all_reduce_population_count3A_705 {offsets = [0], sizes = [1], strides = [1]} : vector<16xi32> to vector<1xi32>
        %squeeze3A_707 = vector.extract %slice3A_706[0] : i32 from vector<1xi32>
        %get3A_708 = arith.index_cast %scan3A_23 : i32 to index
        %get3A_709 = arith.constant 752 : index
        %get3A_710 = tpu.vector_load %arg4[%get3A_708, %get3A_709] {strides = array<i32>} : memref<8x1024xf32, #tpu.memory_space<vmem>>, vector<16xf32>,
        %ge3A_711 = vector.broadcast %reduce_min3A_335 : f32 to vector<16xf32>
        %ge3A_712 = arith.cmpf oge, %get3A_710, %ge3A_711 : vector<16xf32>
        %all_reduce_population_count3A_713 = tpu.all_reduce %ge3A_712 {dim = 0 : i64, kind = #tpu.reduction_kind<sum>} : vector<16xi1> -> vector<16xi32>
        %slice3A_714 = vector.extract_strided_slice %all_reduce_population_count3A_713 {offsets = [0], sizes = [1], strides = [1]} : vector<16xi32> to vector<1xi32>
        %squeeze3A_715 = vector.extract %slice3A_714[0] : i32 from vector<1xi32>
        %get3A_716 = arith.index_cast %scan3A_23 : i32 to index
        %get3A_717 = arith.constant 768 : index
        %get3A_718 = tpu.vector_load %arg4[%get3A_716, %get3A_717] {strides = array<i32>} : memref<8x1024xf32, #tpu.memory_space<vmem>>, vector<16xf32>,
        %ge3A_719 = vector.broadcast %reduce_min3A_335 : f32 to vector<16xf32>
        %ge3A_720 = arith.cmpf oge, %get3A_718, %ge3A_719 : vector<16xf32>
        %all_reduce_population_count3A_721 = tpu.all_reduce %ge3A_720 {dim = 0 : i64, kind = #tpu.reduction_kind<sum>} : vector<16xi1> -> vector<16xi32>
        %slice3A_722 = vector.extract_strided_slice %all_reduce_population_count3A_721 {offsets = [0], sizes = [1], strides = [1]} : vector<16xi32> to vector<1xi32>
        %squeeze3A_723 = vector.extract %slice3A_722[0] : i32 from vector<1xi32>
        %get3A_724 = arith.index_cast %scan3A_23 : i32 to index
        %get3A_725 = arith.constant 784 : index
        %get3A_726 = tpu.vector_load %arg4[%get3A_724, %get3A_725] {strides = array<i32>} : memref<8x1024xf32, #tpu.memory_space<vmem>>, vector<16xf32>,
        %ge3A_727 = vector.broadcast %reduce_min3A_335 : f32 to vector<16xf32>
        %ge3A_728 = arith.cmpf oge, %get3A_726, %ge3A_727 : vector<16xf32>
        %all_reduce_population_count3A_729 = tpu.all_reduce %ge3A_728 {dim = 0 : i64, kind = #tpu.reduction_kind<sum>} : vector<16xi1> -> vector<16xi32>
        %slice3A_730 = vector.extract_strided_slice %all_reduce_population_count3A_729 {offsets = [0], sizes = [1], strides = [1]} : vector<16xi32> to vector<1xi32>
        %squeeze3A_731 = vector.extract %slice3A_730[0] : i32 from vector<1xi32>
        %get3A_732 = arith.index_cast %scan3A_23 : i32 to index
        %get3A_733 = arith.constant 800 : index
        %get3A_734 = tpu.vector_load %arg4[%get3A_732, %get3A_733] {strides = array<i32>} : memref<8x1024xf32, #tpu.memory_space<vmem>>, vector<16xf32>,
        %ge3A_735 = vector.broadcast %reduce_min3A_335 : f32 to vector<16xf32>
        %ge3A_736 = arith.cmpf oge, %get3A_734, %ge3A_735 : vector<16xf32>
        %all_reduce_population_count3A_737 = tpu.all_reduce %ge3A_736 {dim = 0 : i64, kind = #tpu.reduction_kind<sum>} : vector<16xi1> -> vector<16xi32>
        %slice3A_738 = vector.extract_strided_slice %all_reduce_population_count3A_737 {offsets = [0], sizes = [1], strides = [1]} : vector<16xi32> to vector<1xi32>
        %squeeze3A_739 = vector.extract %slice3A_738[0] : i32 from vector<1xi32>
        %get3A_740 = arith.index_cast %scan3A_23 : i32 to index
        %get3A_741 = arith.constant 816 : index
        %get3A_742 = tpu.vector_load %arg4[%get3A_740, %get3A_741] {strides = array<i32>} : memref<8x1024xf32, #tpu.memory_space<vmem>>, vector<16xf32>,
        %ge3A_743 = vector.broadcast %reduce_min3A_335 : f32 to vector<16xf32>
        %ge3A_744 = arith.cmpf oge, %get3A_742, %ge3A_743 : vector<16xf32>
        %all_reduce_population_count3A_745 = tpu.all_reduce %ge3A_744 {dim = 0 : i64, kind = #tpu.reduction_kind<sum>} : vector<16xi1> -> vector<16xi32>
        %slice3A_746 = vector.extract_strided_slice %all_reduce_population_count3A_745 {offsets = [0], sizes = [1], strides = [1]} : vector<16xi32> to vector<1xi32>
        %squeeze3A_747 = vector.extract %slice3A_746[0] : i32 from vector<1xi32>
        %get3A_748 = arith.index_cast %scan3A_23 : i32 to index
        %get3A_749 = arith.constant 832 : index
        %get3A_750 = tpu.vector_load %arg4[%get3A_748, %get3A_749] {strides = array<i32>} : memref<8x1024xf32, #tpu.memory_space<vmem>>, vector<16xf32>,
        %ge3A_751 = vector.broadcast %reduce_min3A_335 : f32 to vector<16xf32>
        %ge3A_752 = arith.cmpf oge, %get3A_750, %ge3A_751 : vector<16xf32>
        %all_reduce_population_count3A_753 = tpu.all_reduce %ge3A_752 {dim = 0 : i64, kind = #tpu.reduction_kind<sum>} : vector<16xi1> -> vector<16xi32>
        %slice3A_754 = vector.extract_strided_slice %all_reduce_population_count3A_753 {offsets = [0], sizes = [1], strides = [1]} : vector<16xi32> to vector<1xi32>
        %squeeze3A_755 = vector.extract %slice3A_754[0] : i32 from vector<1xi32>
        %get3A_756 = arith.index_cast %scan3A_23 : i32 to index
        %get3A_757 = arith.constant 848 : index
        %get3A_758 = tpu.vector_load %arg4[%get3A_756, %get3A_757] {strides = array<i32>} : memref<8x1024xf32, #tpu.memory_space<vmem>>, vector<16xf32>,
        %ge3A_759 = vector.broadcast %reduce_min3A_335 : f32 to vector<16xf32>
        %ge3A_760 = arith.cmpf oge, %get3A_758, %ge3A_759 : vector<16xf32>
        %all_reduce_population_count3A_761 = tpu.all_reduce %ge3A_760 {dim = 0 : i64, kind = #tpu.reduction_kind<sum>} : vector<16xi1> -> vector<16xi32>
        %slice3A_762 = vector.extract_strided_slice %all_reduce_population_count3A_761 {offsets = [0], sizes = [1], strides = [1]} : vector<16xi32> to vector<1xi32>
        %squeeze3A_763 = vector.extract %slice3A_762[0] : i32 from vector<1xi32>
        %get3A_764 = arith.index_cast %scan3A_23 : i32 to index
        %get3A_765 = arith.constant 864 : index
        %get3A_766 = tpu.vector_load %arg4[%get3A_764, %get3A_765] {strides = array<i32>} : memref<8x1024xf32, #tpu.memory_space<vmem>>, vector<16xf32>,
        %ge3A_767 = vector.broadcast %reduce_min3A_335 : f32 to vector<16xf32>
        %ge3A_768 = arith.cmpf oge, %get3A_766, %ge3A_767 : vector<16xf32>
        %all_reduce_population_count3A_769 = tpu.all_reduce %ge3A_768 {dim = 0 : i64, kind = #tpu.reduction_kind<sum>} : vector<16xi1> -> vector<16xi32>
        %slice3A_770 = vector.extract_strided_slice %all_reduce_population_count3A_769 {offsets = [0], sizes = [1], strides = [1]} : vector<16xi32> to vector<1xi32>
        %squeeze3A_771 = vector.extract %slice3A_770[0] : i32 from vector<1xi32>
        %get3A_772 = arith.index_cast %scan3A_23 : i32 to index
        %get3A_773 = arith.constant 880 : index
        %get3A_774 = tpu.vector_load %arg4[%get3A_772, %get3A_773] {strides = array<i32>} : memref<8x1024xf32, #tpu.memory_space<vmem>>, vector<16xf32>,
        %ge3A_775 = vector.broadcast %reduce_min3A_335 : f32 to vector<16xf32>
        %ge3A_776 = arith.cmpf oge, %get3A_774, %ge3A_775 : vector<16xf32>
        %all_reduce_population_count3A_777 = tpu.all_reduce %ge3A_776 {dim = 0 : i64, kind = #tpu.reduction_kind<sum>} : vector<16xi1> -> vector<16xi32>
        %slice3A_778 = vector.extract_strided_slice %all_reduce_population_count3A_777 {offsets = [0], sizes = [1], strides = [1]} : vector<16xi32> to vector<1xi32>
        %squeeze3A_779 = vector.extract %slice3A_778[0] : i32 from vector<1xi32>
        %get3A_780 = arith.index_cast %scan3A_23 : i32 to index
        %get3A_781 = arith.constant 896 : index
        %get3A_782 = tpu.vector_load %arg4[%get3A_780, %get3A_781] {strides = array<i32>} : memref<8x1024xf32, #tpu.memory_space<vmem>>, vector<16xf32>,
        %ge3A_783 = vector.broadcast %reduce_min3A_335 : f32 to vector<16xf32>
        %ge3A_784 = arith.cmpf oge, %get3A_782, %ge3A_783 : vector<16xf32>
        %all_reduce_population_count3A_785 = tpu.all_reduce %ge3A_784 {dim = 0 : i64, kind = #tpu.reduction_kind<sum>} : vector<16xi1> -> vector<16xi32>
        %slice3A_786 = vector.extract_strided_slice %all_reduce_population_count3A_785 {offsets = [0], sizes = [1], strides = [1]} : vector<16xi32> to vector<1xi32>
        %squeeze3A_787 = vector.extract %slice3A_786[0] : i32 from vector<1xi32>
        %get3A_788 = arith.index_cast %scan3A_23 : i32 to index
        %get3A_789 = arith.constant 912 : index
        %get3A_790 = tpu.vector_load %arg4[%get3A_788, %get3A_789] {strides = array<i32>} : memref<8x1024xf32, #tpu.memory_space<vmem>>, vector<16xf32>,
        %ge3A_791 = vector.broadcast %reduce_min3A_335 : f32 to vector<16xf32>
        %ge3A_792 = arith.cmpf oge, %get3A_790, %ge3A_791 : vector<16xf32>
        %all_reduce_population_count3A_793 = tpu.all_reduce %ge3A_792 {dim = 0 : i64, kind = #tpu.reduction_kind<sum>} : vector<16xi1> -> vector<16xi32>
        %slice3A_794 = vector.extract_strided_slice %all_reduce_population_count3A_793 {offsets = [0], sizes = [1], strides = [1]} : vector<16xi32> to vector<1xi32>
        %squeeze3A_795 = vector.extract %slice3A_794[0] : i32 from vector<1xi32>
        %get3A_796 = arith.index_cast %scan3A_23 : i32 to index
        %get3A_797 = arith.constant 928 : index
        %get3A_798 = tpu.vector_load %arg4[%get3A_796, %get3A_797] {strides = array<i32>} : memref<8x1024xf32, #tpu.memory_space<vmem>>, vector<16xf32>,
        %ge3A_799 = vector.broadcast %reduce_min3A_335 : f32 to vector<16xf32>
        %ge3A_800 = arith.cmpf oge, %get3A_798, %ge3A_799 : vector<16xf32>
        %all_reduce_population_count3A_801 = tpu.all_reduce %ge3A_800 {dim = 0 : i64, kind = #tpu.reduction_kind<sum>} : vector<16xi1> -> vector<16xi32>
        %slice3A_802 = vector.extract_strided_slice %all_reduce_population_count3A_801 {offsets = [0], sizes = [1], strides = [1]} : vector<16xi32> to vector<1xi32>
        %squeeze3A_803 = vector.extract %slice3A_802[0] : i32 from vector<1xi32>
        %get3A_804 = arith.index_cast %scan3A_23 : i32 to index
        %get3A_805 = arith.constant 944 : index
        %get3A_806 = tpu.vector_load %arg4[%get3A_804, %get3A_805] {strides = array<i32>} : memref<8x1024xf32, #tpu.memory_space<vmem>>, vector<16xf32>,
        %ge3A_807 = vector.broadcast %reduce_min3A_335 : f32 to vector<16xf32>
        %ge3A_808 = arith.cmpf oge, %get3A_806, %ge3A_807 : vector<16xf32>
        %all_reduce_population_count3A_809 = tpu.all_reduce %ge3A_808 {dim = 0 : i64, kind = #tpu.reduction_kind<sum>} : vector<16xi1> -> vector<16xi32>
        %slice3A_810 = vector.extract_strided_slice %all_reduce_population_count3A_809 {offsets = [0], sizes = [1], strides = [1]} : vector<16xi32> to vector<1xi32>
        %squeeze3A_811 = vector.extract %slice3A_810[0] : i32 from vector<1xi32>
        %get3A_812 = arith.index_cast %scan3A_23 : i32 to index
        %get3A_813 = arith.constant 960 : index
        %get3A_814 = tpu.vector_load %arg4[%get3A_812, %get3A_813] {strides = array<i32>} : memref<8x1024xf32, #tpu.memory_space<vmem>>, vector<16xf32>,
        %ge3A_815 = vector.broadcast %reduce_min3A_335 : f32 to vector<16xf32>
        %ge3A_816 = arith.cmpf oge, %get3A_814, %ge3A_815 : vector<16xf32>
        %all_reduce_population_count3A_817 = tpu.all_reduce %ge3A_816 {dim = 0 : i64, kind = #tpu.reduction_kind<sum>} : vector<16xi1> -> vector<16xi32>
        %slice3A_818 = vector.extract_strided_slice %all_reduce_population_count3A_817 {offsets = [0], sizes = [1], strides = [1]} : vector<16xi32> to vector<1xi32>
        %squeeze3A_819 = vector.extract %slice3A_818[0] : i32 from vector<1xi32>
        %get3A_820 = arith.index_cast %scan3A_23 : i32 to index
        %get3A_821 = arith.constant 976 : index
        %get3A_822 = tpu.vector_load %arg4[%get3A_820, %get3A_821] {strides = array<i32>} : memref<8x1024xf32, #tpu.memory_space<vmem>>, vector<16xf32>,
        %ge3A_823 = vector.broadcast %reduce_min3A_335 : f32 to vector<16xf32>
        %ge3A_824 = arith.cmpf oge, %get3A_822, %ge3A_823 : vector<16xf32>
        %all_reduce_population_count3A_825 = tpu.all_reduce %ge3A_824 {dim = 0 : i64, kind = #tpu.reduction_kind<sum>} : vector<16xi1> -> vector<16xi32>
        %slice3A_826 = vector.extract_strided_slice %all_reduce_population_count3A_825 {offsets = [0], sizes = [1], strides = [1]} : vector<16xi32> to vector<1xi32>
        %squeeze3A_827 = vector.extract %slice3A_826[0] : i32 from vector<1xi32>
        %get3A_828 = arith.index_cast %scan3A_23 : i32 to index
        %get3A_829 = arith.constant 992 : index
        %get3A_830 = tpu.vector_load %arg4[%get3A_828, %get3A_829] {strides = array<i32>} : memref<8x1024xf32, #tpu.memory_space<vmem>>, vector<16xf32>,
        %ge3A_831 = vector.broadcast %reduce_min3A_335 : f32 to vector<16xf32>
        %ge3A_832 = arith.cmpf oge, %get3A_830, %ge3A_831 : vector<16xf32>
        %all_reduce_population_count3A_833 = tpu.all_reduce %ge3A_832 {dim = 0 : i64, kind = #tpu.reduction_kind<sum>} : vector<16xi1> -> vector<16xi32>
        %slice3A_834 = vector.extract_strided_slice %all_reduce_population_count3A_833 {offsets = [0], sizes = [1], strides = [1]} : vector<16xi32> to vector<1xi32>
        %squeeze3A_835 = vector.extract %slice3A_834[0] : i32 from vector<1xi32>
        %get3A_836 = arith.index_cast %scan3A_23 : i32 to index
        %get3A_837 = arith.constant 1008 : index
        %get3A_838 = tpu.vector_load %arg4[%get3A_836, %get3A_837] {strides = array<i32>} : memref<8x1024xf32, #tpu.memory_space<vmem>>, vector<16xf32>,
        %ge3A_839 = vector.broadcast %reduce_min3A_335 : f32 to vector<16xf32>
        %ge3A_840 = arith.cmpf oge, %get3A_838, %ge3A_839 : vector<16xf32>
        %all_reduce_population_count3A_841 = tpu.all_reduce %ge3A_840 {dim = 0 : i64, kind = #tpu.reduction_kind<sum>} : vector<16xi1> -> vector<16xi32>
        %slice3A_842 = vector.extract_strided_slice %all_reduce_population_count3A_841 {offsets = [0], sizes = [1], strides = [1]} : vector<16xi32> to vector<1xi32>
        %squeeze3A_843 = vector.extract %slice3A_842[0] : i32 from vector<1xi32>
        %add3A_844 = arith.constant 0 : i32
        %add3A_845 = arith.addi %add3A_844, %squeeze3A : i32
        %add3A_846 = arith.addi %add3A_845, %squeeze3A_347 : i32
        %add3A_847 = arith.addi %add3A_846, %squeeze3A_355 : i32
        %add3A_848 = arith.addi %add3A_847, %squeeze3A_363 : i32
        %add3A_849 = arith.addi %add3A_848, %squeeze3A_371 : i32
        %add3A_850 = arith.addi %add3A_849, %squeeze3A_379 : i32
        %add3A_851 = arith.addi %add3A_850, %squeeze3A_387 : i32
        %add3A_852 = arith.addi %add3A_851, %squeeze3A_395 : i32
        %add3A_853 = arith.addi %add3A_852, %squeeze3A_403 : i32
        %add3A_854 = arith.addi %add3A_853, %squeeze3A_411 : i32
        %add3A_855 = arith.addi %add3A_854, %squeeze3A_419 : i32
        %add3A_856 = arith.addi %add3A_855, %squeeze3A_427 : i32
        %add3A_857 = arith.addi %add3A_856, %squeeze3A_435 : i32
        %add3A_858 = arith.addi %add3A_857, %squeeze3A_443 : i32
        %add3A_859 = arith.addi %add3A_858, %squeeze3A_451 : i32
        %add3A_860 = arith.addi %add3A_859, %squeeze3A_459 : i32
        %add3A_861 = arith.addi %add3A_860, %squeeze3A_467 : i32
        %add3A_862 = arith.addi %add3A_861, %squeeze3A_475 : i32
        %add3A_863 = arith.addi %add3A_862, %squeeze3A_483 : i32
        %add3A_864 = arith.addi %add3A_863, %squeeze3A_491 : i32
        %add3A_865 = arith.addi %add3A_864, %squeeze3A_499 : i32
        %add3A_866 = arith.addi %add3A_865, %squeeze3A_507 : i32
        %add3A_867 = arith.addi %add3A_866, %squeeze3A_515 : i32
        %add3A_868 = arith.addi %add3A_867, %squeeze3A_523 : i32
        %add3A_869 = arith.addi %add3A_868, %squeeze3A_531 : i32
        %add3A_870 = arith.addi %add3A_869, %squeeze3A_539 : i32
        %add3A_871 = arith.addi %add3A_870, %squeeze3A_547 : i32
        %add3A_872 = arith.addi %add3A_871, %squeeze3A_555 : i32
        %add3A_873 = arith.addi %add3A_872, %squeeze3A_563 : i32
        %add3A_874 = arith.addi %add3A_873, %squeeze3A_571 : i32
        %add3A_875 = arith.addi %add3A_874, %squeeze3A_579 : i32
        %add3A_876 = arith.addi %add3A_875, %squeeze3A_587 : i32
        %add3A_877 = arith.addi %add3A_876, %squeeze3A_595 : i32
        %add3A_878 = arith.addi %add3A_877, %squeeze3A_603 : i32
        %add3A_879 = arith.addi %add3A_878, %squeeze3A_611 : i32
        %add3A_880 = arith.addi %add3A_879, %squeeze3A_619 : i32
        %add3A_881 = arith.addi %add3A_880, %squeeze3A_627 : i32
        %add3A_882 = arith.addi %add3A_881, %squeeze3A_635 : i32
        %add3A_883 = arith.addi %add3A_882, %squeeze3A_643 : i32
        %add3A_884 = arith.addi %add3A_883, %squeeze3A_651 : i32
        %add3A_885 = arith.addi %add3A_884, %squeeze3A_659 : i32
        %add3A_886 = arith.addi %add3A_885, %squeeze3A_667 : i32
        %add3A_887 = arith.addi %add3A_886, %squeeze3A_675 : i32
        %add3A_888 = arith.addi %add3A_887, %squeeze3A_683 : i32
        %add3A_889 = arith.addi %add3A_888, %squeeze3A_691 : i32
        %add3A_890 = arith.addi %add3A_889, %squeeze3A_699 : i32
        %add3A_891 = arith.addi %add3A_890, %squeeze3A_707 : i32
        %add3A_892 = arith.addi %add3A_891, %squeeze3A_715 : i32
        %add3A_893 = arith.addi %add3A_892, %squeeze3A_723 : i32
        %add3A_894 = arith.addi %add3A_893, %squeeze3A_731 : i32
        %add3A_895 = arith.addi %add3A_894, %squeeze3A_739 : i32
        %add3A_896 = arith.addi %add3A_895, %squeeze3A_747 : i32
        %add3A_897 = arith.addi %add3A_896, %squeeze3A_755 : i32
        %add3A_898 = arith.addi %add3A_897, %squeeze3A_763 : i32
        %add3A_899 = arith.addi %add3A_898, %squeeze3A_771 : i32
        %add3A_900 = arith.addi %add3A_899, %squeeze3A_779 : i32
        %add3A_901 = arith.addi %add3A_900, %squeeze3A_787 : i32
        %add3A_902 = arith.addi %add3A_901, %squeeze3A_795 : i32
        %add3A_903 = arith.addi %add3A_902, %squeeze3A_803 : i32
        %add3A_904 = arith.addi %add3A_903, %squeeze3A_811 : i32
        %add3A_905 = arith.addi %add3A_904, %squeeze3A_819 : i32
        %add3A_906 = arith.addi %add3A_905, %squeeze3A_827 : i32
        %add3A_907 = arith.addi %add3A_906, %squeeze3A_835 : i32
        %add3A_908 = arith.addi %add3A_907, %squeeze3A_843 : i32
        %get3A_909 = arith.index_cast %scan3A_23 : i32 to index
        %get3A_910 = arith.constant 0 : index
        %get3A_911 = tpu.vector_load %arg4[%get3A_909, %get3A_910] {strides = array<i32>} : memref<8x1024xf32, #tpu.memory_space<vmem>>, vector<16xf32>,
        %ge3A_912 = vector.broadcast %reduce_min3A_335 : f32 to vector<16xf32>
        %ge3A_913 = arith.cmpf oge, %get3A_911, %ge3A_912 : vector<16xf32>
        %swap3A = arith.constant 0 : i32
        %swap3A_914 = arith.index_cast %swap3A : i32 to index
        %swap3A_915 = tpu.vector_load %arg6[%swap3A_914] masked %ge3A_913 {strides = array<i32>} : memref<1056xf32, #tpu.memory_space<vmem>>, vector<16xf32>, vector<16xi1>
        tpu.vector_store %arg6[%swap3A_914], %get3A_911 masked %ge3A_913 {strides = array<i32>} : memref<1056xf32, #tpu.memory_space<vmem>>, vector<16xf32>, vector<16xi1>
        %add3A_916 = arith.constant 0 : i32
        %add3A_917 = vector.broadcast %add3A_916 : i32 to vector<16xi32>
        %add3A_918 = arith.addi %iota3A, %add3A_917 : vector<16xi32>
        %swap3A_919 = arith.constant 0 : i32
        %swap3A_920 = arith.index_cast %swap3A_919 : i32 to index
        %swap3A_921 = tpu.vector_load %arg7[%swap3A_920] masked %ge3A_913 {strides = array<i32>} : memref<1056xi32, #tpu.memory_space<vmem>>, vector<16xi32>, vector<16xi1>
        tpu.vector_store %arg7[%swap3A_920], %add3A_918 masked %ge3A_913 {strides = array<i32>} : memref<1056xi32, #tpu.memory_space<vmem>>, vector<16xi32>, vector<16xi1>
        %get3A_922 = arith.index_cast %scan3A_23 : i32 to index
        %get3A_923 = arith.constant 16 : index
        %get3A_924 = tpu.vector_load %arg4[%get3A_922, %get3A_923] {strides = array<i32>} : memref<8x1024xf32, #tpu.memory_space<vmem>>, vector<16xf32>,
        %ge3A_925 = vector.broadcast %reduce_min3A_335 : f32 to vector<16xf32>
        %ge3A_926 = arith.cmpf oge, %get3A_924, %ge3A_925 : vector<16xf32>
        %swap3A_927 = arith.index_cast %add3A_845 : i32 to index
        %swap3A_928 = tpu.vector_load %arg6[%swap3A_927] masked %ge3A_926 {strides = array<i32>} : memref<1056xf32, #tpu.memory_space<vmem>>, vector<16xf32>, vector<16xi1>
        tpu.vector_store %arg6[%swap3A_927], %get3A_924 masked %ge3A_926 {strides = array<i32>} : memref<1056xf32, #tpu.memory_space<vmem>>, vector<16xf32>, vector<16xi1>
        %add3A_929 = arith.constant 16 : i32
        %add3A_930 = vector.broadcast %add3A_929 : i32 to vector<16xi32>
        %add3A_931 = arith.addi %iota3A, %add3A_930 : vector<16xi32>
        %swap3A_932 = arith.index_cast %add3A_845 : i32 to index
        %swap3A_933 = tpu.vector_load %arg7[%swap3A_932] masked %ge3A_926 {strides = array<i32>} : memref<1056xi32, #tpu.memory_space<vmem>>, vector<16xi32>, vector<16xi1>
        tpu.vector_store %arg7[%swap3A_932], %add3A_931 masked %ge3A_926 {strides = array<i32>} : memref<1056xi32, #tpu.memory_space<vmem>>, vector<16xi32>, vector<16xi1>
        %get3A_934 = arith.index_cast %scan3A_23 : i32 to index
        %get3A_935 = arith.constant 32 : index
        %get3A_936 = tpu.vector_load %arg4[%get3A_934, %get3A_935] {strides = array<i32>} : memref<8x1024xf32, #tpu.memory_space<vmem>>, vector<16xf32>,
        %ge3A_937 = vector.broadcast %reduce_min3A_335 : f32 to vector<16xf32>
        %ge3A_938 = arith.cmpf oge, %get3A_936, %ge3A_937 : vector<16xf32>
        %swap3A_939 = arith.index_cast %add3A_846 : i32 to index
        %swap3A_940 = tpu.vector_load %arg6[%swap3A_939] masked %ge3A_938 {strides = array<i32>} : memref<1056xf32, #tpu.memory_space<vmem>>, vector<16xf32>, vector<16xi1>
        tpu.vector_store %arg6[%swap3A_939], %get3A_936 masked %ge3A_938 {strides = array<i32>} : memref<1056xf32, #tpu.memory_space<vmem>>, vector<16xf32>, vector<16xi1>
        %add3A_941 = arith.constant 32 : i32
        %add3A_942 = vector.broadcast %add3A_941 : i32 to vector<16xi32>
        %add3A_943 = arith.addi %iota3A, %add3A_942 : vector<16xi32>
        %swap3A_944 = arith.index_cast %add3A_846 : i32 to index
        %swap3A_945 = tpu.vector_load %arg7[%swap3A_944] masked %ge3A_938 {strides = array<i32>} : memref<1056xi32, #tpu.memory_space<vmem>>, vector<16xi32>, vector<16xi1>
        tpu.vector_store %arg7[%swap3A_944], %add3A_943 masked %ge3A_938 {strides = array<i32>} : memref<1056xi32, #tpu.memory_space<vmem>>, vector<16xi32>, vector<16xi1>
        %get3A_946 = arith.index_cast %scan3A_23 : i32 to index
        %get3A_947 = arith.constant 48 : index
        %get3A_948 = tpu.vector_load %arg4[%get3A_946, %get3A_947] {strides = array<i32>} : memref<8x1024xf32, #tpu.memory_space<vmem>>, vector<16xf32>,
        %ge3A_949 = vector.broadcast %reduce_min3A_335 : f32 to vector<16xf32>
        %ge3A_950 = arith.cmpf oge, %get3A_948, %ge3A_949 : vector<16xf32>
        %swap3A_951 = arith.index_cast %add3A_847 : i32 to index
        %swap3A_952 = tpu.vector_load %arg6[%swap3A_951] masked %ge3A_950 {strides = array<i32>} : memref<1056xf32, #tpu.memory_space<vmem>>, vector<16xf32>, vector<16xi1>
        tpu.vector_store %arg6[%swap3A_951], %get3A_948 masked %ge3A_950 {strides = array<i32>} : memref<1056xf32, #tpu.memory_space<vmem>>, vector<16xf32>, vector<16xi1>
        %add3A_953 = arith.constant 48 : i32
        %add3A_954 = vector.broadcast %add3A_953 : i32 to vector<16xi32>
        %add3A_955 = arith.addi %iota3A, %add3A_954 : vector<16xi32>
        %swap3A_956 = arith.index_cast %add3A_847 : i32 to index
        %swap3A_957 = tpu.vector_load %arg7[%swap3A_956] masked %ge3A_950 {strides = array<i32>} : memref<1056xi32, #tpu.memory_space<vmem>>, vector<16xi32>, vector<16xi1>
        tpu.vector_store %arg7[%swap3A_956], %add3A_955 masked %ge3A_950 {strides = array<i32>} : memref<1056xi32, #tpu.memory_space<vmem>>, vector<16xi32>, vector<16xi1>
        %get3A_958 = arith.index_cast %scan3A_23 : i32 to index
        %get3A_959 = arith.constant 64 : index
        %get3A_960 = tpu.vector_load %arg4[%get3A_958, %get3A_959] {strides = array<i32>} : memref<8x1024xf32, #tpu.memory_space<vmem>>, vector<16xf32>,
        %ge3A_961 = vector.broadcast %reduce_min3A_335 : f32 to vector<16xf32>
        %ge3A_962 = arith.cmpf oge, %get3A_960, %ge3A_961 : vector<16xf32>
        %swap3A_963 = arith.index_cast %add3A_848 : i32 to index
        %swap3A_964 = tpu.vector_load %arg6[%swap3A_963] masked %ge3A_962 {strides = array<i32>} : memref<1056xf32, #tpu.memory_space<vmem>>, vector<16xf32>, vector<16xi1>
        tpu.vector_store %arg6[%swap3A_963], %get3A_960 masked %ge3A_962 {strides = array<i32>} : memref<1056xf32, #tpu.memory_space<vmem>>, vector<16xf32>, vector<16xi1>
        %add3A_965 = arith.constant 64 : i32
        %add3A_966 = vector.broadcast %add3A_965 : i32 to vector<16xi32>
        %add3A_967 = arith.addi %iota3A, %add3A_966 : vector<16xi32>
        %swap3A_968 = arith.index_cast %add3A_848 : i32 to index
        %swap3A_969 = tpu.vector_load %arg7[%swap3A_968] masked %ge3A_962 {strides = array<i32>} : memref<1056xi32, #tpu.memory_space<vmem>>, vector<16xi32>, vector<16xi1>
        tpu.vector_store %arg7[%swap3A_968], %add3A_967 masked %ge3A_962 {strides = array<i32>} : memref<1056xi32, #tpu.memory_space<vmem>>, vector<16xi32>, vector<16xi1>
        %get3A_970 = arith.index_cast %scan3A_23 : i32 to index
        %get3A_971 = arith.constant 80 : index
        %get3A_972 = tpu.vector_load %arg4[%get3A_970, %get3A_971] {strides = array<i32>} : memref<8x1024xf32, #tpu.memory_space<vmem>>, vector<16xf32>,
        %ge3A_973 = vector.broadcast %reduce_min3A_335 : f32 to vector<16xf32>
        %ge3A_974 = arith.cmpf oge, %get3A_972, %ge3A_973 : vector<16xf32>
        %swap3A_975 = arith.index_cast %add3A_849 : i32 to index
        %swap3A_976 = tpu.vector_load %arg6[%swap3A_975] masked %ge3A_974 {strides = array<i32>} : memref<1056xf32, #tpu.memory_space<vmem>>, vector<16xf32>, vector<16xi1>
        tpu.vector_store %arg6[%swap3A_975], %get3A_972 masked %ge3A_974 {strides = array<i32>} : memref<1056xf32, #tpu.memory_space<vmem>>, vector<16xf32>, vector<16xi1>
        %add3A_977 = arith.constant 80 : i32
        %add3A_978 = vector.broadcast %add3A_977 : i32 to vector<16xi32>
        %add3A_979 = arith.addi %iota3A, %add3A_978 : vector<16xi32>
        %swap3A_980 = arith.index_cast %add3A_849 : i32 to index
        %swap3A_981 = tpu.vector_load %arg7[%swap3A_980] masked %ge3A_974 {strides = array<i32>} : memref<1056xi32, #tpu.memory_space<vmem>>, vector<16xi32>, vector<16xi1>
        tpu.vector_store %arg7[%swap3A_980], %add3A_979 masked %ge3A_974 {strides = array<i32>} : memref<1056xi32, #tpu.memory_space<vmem>>, vector<16xi32>, vector<16xi1>
        %get3A_982 = arith.index_cast %scan3A_23 : i32 to index
        %get3A_983 = arith.constant 96 : index
        %get3A_984 = tpu.vector_load %arg4[%get3A_982, %get3A_983] {strides = array<i32>} : memref<8x1024xf32, #tpu.memory_space<vmem>>, vector<16xf32>,
        %ge3A_985 = vector.broadcast %reduce_min3A_335 : f32 to vector<16xf32>
        %ge3A_986 = arith.cmpf oge, %get3A_984, %ge3A_985 : vector<16xf32>
        %swap3A_987 = arith.index_cast %add3A_850 : i32 to index
        %swap3A_988 = tpu.vector_load %arg6[%swap3A_987] masked %ge3A_986 {strides = array<i32>} : memref<1056xf32, #tpu.memory_space<vmem>>, vector<16xf32>, vector<16xi1>
        tpu.vector_store %arg6[%swap3A_987], %get3A_984 masked %ge3A_986 {strides = array<i32>} : memref<1056xf32, #tpu.memory_space<vmem>>, vector<16xf32>, vector<16xi1>
        %add3A_989 = arith.constant 96 : i32
        %add3A_990 = vector.broadcast %add3A_989 : i32 to vector<16xi32>
        %add3A_991 = arith.addi %iota3A, %add3A_990 : vector<16xi32>
        %swap3A_992 = arith.index_cast %add3A_850 : i32 to index
        %swap3A_993 = tpu.vector_load %arg7[%swap3A_992] masked %ge3A_986 {strides = array<i32>} : memref<1056xi32, #tpu.memory_space<vmem>>, vector<16xi32>, vector<16xi1>
        tpu.vector_store %arg7[%swap3A_992], %add3A_991 masked %ge3A_986 {strides = array<i32>} : memref<1056xi32, #tpu.memory_space<vmem>>, vector<16xi32>, vector<16xi1>
        %get3A_994 = arith.index_cast %scan3A_23 : i32 to index
        %get3A_995 = arith.constant 112 : index
        %get3A_996 = tpu.vector_load %arg4[%get3A_994, %get3A_995] {strides = array<i32>} : memref<8x1024xf32, #tpu.memory_space<vmem>>, vector<16xf32>,
        %ge3A_997 = vector.broadcast %reduce_min3A_335 : f32 to vector<16xf32>
        %ge3A_998 = arith.cmpf oge, %get3A_996, %ge3A_997 : vector<16xf32>
        %swap3A_999 = arith.index_cast %add3A_851 : i32 to index
        %swap3A_1000 = tpu.vector_load %arg6[%swap3A_999] masked %ge3A_998 {strides = array<i32>} : memref<1056xf32, #tpu.memory_space<vmem>>, vector<16xf32>, vector<16xi1>
        tpu.vector_store %arg6[%swap3A_999], %get3A_996 masked %ge3A_998 {strides = array<i32>} : memref<1056xf32, #tpu.memory_space<vmem>>, vector<16xf32>, vector<16xi1>
        %add3A_1001 = arith.constant 112 : i32
        %add3A_1002 = vector.broadcast %add3A_1001 : i32 to vector<16xi32>
        %add3A_1003 = arith.addi %iota3A, %add3A_1002 : vector<16xi32>
        %swap3A_1004 = arith.index_cast %add3A_851 : i32 to index
        %swap3A_1005 = tpu.vector_load %arg7[%swap3A_1004] masked %ge3A_998 {strides = array<i32>} : memref<1056xi32, #tpu.memory_space<vmem>>, vector<16xi32>, vector<16xi1>
        tpu.vector_store %arg7[%swap3A_1004], %add3A_1003 masked %ge3A_998 {strides = array<i32>} : memref<1056xi32, #tpu.memory_space<vmem>>, vector<16xi32>, vector<16xi1>
        %get3A_1006 = arith.index_cast %scan3A_23 : i32 to index
        %get3A_1007 = arith.constant 128 : index
        %get3A_1008 = tpu.vector_load %arg4[%get3A_1006, %get3A_1007] {strides = array<i32>} : memref<8x1024xf32, #tpu.memory_space<vmem>>, vector<16xf32>,
        %ge3A_1009 = vector.broadcast %reduce_min3A_335 : f32 to vector<16xf32>
        %ge3A_1010 = arith.cmpf oge, %get3A_1008, %ge3A_1009 : vector<16xf32>
        %swap3A_1011 = arith.index_cast %add3A_852 : i32 to index
        %swap3A_1012 = tpu.vector_load %arg6[%swap3A_1011] masked %ge3A_1010 {strides = array<i32>} : memref<1056xf32, #tpu.memory_space<vmem>>, vector<16xf32>, vector<16xi1>
        tpu.vector_store %arg6[%swap3A_1011], %get3A_1008 masked %ge3A_1010 {strides = array<i32>} : memref<1056xf32, #tpu.memory_space<vmem>>, vector<16xf32>, vector<16xi1>
        %add3A_1013 = arith.constant 128 : i32
        %add3A_1014 = vector.broadcast %add3A_1013 : i32 to vector<16xi32>
        %add3A_1015 = arith.addi %iota3A, %add3A_1014 : vector<16xi32>
        %swap3A_1016 = arith.index_cast %add3A_852 : i32 to index
        %swap3A_1017 = tpu.vector_load %arg7[%swap3A_1016] masked %ge3A_1010 {strides = array<i32>} : memref<1056xi32, #tpu.memory_space<vmem>>, vector<16xi32>, vector<16xi1>
        tpu.vector_store %arg7[%swap3A_1016], %add3A_1015 masked %ge3A_1010 {strides = array<i32>} : memref<1056xi32, #tpu.memory_space<vmem>>, vector<16xi32>, vector<16xi1>
        %get3A_1018 = arith.index_cast %scan3A_23 : i32 to index
        %get3A_1019 = arith.constant 144 : index
        %get3A_1020 = tpu.vector_load %arg4[%get3A_1018, %get3A_1019] {strides = array<i32>} : memref<8x1024xf32, #tpu.memory_space<vmem>>, vector<16xf32>,
        %ge3A_1021 = vector.broadcast %reduce_min3A_335 : f32 to vector<16xf32>
        %ge3A_1022 = arith.cmpf oge, %get3A_1020, %ge3A_1021 : vector<16xf32>
        %swap3A_1023 = arith.index_cast %add3A_853 : i32 to index
        %swap3A_1024 = tpu.vector_load %arg6[%swap3A_1023] masked %ge3A_1022 {strides = array<i32>} : memref<1056xf32, #tpu.memory_space<vmem>>, vector<16xf32>, vector<16xi1>
        tpu.vector_store %arg6[%swap3A_1023], %get3A_1020 masked %ge3A_1022 {strides = array<i32>} : memref<1056xf32, #tpu.memory_space<vmem>>, vector<16xf32>, vector<16xi1>
        %add3A_1025 = arith.constant 144 : i32
        %add3A_1026 = vector.broadcast %add3A_1025 : i32 to vector<16xi32>
        %add3A_1027 = arith.addi %iota3A, %add3A_1026 : vector<16xi32>
        %swap3A_1028 = arith.index_cast %add3A_853 : i32 to index
        %swap3A_1029 = tpu.vector_load %arg7[%swap3A_1028] masked %ge3A_1022 {strides = array<i32>} : memref<1056xi32, #tpu.memory_space<vmem>>, vector<16xi32>, vector<16xi1>
        tpu.vector_store %arg7[%swap3A_1028], %add3A_1027 masked %ge3A_1022 {strides = array<i32>} : memref<1056xi32, #tpu.memory_space<vmem>>, vector<16xi32>, vector<16xi1>
        %get3A_1030 = arith.index_cast %scan3A_23 : i32 to index
        %get3A_1031 = arith.constant 160 : index
        %get3A_1032 = tpu.vector_load %arg4[%get3A_1030, %get3A_1031] {strides = array<i32>} : memref<8x1024xf32, #tpu.memory_space<vmem>>, vector<16xf32>,
        %ge3A_1033 = vector.broadcast %reduce_min3A_335 : f32 to vector<16xf32>
        %ge3A_1034 = arith.cmpf oge, %get3A_1032, %ge3A_1033 : vector<16xf32>
        %swap3A_1035 = arith.index_cast %add3A_854 : i32 to index
        %swap3A_1036 = tpu.vector_load %arg6[%swap3A_1035] masked %ge3A_1034 {strides = array<i32>} : memref<1056xf32, #tpu.memory_space<vmem>>, vector<16xf32>, vector<16xi1>
        tpu.vector_store %arg6[%swap3A_1035], %get3A_1032 masked %ge3A_1034 {strides = array<i32>} : memref<1056xf32, #tpu.memory_space<vmem>>, vector<16xf32>, vector<16xi1>
        %add3A_1037 = arith.constant 160 : i32
        %add3A_1038 = vector.broadcast %add3A_1037 : i32 to vector<16xi32>
        %add3A_1039 = arith.addi %iota3A, %add3A_1038 : vector<16xi32>
        %swap3A_1040 = arith.index_cast %add3A_854 : i32 to index
        %swap3A_1041 = tpu.vector_load %arg7[%swap3A_1040] masked %ge3A_1034 {strides = array<i32>} : memref<1056xi32, #tpu.memory_space<vmem>>, vector<16xi32>, vector<16xi1>
        tpu.vector_store %arg7[%swap3A_1040], %add3A_1039 masked %ge3A_1034 {strides = array<i32>} : memref<1056xi32, #tpu.memory_space<vmem>>, vector<16xi32>, vector<16xi1>
        %get3A_1042 = arith.index_cast %scan3A_23 : i32 to index
        %get3A_1043 = arith.constant 176 : index
        %get3A_1044 = tpu.vector_load %arg4[%get3A_1042, %get3A_1043] {strides = array<i32>} : memref<8x1024xf32, #tpu.memory_space<vmem>>, vector<16xf32>,
        %ge3A_1045 = vector.broadcast %reduce_min3A_335 : f32 to vector<16xf32>
        %ge3A_1046 = arith.cmpf oge, %get3A_1044, %ge3A_1045 : vector<16xf32>
        %swap3A_1047 = arith.index_cast %add3A_855 : i32 to index
        %swap3A_1048 = tpu.vector_load %arg6[%swap3A_1047] masked %ge3A_1046 {strides = array<i32>} : memref<1056xf32, #tpu.memory_space<vmem>>, vector<16xf32>, vector<16xi1>
        tpu.vector_store %arg6[%swap3A_1047], %get3A_1044 masked %ge3A_1046 {strides = array<i32>} : memref<1056xf32, #tpu.memory_space<vmem>>, vector<16xf32>, vector<16xi1>
        %add3A_1049 = arith.constant 176 : i32
        %add3A_1050 = vector.broadcast %add3A_1049 : i32 to vector<16xi32>
        %add3A_1051 = arith.addi %iota3A, %add3A_1050 : vector<16xi32>
        %swap3A_1052 = arith.index_cast %add3A_855 : i32 to index
        %swap3A_1053 = tpu.vector_load %arg7[%swap3A_1052] masked %ge3A_1046 {strides = array<i32>} : memref<1056xi32, #tpu.memory_space<vmem>>, vector<16xi32>, vector<16xi1>
        tpu.vector_store %arg7[%swap3A_1052], %add3A_1051 masked %ge3A_1046 {strides = array<i32>} : memref<1056xi32, #tpu.memory_space<vmem>>, vector<16xi32>, vector<16xi1>
        %get3A_1054 = arith.index_cast %scan3A_23 : i32 to index
        %get3A_1055 = arith.constant 192 : index
        %get3A_1056 = tpu.vector_load %arg4[%get3A_1054, %get3A_1055] {strides = array<i32>} : memref<8x1024xf32, #tpu.memory_space<vmem>>, vector<16xf32>,
        %ge3A_1057 = vector.broadcast %reduce_min3A_335 : f32 to vector<16xf32>
        %ge3A_1058 = arith.cmpf oge, %get3A_1056, %ge3A_1057 : vector<16xf32>
        %swap3A_1059 = arith.index_cast %add3A_856 : i32 to index
        %swap3A_1060 = tpu.vector_load %arg6[%swap3A_1059] masked %ge3A_1058 {strides = array<i32>} : memref<1056xf32, #tpu.memory_space<vmem>>, vector<16xf32>, vector<16xi1>
        tpu.vector_store %arg6[%swap3A_1059], %get3A_1056 masked %ge3A_1058 {strides = array<i32>} : memref<1056xf32, #tpu.memory_space<vmem>>, vector<16xf32>, vector<16xi1>
        %add3A_1061 = arith.constant 192 : i32
        %add3A_1062 = vector.broadcast %add3A_1061 : i32 to vector<16xi32>
        %add3A_1063 = arith.addi %iota3A, %add3A_1062 : vector<16xi32>
        %swap3A_1064 = arith.index_cast %add3A_856 : i32 to index
        %swap3A_1065 = tpu.vector_load %arg7[%swap3A_1064] masked %ge3A_1058 {strides = array<i32>} : memref<1056xi32, #tpu.memory_space<vmem>>, vector<16xi32>, vector<16xi1>
        tpu.vector_store %arg7[%swap3A_1064], %add3A_1063 masked %ge3A_1058 {strides = array<i32>} : memref<1056xi32, #tpu.memory_space<vmem>>, vector<16xi32>, vector<16xi1>
        %get3A_1066 = arith.index_cast %scan3A_23 : i32 to index
        %get3A_1067 = arith.constant 208 : index
        %get3A_1068 = tpu.vector_load %arg4[%get3A_1066, %get3A_1067] {strides = array<i32>} : memref<8x1024xf32, #tpu.memory_space<vmem>>, vector<16xf32>,
        %ge3A_1069 = vector.broadcast %reduce_min3A_335 : f32 to vector<16xf32>
        %ge3A_1070 = arith.cmpf oge, %get3A_1068, %ge3A_1069 : vector<16xf32>
        %swap3A_1071 = arith.index_cast %add3A_857 : i32 to index
        %swap3A_1072 = tpu.vector_load %arg6[%swap3A_1071] masked %ge3A_1070 {strides = array<i32>} : memref<1056xf32, #tpu.memory_space<vmem>>, vector<16xf32>, vector<16xi1>
        tpu.vector_store %arg6[%swap3A_1071], %get3A_1068 masked %ge3A_1070 {strides = array<i32>} : memref<1056xf32, #tpu.memory_space<vmem>>, vector<16xf32>, vector<16xi1>
        %add3A_1073 = arith.constant 208 : i32
        %add3A_1074 = vector.broadcast %add3A_1073 : i32 to vector<16xi32>
        %add3A_1075 = arith.addi %iota3A, %add3A_1074 : vector<16xi32>
        %swap3A_1076 = arith.index_cast %add3A_857 : i32 to index
        %swap3A_1077 = tpu.vector_load %arg7[%swap3A_1076] masked %ge3A_1070 {strides = array<i32>} : memref<1056xi32, #tpu.memory_space<vmem>>, vector<16xi32>, vector<16xi1>
        tpu.vector_store %arg7[%swap3A_1076], %add3A_1075 masked %ge3A_1070 {strides = array<i32>} : memref<1056xi32, #tpu.memory_space<vmem>>, vector<16xi32>, vector<16xi1>
        %get3A_1078 = arith.index_cast %scan3A_23 : i32 to index
        %get3A_1079 = arith.constant 224 : index
        %get3A_1080 = tpu.vector_load %arg4[%get3A_1078, %get3A_1079] {strides = array<i32>} : memref<8x1024xf32, #tpu.memory_space<vmem>>, vector<16xf32>,
        %ge3A_1081 = vector.broadcast %reduce_min3A_335 : f32 to vector<16xf32>
        %ge3A_1082 = arith.cmpf oge, %get3A_1080, %ge3A_1081 : vector<16xf32>
        %swap3A_1083 = arith.index_cast %add3A_858 : i32 to index
        %swap3A_1084 = tpu.vector_load %arg6[%swap3A_1083] masked %ge3A_1082 {strides = array<i32>} : memref<1056xf32, #tpu.memory_space<vmem>>, vector<16xf32>, vector<16xi1>
        tpu.vector_store %arg6[%swap3A_1083], %get3A_1080 masked %ge3A_1082 {strides = array<i32>} : memref<1056xf32, #tpu.memory_space<vmem>>, vector<16xf32>, vector<16xi1>
        %add3A_1085 = arith.constant 224 : i32
        %add3A_1086 = vector.broadcast %add3A_1085 : i32 to vector<16xi32>
        %add3A_1087 = arith.addi %iota3A, %add3A_1086 : vector<16xi32>
        %swap3A_1088 = arith.index_cast %add3A_858 : i32 to index
        %swap3A_1089 = tpu.vector_load %arg7[%swap3A_1088] masked %ge3A_1082 {strides = array<i32>} : memref<1056xi32, #tpu.memory_space<vmem>>, vector<16xi32>, vector<16xi1>
        tpu.vector_store %arg7[%swap3A_1088], %add3A_1087 masked %ge3A_1082 {strides = array<i32>} : memref<1056xi32, #tpu.memory_space<vmem>>, vector<16xi32>, vector<16xi1>
        %get3A_1090 = arith.index_cast %scan3A_23 : i32 to index
        %get3A_1091 = arith.constant 240 : index
        %get3A_1092 = tpu.vector_load %arg4[%get3A_1090, %get3A_1091] {strides = array<i32>} : memref<8x1024xf32, #tpu.memory_space<vmem>>, vector<16xf32>,
        %ge3A_1093 = vector.broadcast %reduce_min3A_335 : f32 to vector<16xf32>
        %ge3A_1094 = arith.cmpf oge, %get3A_1092, %ge3A_1093 : vector<16xf32>
        %swap3A_1095 = arith.index_cast %add3A_859 : i32 to index
        %swap3A_1096 = tpu.vector_load %arg6[%swap3A_1095] masked %ge3A_1094 {strides = array<i32>} : memref<1056xf32, #tpu.memory_space<vmem>>, vector<16xf32>, vector<16xi1>
        tpu.vector_store %arg6[%swap3A_1095], %get3A_1092 masked %ge3A_1094 {strides = array<i32>} : memref<1056xf32, #tpu.memory_space<vmem>>, vector<16xf32>, vector<16xi1>
        %add3A_1097 = arith.constant 240 : i32
        %add3A_1098 = vector.broadcast %add3A_1097 : i32 to vector<16xi32>
        %add3A_1099 = arith.addi %iota3A, %add3A_1098 : vector<16xi32>
        %swap3A_1100 = arith.index_cast %add3A_859 : i32 to index
        %swap3A_1101 = tpu.vector_load %arg7[%swap3A_1100] masked %ge3A_1094 {strides = array<i32>} : memref<1056xi32, #tpu.memory_space<vmem>>, vector<16xi32>, vector<16xi1>
        tpu.vector_store %arg7[%swap3A_1100], %add3A_1099 masked %ge3A_1094 {strides = array<i32>} : memref<1056xi32, #tpu.memory_space<vmem>>, vector<16xi32>, vector<16xi1>
        %get3A_1102 = arith.index_cast %scan3A_23 : i32 to index
        %get3A_1103 = arith.constant 256 : index
        %get3A_1104 = tpu.vector_load %arg4[%get3A_1102, %get3A_1103] {strides = array<i32>} : memref<8x1024xf32, #tpu.memory_space<vmem>>, vector<16xf32>,
        %ge3A_1105 = vector.broadcast %reduce_min3A_335 : f32 to vector<16xf32>
        %ge3A_1106 = arith.cmpf oge, %get3A_1104, %ge3A_1105 : vector<16xf32>
        %swap3A_1107 = arith.index_cast %add3A_860 : i32 to index
        %swap3A_1108 = tpu.vector_load %arg6[%swap3A_1107] masked %ge3A_1106 {strides = array<i32>} : memref<1056xf32, #tpu.memory_space<vmem>>, vector<16xf32>, vector<16xi1>
        tpu.vector_store %arg6[%swap3A_1107], %get3A_1104 masked %ge3A_1106 {strides = array<i32>} : memref<1056xf32, #tpu.memory_space<vmem>>, vector<16xf32>, vector<16xi1>
        %add3A_1109 = arith.constant 256 : i32
        %add3A_1110 = vector.broadcast %add3A_1109 : i32 to vector<16xi32>
        %add3A_1111 = arith.addi %iota3A, %add3A_1110 : vector<16xi32>
        %swap3A_1112 = arith.index_cast %add3A_860 : i32 to index
        %swap3A_1113 = tpu.vector_load %arg7[%swap3A_1112] masked %ge3A_1106 {strides = array<i32>} : memref<1056xi32, #tpu.memory_space<vmem>>, vector<16xi32>, vector<16xi1>
        tpu.vector_store %arg7[%swap3A_1112], %add3A_1111 masked %ge3A_1106 {strides = array<i32>} : memref<1056xi32, #tpu.memory_space<vmem>>, vector<16xi32>, vector<16xi1>
        %get3A_1114 = arith.index_cast %scan3A_23 : i32 to index
        %get3A_1115 = arith.constant 272 : index
        %get3A_1116 = tpu.vector_load %arg4[%get3A_1114, %get3A_1115] {strides = array<i32>} : memref<8x1024xf32, #tpu.memory_space<vmem>>, vector<16xf32>,
        %ge3A_1117 = vector.broadcast %reduce_min3A_335 : f32 to vector<16xf32>
        %ge3A_1118 = arith.cmpf oge, %get3A_1116, %ge3A_1117 : vector<16xf32>
        %swap3A_1119 = arith.index_cast %add3A_861 : i32 to index
        %swap3A_1120 = tpu.vector_load %arg6[%swap3A_1119] masked %ge3A_1118 {strides = array<i32>} : memref<1056xf32, #tpu.memory_space<vmem>>, vector<16xf32>, vector<16xi1>
        tpu.vector_store %arg6[%swap3A_1119], %get3A_1116 masked %ge3A_1118 {strides = array<i32>} : memref<1056xf32, #tpu.memory_space<vmem>>, vector<16xf32>, vector<16xi1>
        %add3A_1121 = arith.constant 272 : i32
        %add3A_1122 = vector.broadcast %add3A_1121 : i32 to vector<16xi32>
        %add3A_1123 = arith.addi %iota3A, %add3A_1122 : vector<16xi32>
        %swap3A_1124 = arith.index_cast %add3A_861 : i32 to index
        %swap3A_1125 = tpu.vector_load %arg7[%swap3A_1124] masked %ge3A_1118 {strides = array<i32>} : memref<1056xi32, #tpu.memory_space<vmem>>, vector<16xi32>, vector<16xi1>
        tpu.vector_store %arg7[%swap3A_1124], %add3A_1123 masked %ge3A_1118 {strides = array<i32>} : memref<1056xi32, #tpu.memory_space<vmem>>, vector<16xi32>, vector<16xi1>
        %get3A_1126 = arith.index_cast %scan3A_23 : i32 to index
        %get3A_1127 = arith.constant 288 : index
        %get3A_1128 = tpu.vector_load %arg4[%get3A_1126, %get3A_1127] {strides = array<i32>} : memref<8x1024xf32, #tpu.memory_space<vmem>>, vector<16xf32>,
        %ge3A_1129 = vector.broadcast %reduce_min3A_335 : f32 to vector<16xf32>
        %ge3A_1130 = arith.cmpf oge, %get3A_1128, %ge3A_1129 : vector<16xf32>
        %swap3A_1131 = arith.index_cast %add3A_862 : i32 to index
        %swap3A_1132 = tpu.vector_load %arg6[%swap3A_1131] masked %ge3A_1130 {strides = array<i32>} : memref<1056xf32, #tpu.memory_space<vmem>>, vector<16xf32>, vector<16xi1>
        tpu.vector_store %arg6[%swap3A_1131], %get3A_1128 masked %ge3A_1130 {strides = array<i32>} : memref<1056xf32, #tpu.memory_space<vmem>>, vector<16xf32>, vector<16xi1>
        %add3A_1133 = arith.constant 288 : i32
        %add3A_1134 = vector.broadcast %add3A_1133 : i32 to vector<16xi32>
        %add3A_1135 = arith.addi %iota3A, %add3A_1134 : vector<16xi32>
        %swap3A_1136 = arith.index_cast %add3A_862 : i32 to index
        %swap3A_1137 = tpu.vector_load %arg7[%swap3A_1136] masked %ge3A_1130 {strides = array<i32>} : memref<1056xi32, #tpu.memory_space<vmem>>, vector<16xi32>, vector<16xi1>
        tpu.vector_store %arg7[%swap3A_1136], %add3A_1135 masked %ge3A_1130 {strides = array<i32>} : memref<1056xi32, #tpu.memory_space<vmem>>, vector<16xi32>, vector<16xi1>
        %get3A_1138 = arith.index_cast %scan3A_23 : i32 to index
        %get3A_1139 = arith.constant 304 : index
        %get3A_1140 = tpu.vector_load %arg4[%get3A_1138, %get3A_1139] {strides = array<i32>} : memref<8x1024xf32, #tpu.memory_space<vmem>>, vector<16xf32>,
        %ge3A_1141 = vector.broadcast %reduce_min3A_335 : f32 to vector<16xf32>
        %ge3A_1142 = arith.cmpf oge, %get3A_1140, %ge3A_1141 : vector<16xf32>
        %swap3A_1143 = arith.index_cast %add3A_863 : i32 to index
        %swap3A_1144 = tpu.vector_load %arg6[%swap3A_1143] masked %ge3A_1142 {strides = array<i32>} : memref<1056xf32, #tpu.memory_space<vmem>>, vector<16xf32>, vector<16xi1>
        tpu.vector_store %arg6[%swap3A_1143], %get3A_1140 masked %ge3A_1142 {strides = array<i32>} : memref<1056xf32, #tpu.memory_space<vmem>>, vector<16xf32>, vector<16xi1>
        %add3A_1145 = arith.constant 304 : i32
        %add3A_1146 = vector.broadcast %add3A_1145 : i32 to vector<16xi32>
        %add3A_1147 = arith.addi %iota3A, %add3A_1146 : vector<16xi32>
        %swap3A_1148 = arith.index_cast %add3A_863 : i32 to index
        %swap3A_1149 = tpu.vector_load %arg7[%swap3A_1148] masked %ge3A_1142 {strides = array<i32>} : memref<1056xi32, #tpu.memory_space<vmem>>, vector<16xi32>, vector<16xi1>
        tpu.vector_store %arg7[%swap3A_1148], %add3A_1147 masked %ge3A_1142 {strides = array<i32>} : memref<1056xi32, #tpu.memory_space<vmem>>, vector<16xi32>, vector<16xi1>
        %get3A_1150 = arith.index_cast %scan3A_23 : i32 to index
        %get3A_1151 = arith.constant 320 : index
        %get3A_1152 = tpu.vector_load %arg4[%get3A_1150, %get3A_1151] {strides = array<i32>} : memref<8x1024xf32, #tpu.memory_space<vmem>>, vector<16xf32>,
        %ge3A_1153 = vector.broadcast %reduce_min3A_335 : f32 to vector<16xf32>
        %ge3A_1154 = arith.cmpf oge, %get3A_1152, %ge3A_1153 : vector<16xf32>
        %swap3A_1155 = arith.index_cast %add3A_864 : i32 to index
        %swap3A_1156 = tpu.vector_load %arg6[%swap3A_1155] masked %ge3A_1154 {strides = array<i32>} : memref<1056xf32, #tpu.memory_space<vmem>>, vector<16xf32>, vector<16xi1>
        tpu.vector_store %arg6[%swap3A_1155], %get3A_1152 masked %ge3A_1154 {strides = array<i32>} : memref<1056xf32, #tpu.memory_space<vmem>>, vector<16xf32>, vector<16xi1>
        %add3A_1157 = arith.constant 320 : i32
        %add3A_1158 = vector.broadcast %add3A_1157 : i32 to vector<16xi32>
        %add3A_1159 = arith.addi %iota3A, %add3A_1158 : vector<16xi32>
        %swap3A_1160 = arith.index_cast %add3A_864 : i32 to index
        %swap3A_1161 = tpu.vector_load %arg7[%swap3A_1160] masked %ge3A_1154 {strides = array<i32>} : memref<1056xi32, #tpu.memory_space<vmem>>, vector<16xi32>, vector<16xi1>
        tpu.vector_store %arg7[%swap3A_1160], %add3A_1159 masked %ge3A_1154 {strides = array<i32>} : memref<1056xi32, #tpu.memory_space<vmem>>, vector<16xi32>, vector<16xi1>
        %get3A_1162 = arith.index_cast %scan3A_23 : i32 to index
        %get3A_1163 = arith.constant 336 : index
        %get3A_1164 = tpu.vector_load %arg4[%get3A_1162, %get3A_1163] {strides = array<i32>} : memref<8x1024xf32, #tpu.memory_space<vmem>>, vector<16xf32>,
        %ge3A_1165 = vector.broadcast %reduce_min3A_335 : f32 to vector<16xf32>
        %ge3A_1166 = arith.cmpf oge, %get3A_1164, %ge3A_1165 : vector<16xf32>
        %swap3A_1167 = arith.index_cast %add3A_865 : i32 to index
        %swap3A_1168 = tpu.vector_load %arg6[%swap3A_1167] masked %ge3A_1166 {strides = array<i32>} : memref<1056xf32, #tpu.memory_space<vmem>>, vector<16xf32>, vector<16xi1>
        tpu.vector_store %arg6[%swap3A_1167], %get3A_1164 masked %ge3A_1166 {strides = array<i32>} : memref<1056xf32, #tpu.memory_space<vmem>>, vector<16xf32>, vector<16xi1>
        %add3A_1169 = arith.constant 336 : i32
        %add3A_1170 = vector.broadcast %add3A_1169 : i32 to vector<16xi32>
        %add3A_1171 = arith.addi %iota3A, %add3A_1170 : vector<16xi32>
        %swap3A_1172 = arith.index_cast %add3A_865 : i32 to index
        %swap3A_1173 = tpu.vector_load %arg7[%swap3A_1172] masked %ge3A_1166 {strides = array<i32>} : memref<1056xi32, #tpu.memory_space<vmem>>, vector<16xi32>, vector<16xi1>
        tpu.vector_store %arg7[%swap3A_1172], %add3A_1171 masked %ge3A_1166 {strides = array<i32>} : memref<1056xi32, #tpu.memory_space<vmem>>, vector<16xi32>, vector<16xi1>
        %get3A_1174 = arith.index_cast %scan3A_23 : i32 to index
        %get3A_1175 = arith.constant 352 : index
        %get3A_1176 = tpu.vector_load %arg4[%get3A_1174, %get3A_1175] {strides = array<i32>} : memref<8x1024xf32, #tpu.memory_space<vmem>>, vector<16xf32>,
        %ge3A_1177 = vector.broadcast %reduce_min3A_335 : f32 to vector<16xf32>
        %ge3A_1178 = arith.cmpf oge, %get3A_1176, %ge3A_1177 : vector<16xf32>
        %swap3A_1179 = arith.index_cast %add3A_866 : i32 to index
        %swap3A_1180 = tpu.vector_load %arg6[%swap3A_1179] masked %ge3A_1178 {strides = array<i32>} : memref<1056xf32, #tpu.memory_space<vmem>>, vector<16xf32>, vector<16xi1>
        tpu.vector_store %arg6[%swap3A_1179], %get3A_1176 masked %ge3A_1178 {strides = array<i32>} : memref<1056xf32, #tpu.memory_space<vmem>>, vector<16xf32>, vector<16xi1>
        %add3A_1181 = arith.constant 352 : i32
        %add3A_1182 = vector.broadcast %add3A_1181 : i32 to vector<16xi32>
        %add3A_1183 = arith.addi %iota3A, %add3A_1182 : vector<16xi32>
        %swap3A_1184 = arith.index_cast %add3A_866 : i32 to index
        %swap3A_1185 = tpu.vector_load %arg7[%swap3A_1184] masked %ge3A_1178 {strides = array<i32>} : memref<1056xi32, #tpu.memory_space<vmem>>, vector<16xi32>, vector<16xi1>
        tpu.vector_store %arg7[%swap3A_1184], %add3A_1183 masked %ge3A_1178 {strides = array<i32>} : memref<1056xi32, #tpu.memory_space<vmem>>, vector<16xi32>, vector<16xi1>
        %get3A_1186 = arith.index_cast %scan3A_23 : i32 to index
        %get3A_1187 = arith.constant 368 : index
        %get3A_1188 = tpu.vector_load %arg4[%get3A_1186, %get3A_1187] {strides = array<i32>} : memref<8x1024xf32, #tpu.memory_space<vmem>>, vector<16xf32>,
        %ge3A_1189 = vector.broadcast %reduce_min3A_335 : f32 to vector<16xf32>
        %ge3A_1190 = arith.cmpf oge, %get3A_1188, %ge3A_1189 : vector<16xf32>
        %swap3A_1191 = arith.index_cast %add3A_867 : i32 to index
        %swap3A_1192 = tpu.vector_load %arg6[%swap3A_1191] masked %ge3A_1190 {strides = array<i32>} : memref<1056xf32, #tpu.memory_space<vmem>>, vector<16xf32>, vector<16xi1>
        tpu.vector_store %arg6[%swap3A_1191], %get3A_1188 masked %ge3A_1190 {strides = array<i32>} : memref<1056xf32, #tpu.memory_space<vmem>>, vector<16xf32>, vector<16xi1>
        %add3A_1193 = arith.constant 368 : i32
        %add3A_1194 = vector.broadcast %add3A_1193 : i32 to vector<16xi32>
        %add3A_1195 = arith.addi %iota3A, %add3A_1194 : vector<16xi32>
        %swap3A_1196 = arith.index_cast %add3A_867 : i32 to index
        %swap3A_1197 = tpu.vector_load %arg7[%swap3A_1196] masked %ge3A_1190 {strides = array<i32>} : memref<1056xi32, #tpu.memory_space<vmem>>, vector<16xi32>, vector<16xi1>
        tpu.vector_store %arg7[%swap3A_1196], %add3A_1195 masked %ge3A_1190 {strides = array<i32>} : memref<1056xi32, #tpu.memory_space<vmem>>, vector<16xi32>, vector<16xi1>
        %get3A_1198 = arith.index_cast %scan3A_23 : i32 to index
        %get3A_1199 = arith.constant 384 : index
        %get3A_1200 = tpu.vector_load %arg4[%get3A_1198, %get3A_1199] {strides = array<i32>} : memref<8x1024xf32, #tpu.memory_space<vmem>>, vector<16xf32>,
        %ge3A_1201 = vector.broadcast %reduce_min3A_335 : f32 to vector<16xf32>
        %ge3A_1202 = arith.cmpf oge, %get3A_1200, %ge3A_1201 : vector<16xf32>
        %swap3A_1203 = arith.index_cast %add3A_868 : i32 to index
        %swap3A_1204 = tpu.vector_load %arg6[%swap3A_1203] masked %ge3A_1202 {strides = array<i32>} : memref<1056xf32, #tpu.memory_space<vmem>>, vector<16xf32>, vector<16xi1>
        tpu.vector_store %arg6[%swap3A_1203], %get3A_1200 masked %ge3A_1202 {strides = array<i32>} : memref<1056xf32, #tpu.memory_space<vmem>>, vector<16xf32>, vector<16xi1>
        %add3A_1205 = arith.constant 384 : i32
        %add3A_1206 = vector.broadcast %add3A_1205 : i32 to vector<16xi32>
        %add3A_1207 = arith.addi %iota3A, %add3A_1206 : vector<16xi32>
        %swap3A_1208 = arith.index_cast %add3A_868 : i32 to index
        %swap3A_1209 = tpu.vector_load %arg7[%swap3A_1208] masked %ge3A_1202 {strides = array<i32>} : memref<1056xi32, #tpu.memory_space<vmem>>, vector<16xi32>, vector<16xi1>
        tpu.vector_store %arg7[%swap3A_1208], %add3A_1207 masked %ge3A_1202 {strides = array<i32>} : memref<1056xi32, #tpu.memory_space<vmem>>, vector<16xi32>, vector<16xi1>
        %get3A_1210 = arith.index_cast %scan3A_23 : i32 to index
        %get3A_1211 = arith.constant 400 : index
        %get3A_1212 = tpu.vector_load %arg4[%get3A_1210, %get3A_1211] {strides = array<i32>} : memref<8x1024xf32, #tpu.memory_space<vmem>>, vector<16xf32>,
        %ge3A_1213 = vector.broadcast %reduce_min3A_335 : f32 to vector<16xf32>
        %ge3A_1214 = arith.cmpf oge, %get3A_1212, %ge3A_1213 : vector<16xf32>
        %swap3A_1215 = arith.index_cast %add3A_869 : i32 to index
        %swap3A_1216 = tpu.vector_load %arg6[%swap3A_1215] masked %ge3A_1214 {strides = array<i32>} : memref<1056xf32, #tpu.memory_space<vmem>>, vector<16xf32>, vector<16xi1>
        tpu.vector_store %arg6[%swap3A_1215], %get3A_1212 masked %ge3A_1214 {strides = array<i32>} : memref<1056xf32, #tpu.memory_space<vmem>>, vector<16xf32>, vector<16xi1>
        %add3A_1217 = arith.constant 400 : i32
        %add3A_1218 = vector.broadcast %add3A_1217 : i32 to vector<16xi32>
        %add3A_1219 = arith.addi %iota3A, %add3A_1218 : vector<16xi32>
        %swap3A_1220 = arith.index_cast %add3A_869 : i32 to index
        %swap3A_1221 = tpu.vector_load %arg7[%swap3A_1220] masked %ge3A_1214 {strides = array<i32>} : memref<1056xi32, #tpu.memory_space<vmem>>, vector<16xi32>, vector<16xi1>
        tpu.vector_store %arg7[%swap3A_1220], %add3A_1219 masked %ge3A_1214 {strides = array<i32>} : memref<1056xi32, #tpu.memory_space<vmem>>, vector<16xi32>, vector<16xi1>
        %get3A_1222 = arith.index_cast %scan3A_23 : i32 to index
        %get3A_1223 = arith.constant 416 : index
        %get3A_1224 = tpu.vector_load %arg4[%get3A_1222, %get3A_1223] {strides = array<i32>} : memref<8x1024xf32, #tpu.memory_space<vmem>>, vector<16xf32>,
        %ge3A_1225 = vector.broadcast %reduce_min3A_335 : f32 to vector<16xf32>
        %ge3A_1226 = arith.cmpf oge, %get3A_1224, %ge3A_1225 : vector<16xf32>
        %swap3A_1227 = arith.index_cast %add3A_870 : i32 to index
        %swap3A_1228 = tpu.vector_load %arg6[%swap3A_1227] masked %ge3A_1226 {strides = array<i32>} : memref<1056xf32, #tpu.memory_space<vmem>>, vector<16xf32>, vector<16xi1>
        tpu.vector_store %arg6[%swap3A_1227], %get3A_1224 masked %ge3A_1226 {strides = array<i32>} : memref<1056xf32, #tpu.memory_space<vmem>>, vector<16xf32>, vector<16xi1>
        %add3A_1229 = arith.constant 416 : i32
        %add3A_1230 = vector.broadcast %add3A_1229 : i32 to vector<16xi32>
        %add3A_1231 = arith.addi %iota3A, %add3A_1230 : vector<16xi32>
        %swap3A_1232 = arith.index_cast %add3A_870 : i32 to index
        %swap3A_1233 = tpu.vector_load %arg7[%swap3A_1232] masked %ge3A_1226 {strides = array<i32>} : memref<1056xi32, #tpu.memory_space<vmem>>, vector<16xi32>, vector<16xi1>
        tpu.vector_store %arg7[%swap3A_1232], %add3A_1231 masked %ge3A_1226 {strides = array<i32>} : memref<1056xi32, #tpu.memory_space<vmem>>, vector<16xi32>, vector<16xi1>
        %get3A_1234 = arith.index_cast %scan3A_23 : i32 to index
        %get3A_1235 = arith.constant 432 : index
        %get3A_1236 = tpu.vector_load %arg4[%get3A_1234, %get3A_1235] {strides = array<i32>} : memref<8x1024xf32, #tpu.memory_space<vmem>>, vector<16xf32>,
        %ge3A_1237 = vector.broadcast %reduce_min3A_335 : f32 to vector<16xf32>
        %ge3A_1238 = arith.cmpf oge, %get3A_1236, %ge3A_1237 : vector<16xf32>
        %swap3A_1239 = arith.index_cast %add3A_871 : i32 to index
        %swap3A_1240 = tpu.vector_load %arg6[%swap3A_1239] masked %ge3A_1238 {strides = array<i32>} : memref<1056xf32, #tpu.memory_space<vmem>>, vector<16xf32>, vector<16xi1>
        tpu.vector_store %arg6[%swap3A_1239], %get3A_1236 masked %ge3A_1238 {strides = array<i32>} : memref<1056xf32, #tpu.memory_space<vmem>>, vector<16xf32>, vector<16xi1>
        %add3A_1241 = arith.constant 432 : i32
        %add3A_1242 = vector.broadcast %add3A_1241 : i32 to vector<16xi32>
        %add3A_1243 = arith.addi %iota3A, %add3A_1242 : vector<16xi32>
        %swap3A_1244 = arith.index_cast %add3A_871 : i32 to index
        %swap3A_1245 = tpu.vector_load %arg7[%swap3A_1244] masked %ge3A_1238 {strides = array<i32>} : memref<1056xi32, #tpu.memory_space<vmem>>, vector<16xi32>, vector<16xi1>
        tpu.vector_store %arg7[%swap3A_1244], %add3A_1243 masked %ge3A_1238 {strides = array<i32>} : memref<1056xi32, #tpu.memory_space<vmem>>, vector<16xi32>, vector<16xi1>
        %get3A_1246 = arith.index_cast %scan3A_23 : i32 to index
        %get3A_1247 = arith.constant 448 : index
        %get3A_1248 = tpu.vector_load %arg4[%get3A_1246, %get3A_1247] {strides = array<i32>} : memref<8x1024xf32, #tpu.memory_space<vmem>>, vector<16xf32>,
        %ge3A_1249 = vector.broadcast %reduce_min3A_335 : f32 to vector<16xf32>
        %ge3A_1250 = arith.cmpf oge, %get3A_1248, %ge3A_1249 : vector<16xf32>
        %swap3A_1251 = arith.index_cast %add3A_872 : i32 to index
        %swap3A_1252 = tpu.vector_load %arg6[%swap3A_1251] masked %ge3A_1250 {strides = array<i32>} : memref<1056xf32, #tpu.memory_space<vmem>>, vector<16xf32>, vector<16xi1>
        tpu.vector_store %arg6[%swap3A_1251], %get3A_1248 masked %ge3A_1250 {strides = array<i32>} : memref<1056xf32, #tpu.memory_space<vmem>>, vector<16xf32>, vector<16xi1>
        %add3A_1253 = arith.constant 448 : i32
        %add3A_1254 = vector.broadcast %add3A_1253 : i32 to vector<16xi32>
        %add3A_1255 = arith.addi %iota3A, %add3A_1254 : vector<16xi32>
        %swap3A_1256 = arith.index_cast %add3A_872 : i32 to index
        %swap3A_1257 = tpu.vector_load %arg7[%swap3A_1256] masked %ge3A_1250 {strides = array<i32>} : memref<1056xi32, #tpu.memory_space<vmem>>, vector<16xi32>, vector<16xi1>
        tpu.vector_store %arg7[%swap3A_1256], %add3A_1255 masked %ge3A_1250 {strides = array<i32>} : memref<1056xi32, #tpu.memory_space<vmem>>, vector<16xi32>, vector<16xi1>
        %get3A_1258 = arith.index_cast %scan3A_23 : i32 to index
        %get3A_1259 = arith.constant 464 : index
        %get3A_1260 = tpu.vector_load %arg4[%get3A_1258, %get3A_1259] {strides = array<i32>} : memref<8x1024xf32, #tpu.memory_space<vmem>>, vector<16xf32>,
        %ge3A_1261 = vector.broadcast %reduce_min3A_335 : f32 to vector<16xf32>
        %ge3A_1262 = arith.cmpf oge, %get3A_1260, %ge3A_1261 : vector<16xf32>
        %swap3A_1263 = arith.index_cast %add3A_873 : i32 to index
        %swap3A_1264 = tpu.vector_load %arg6[%swap3A_1263] masked %ge3A_1262 {strides = array<i32>} : memref<1056xf32, #tpu.memory_space<vmem>>, vector<16xf32>, vector<16xi1>
        tpu.vector_store %arg6[%swap3A_1263], %get3A_1260 masked %ge3A_1262 {strides = array<i32>} : memref<1056xf32, #tpu.memory_space<vmem>>, vector<16xf32>, vector<16xi1>
        %add3A_1265 = arith.constant 464 : i32
        %add3A_1266 = vector.broadcast %add3A_1265 : i32 to vector<16xi32>
        %add3A_1267 = arith.addi %iota3A, %add3A_1266 : vector<16xi32>
        %swap3A_1268 = arith.index_cast %add3A_873 : i32 to index
        %swap3A_1269 = tpu.vector_load %arg7[%swap3A_1268] masked %ge3A_1262 {strides = array<i32>} : memref<1056xi32, #tpu.memory_space<vmem>>, vector<16xi32>, vector<16xi1>
        tpu.vector_store %arg7[%swap3A_1268], %add3A_1267 masked %ge3A_1262 {strides = array<i32>} : memref<1056xi32, #tpu.memory_space<vmem>>, vector<16xi32>, vector<16xi1>
        %get3A_1270 = arith.index_cast %scan3A_23 : i32 to index
        %get3A_1271 = arith.constant 480 : index
        %get3A_1272 = tpu.vector_load %arg4[%get3A_1270, %get3A_1271] {strides = array<i32>} : memref<8x1024xf32, #tpu.memory_space<vmem>>, vector<16xf32>,
        %ge3A_1273 = vector.broadcast %reduce_min3A_335 : f32 to vector<16xf32>
        %ge3A_1274 = arith.cmpf oge, %get3A_1272, %ge3A_1273 : vector<16xf32>
        %swap3A_1275 = arith.index_cast %add3A_874 : i32 to index
        %swap3A_1276 = tpu.vector_load %arg6[%swap3A_1275] masked %ge3A_1274 {strides = array<i32>} : memref<1056xf32, #tpu.memory_space<vmem>>, vector<16xf32>, vector<16xi1>
        tpu.vector_store %arg6[%swap3A_1275], %get3A_1272 masked %ge3A_1274 {strides = array<i32>} : memref<1056xf32, #tpu.memory_space<vmem>>, vector<16xf32>, vector<16xi1>
        %add3A_1277 = arith.constant 480 : i32
        %add3A_1278 = vector.broadcast %add3A_1277 : i32 to vector<16xi32>
        %add3A_1279 = arith.addi %iota3A, %add3A_1278 : vector<16xi32>
        %swap3A_1280 = arith.index_cast %add3A_874 : i32 to index
        %swap3A_1281 = tpu.vector_load %arg7[%swap3A_1280] masked %ge3A_1274 {strides = array<i32>} : memref<1056xi32, #tpu.memory_space<vmem>>, vector<16xi32>, vector<16xi1>
        tpu.vector_store %arg7[%swap3A_1280], %add3A_1279 masked %ge3A_1274 {strides = array<i32>} : memref<1056xi32, #tpu.memory_space<vmem>>, vector<16xi32>, vector<16xi1>
        %get3A_1282 = arith.index_cast %scan3A_23 : i32 to index
        %get3A_1283 = arith.constant 496 : index
        %get3A_1284 = tpu.vector_load %arg4[%get3A_1282, %get3A_1283] {strides = array<i32>} : memref<8x1024xf32, #tpu.memory_space<vmem>>, vector<16xf32>,
        %ge3A_1285 = vector.broadcast %reduce_min3A_335 : f32 to vector<16xf32>
        %ge3A_1286 = arith.cmpf oge, %get3A_1284, %ge3A_1285 : vector<16xf32>
        %swap3A_1287 = arith.index_cast %add3A_875 : i32 to index
        %swap3A_1288 = tpu.vector_load %arg6[%swap3A_1287] masked %ge3A_1286 {strides = array<i32>} : memref<1056xf32, #tpu.memory_space<vmem>>, vector<16xf32>, vector<16xi1>
        tpu.vector_store %arg6[%swap3A_1287], %get3A_1284 masked %ge3A_1286 {strides = array<i32>} : memref<1056xf32, #tpu.memory_space<vmem>>, vector<16xf32>, vector<16xi1>
        %add3A_1289 = arith.constant 496 : i32
        %add3A_1290 = vector.broadcast %add3A_1289 : i32 to vector<16xi32>
        %add3A_1291 = arith.addi %iota3A, %add3A_1290 : vector<16xi32>
        %swap3A_1292 = arith.index_cast %add3A_875 : i32 to index
        %swap3A_1293 = tpu.vector_load %arg7[%swap3A_1292] masked %ge3A_1286 {strides = array<i32>} : memref<1056xi32, #tpu.memory_space<vmem>>, vector<16xi32>, vector<16xi1>
        tpu.vector_store %arg7[%swap3A_1292], %add3A_1291 masked %ge3A_1286 {strides = array<i32>} : memref<1056xi32, #tpu.memory_space<vmem>>, vector<16xi32>, vector<16xi1>
        %get3A_1294 = arith.index_cast %scan3A_23 : i32 to index
        %get3A_1295 = arith.constant 512 : index
        %get3A_1296 = tpu.vector_load %arg4[%get3A_1294, %get3A_1295] {strides = array<i32>} : memref<8x1024xf32, #tpu.memory_space<vmem>>, vector<16xf32>,
        %ge3A_1297 = vector.broadcast %reduce_min3A_335 : f32 to vector<16xf32>
        %ge3A_1298 = arith.cmpf oge, %get3A_1296, %ge3A_1297 : vector<16xf32>
        %swap3A_1299 = arith.index_cast %add3A_876 : i32 to index
        %swap3A_1300 = tpu.vector_load %arg6[%swap3A_1299] masked %ge3A_1298 {strides = array<i32>} : memref<1056xf32, #tpu.memory_space<vmem>>, vector<16xf32>, vector<16xi1>
        tpu.vector_store %arg6[%swap3A_1299], %get3A_1296 masked %ge3A_1298 {strides = array<i32>} : memref<1056xf32, #tpu.memory_space<vmem>>, vector<16xf32>, vector<16xi1>
        %add3A_1301 = arith.constant 512 : i32
        %add3A_1302 = vector.broadcast %add3A_1301 : i32 to vector<16xi32>
        %add3A_1303 = arith.addi %iota3A, %add3A_1302 : vector<16xi32>
        %swap3A_1304 = arith.index_cast %add3A_876 : i32 to index
        %swap3A_1305 = tpu.vector_load %arg7[%swap3A_1304] masked %ge3A_1298 {strides = array<i32>} : memref<1056xi32, #tpu.memory_space<vmem>>, vector<16xi32>, vector<16xi1>
        tpu.vector_store %arg7[%swap3A_1304], %add3A_1303 masked %ge3A_1298 {strides = array<i32>} : memref<1056xi32, #tpu.memory_space<vmem>>, vector<16xi32>, vector<16xi1>
        %get3A_1306 = arith.index_cast %scan3A_23 : i32 to index
        %get3A_1307 = arith.constant 528 : index
        %get3A_1308 = tpu.vector_load %arg4[%get3A_1306, %get3A_1307] {strides = array<i32>} : memref<8x1024xf32, #tpu.memory_space<vmem>>, vector<16xf32>,
        %ge3A_1309 = vector.broadcast %reduce_min3A_335 : f32 to vector<16xf32>
        %ge3A_1310 = arith.cmpf oge, %get3A_1308, %ge3A_1309 : vector<16xf32>
        %swap3A_1311 = arith.index_cast %add3A_877 : i32 to index
        %swap3A_1312 = tpu.vector_load %arg6[%swap3A_1311] masked %ge3A_1310 {strides = array<i32>} : memref<1056xf32, #tpu.memory_space<vmem>>, vector<16xf32>, vector<16xi1>
        tpu.vector_store %arg6[%swap3A_1311], %get3A_1308 masked %ge3A_1310 {strides = array<i32>} : memref<1056xf32, #tpu.memory_space<vmem>>, vector<16xf32>, vector<16xi1>
        %add3A_1313 = arith.constant 528 : i32
        %add3A_1314 = vector.broadcast %add3A_1313 : i32 to vector<16xi32>
        %add3A_1315 = arith.addi %iota3A, %add3A_1314 : vector<16xi32>
        %swap3A_1316 = arith.index_cast %add3A_877 : i32 to index
        %swap3A_1317 = tpu.vector_load %arg7[%swap3A_1316] masked %ge3A_1310 {strides = array<i32>} : memref<1056xi32, #tpu.memory_space<vmem>>, vector<16xi32>, vector<16xi1>
        tpu.vector_store %arg7[%swap3A_1316], %add3A_1315 masked %ge3A_1310 {strides = array<i32>} : memref<1056xi32, #tpu.memory_space<vmem>>, vector<16xi32>, vector<16xi1>
        %get3A_1318 = arith.index_cast %scan3A_23 : i32 to index
        %get3A_1319 = arith.constant 544 : index
        %get3A_1320 = tpu.vector_load %arg4[%get3A_1318, %get3A_1319] {strides = array<i32>} : memref<8x1024xf32, #tpu.memory_space<vmem>>, vector<16xf32>,
        %ge3A_1321 = vector.broadcast %reduce_min3A_335 : f32 to vector<16xf32>
        %ge3A_1322 = arith.cmpf oge, %get3A_1320, %ge3A_1321 : vector<16xf32>
        %swap3A_1323 = arith.index_cast %add3A_878 : i32 to index
        %swap3A_1324 = tpu.vector_load %arg6[%swap3A_1323] masked %ge3A_1322 {strides = array<i32>} : memref<1056xf32, #tpu.memory_space<vmem>>, vector<16xf32>, vector<16xi1>
        tpu.vector_store %arg6[%swap3A_1323], %get3A_1320 masked %ge3A_1322 {strides = array<i32>} : memref<1056xf32, #tpu.memory_space<vmem>>, vector<16xf32>, vector<16xi1>
        %add3A_1325 = arith.constant 544 : i32
        %add3A_1326 = vector.broadcast %add3A_1325 : i32 to vector<16xi32>
        %add3A_1327 = arith.addi %iota3A, %add3A_1326 : vector<16xi32>
        %swap3A_1328 = arith.index_cast %add3A_878 : i32 to index
        %swap3A_1329 = tpu.vector_load %arg7[%swap3A_1328] masked %ge3A_1322 {strides = array<i32>} : memref<1056xi32, #tpu.memory_space<vmem>>, vector<16xi32>, vector<16xi1>
        tpu.vector_store %arg7[%swap3A_1328], %add3A_1327 masked %ge3A_1322 {strides = array<i32>} : memref<1056xi32, #tpu.memory_space<vmem>>, vector<16xi32>, vector<16xi1>
        %get3A_1330 = arith.index_cast %scan3A_23 : i32 to index
        %get3A_1331 = arith.constant 560 : index
        %get3A_1332 = tpu.vector_load %arg4[%get3A_1330, %get3A_1331] {strides = array<i32>} : memref<8x1024xf32, #tpu.memory_space<vmem>>, vector<16xf32>,
        %ge3A_1333 = vector.broadcast %reduce_min3A_335 : f32 to vector<16xf32>
        %ge3A_1334 = arith.cmpf oge, %get3A_1332, %ge3A_1333 : vector<16xf32>
        %swap3A_1335 = arith.index_cast %add3A_879 : i32 to index
        %swap3A_1336 = tpu.vector_load %arg6[%swap3A_1335] masked %ge3A_1334 {strides = array<i32>} : memref<1056xf32, #tpu.memory_space<vmem>>, vector<16xf32>, vector<16xi1>
        tpu.vector_store %arg6[%swap3A_1335], %get3A_1332 masked %ge3A_1334 {strides = array<i32>} : memref<1056xf32, #tpu.memory_space<vmem>>, vector<16xf32>, vector<16xi1>
        %add3A_1337 = arith.constant 560 : i32
        %add3A_1338 = vector.broadcast %add3A_1337 : i32 to vector<16xi32>
        %add3A_1339 = arith.addi %iota3A, %add3A_1338 : vector<16xi32>
        %swap3A_1340 = arith.index_cast %add3A_879 : i32 to index
        %swap3A_1341 = tpu.vector_load %arg7[%swap3A_1340] masked %ge3A_1334 {strides = array<i32>} : memref<1056xi32, #tpu.memory_space<vmem>>, vector<16xi32>, vector<16xi1>
        tpu.vector_store %arg7[%swap3A_1340], %add3A_1339 masked %ge3A_1334 {strides = array<i32>} : memref<1056xi32, #tpu.memory_space<vmem>>, vector<16xi32>, vector<16xi1>
        %get3A_1342 = arith.index_cast %scan3A_23 : i32 to index
        %get3A_1343 = arith.constant 576 : index
        %get3A_1344 = tpu.vector_load %arg4[%get3A_1342, %get3A_1343] {strides = array<i32>} : memref<8x1024xf32, #tpu.memory_space<vmem>>, vector<16xf32>,
        %ge3A_1345 = vector.broadcast %reduce_min3A_335 : f32 to vector<16xf32>
        %ge3A_1346 = arith.cmpf oge, %get3A_1344, %ge3A_1345 : vector<16xf32>
        %swap3A_1347 = arith.index_cast %add3A_880 : i32 to index
        %swap3A_1348 = tpu.vector_load %arg6[%swap3A_1347] masked %ge3A_1346 {strides = array<i32>} : memref<1056xf32, #tpu.memory_space<vmem>>, vector<16xf32>, vector<16xi1>
        tpu.vector_store %arg6[%swap3A_1347], %get3A_1344 masked %ge3A_1346 {strides = array<i32>} : memref<1056xf32, #tpu.memory_space<vmem>>, vector<16xf32>, vector<16xi1>
        %add3A_1349 = arith.constant 576 : i32
        %add3A_1350 = vector.broadcast %add3A_1349 : i32 to vector<16xi32>
        %add3A_1351 = arith.addi %iota3A, %add3A_1350 : vector<16xi32>
        %swap3A_1352 = arith.index_cast %add3A_880 : i32 to index
        %swap3A_1353 = tpu.vector_load %arg7[%swap3A_1352] masked %ge3A_1346 {strides = array<i32>} : memref<1056xi32, #tpu.memory_space<vmem>>, vector<16xi32>, vector<16xi1>
        tpu.vector_store %arg7[%swap3A_1352], %add3A_1351 masked %ge3A_1346 {strides = array<i32>} : memref<1056xi32, #tpu.memory_space<vmem>>, vector<16xi32>, vector<16xi1>
        %get3A_1354 = arith.index_cast %scan3A_23 : i32 to index
        %get3A_1355 = arith.constant 592 : index
        %get3A_1356 = tpu.vector_load %arg4[%get3A_1354, %get3A_1355] {strides = array<i32>} : memref<8x1024xf32, #tpu.memory_space<vmem>>, vector<16xf32>,
        %ge3A_1357 = vector.broadcast %reduce_min3A_335 : f32 to vector<16xf32>
        %ge3A_1358 = arith.cmpf oge, %get3A_1356, %ge3A_1357 : vector<16xf32>
        %swap3A_1359 = arith.index_cast %add3A_881 : i32 to index
        %swap3A_1360 = tpu.vector_load %arg6[%swap3A_1359] masked %ge3A_1358 {strides = array<i32>} : memref<1056xf32, #tpu.memory_space<vmem>>, vector<16xf32>, vector<16xi1>
        tpu.vector_store %arg6[%swap3A_1359], %get3A_1356 masked %ge3A_1358 {strides = array<i32>} : memref<1056xf32, #tpu.memory_space<vmem>>, vector<16xf32>, vector<16xi1>
        %add3A_1361 = arith.constant 592 : i32
        %add3A_1362 = vector.broadcast %add3A_1361 : i32 to vector<16xi32>
        %add3A_1363 = arith.addi %iota3A, %add3A_1362 : vector<16xi32>
        %swap3A_1364 = arith.index_cast %add3A_881 : i32 to index
        %swap3A_1365 = tpu.vector_load %arg7[%swap3A_1364] masked %ge3A_1358 {strides = array<i32>} : memref<1056xi32, #tpu.memory_space<vmem>>, vector<16xi32>, vector<16xi1>
        tpu.vector_store %arg7[%swap3A_1364], %add3A_1363 masked %ge3A_1358 {strides = array<i32>} : memref<1056xi32, #tpu.memory_space<vmem>>, vector<16xi32>, vector<16xi1>
        %get3A_1366 = arith.index_cast %scan3A_23 : i32 to index
        %get3A_1367 = arith.constant 608 : index
        %get3A_1368 = tpu.vector_load %arg4[%get3A_1366, %get3A_1367] {strides = array<i32>} : memref<8x1024xf32, #tpu.memory_space<vmem>>, vector<16xf32>,
        %ge3A_1369 = vector.broadcast %reduce_min3A_335 : f32 to vector<16xf32>
        %ge3A_1370 = arith.cmpf oge, %get3A_1368, %ge3A_1369 : vector<16xf32>
        %swap3A_1371 = arith.index_cast %add3A_882 : i32 to index
        %swap3A_1372 = tpu.vector_load %arg6[%swap3A_1371] masked %ge3A_1370 {strides = array<i32>} : memref<1056xf32, #tpu.memory_space<vmem>>, vector<16xf32>, vector<16xi1>
        tpu.vector_store %arg6[%swap3A_1371], %get3A_1368 masked %ge3A_1370 {strides = array<i32>} : memref<1056xf32, #tpu.memory_space<vmem>>, vector<16xf32>, vector<16xi1>
        %add3A_1373 = arith.constant 608 : i32
        %add3A_1374 = vector.broadcast %add3A_1373 : i32 to vector<16xi32>
        %add3A_1375 = arith.addi %iota3A, %add3A_1374 : vector<16xi32>
        %swap3A_1376 = arith.index_cast %add3A_882 : i32 to index
        %swap3A_1377 = tpu.vector_load %arg7[%swap3A_1376] masked %ge3A_1370 {strides = array<i32>} : memref<1056xi32, #tpu.memory_space<vmem>>, vector<16xi32>, vector<16xi1>
        tpu.vector_store %arg7[%swap3A_1376], %add3A_1375 masked %ge3A_1370 {strides = array<i32>} : memref<1056xi32, #tpu.memory_space<vmem>>, vector<16xi32>, vector<16xi1>
        %get3A_1378 = arith.index_cast %scan3A_23 : i32 to index
        %get3A_1379 = arith.constant 624 : index
        %get3A_1380 = tpu.vector_load %arg4[%get3A_1378, %get3A_1379] {strides = array<i32>} : memref<8x1024xf32, #tpu.memory_space<vmem>>, vector<16xf32>,
        %ge3A_1381 = vector.broadcast %reduce_min3A_335 : f32 to vector<16xf32>
        %ge3A_1382 = arith.cmpf oge, %get3A_1380, %ge3A_1381 : vector<16xf32>
        %swap3A_1383 = arith.index_cast %add3A_883 : i32 to index
        %swap3A_1384 = tpu.vector_load %arg6[%swap3A_1383] masked %ge3A_1382 {strides = array<i32>} : memref<1056xf32, #tpu.memory_space<vmem>>, vector<16xf32>, vector<16xi1>
        tpu.vector_store %arg6[%swap3A_1383], %get3A_1380 masked %ge3A_1382 {strides = array<i32>} : memref<1056xf32, #tpu.memory_space<vmem>>, vector<16xf32>, vector<16xi1>
        %add3A_1385 = arith.constant 624 : i32
        %add3A_1386 = vector.broadcast %add3A_1385 : i32 to vector<16xi32>
        %add3A_1387 = arith.addi %iota3A, %add3A_1386 : vector<16xi32>
        %swap3A_1388 = arith.index_cast %add3A_883 : i32 to index
        %swap3A_1389 = tpu.vector_load %arg7[%swap3A_1388] masked %ge3A_1382 {strides = array<i32>} : memref<1056xi32, #tpu.memory_space<vmem>>, vector<16xi32>, vector<16xi1>
        tpu.vector_store %arg7[%swap3A_1388], %add3A_1387 masked %ge3A_1382 {strides = array<i32>} : memref<1056xi32, #tpu.memory_space<vmem>>, vector<16xi32>, vector<16xi1>
        %get3A_1390 = arith.index_cast %scan3A_23 : i32 to index
        %get3A_1391 = arith.constant 640 : index
        %get3A_1392 = tpu.vector_load %arg4[%get3A_1390, %get3A_1391] {strides = array<i32>} : memref<8x1024xf32, #tpu.memory_space<vmem>>, vector<16xf32>,
        %ge3A_1393 = vector.broadcast %reduce_min3A_335 : f32 to vector<16xf32>
        %ge3A_1394 = arith.cmpf oge, %get3A_1392, %ge3A_1393 : vector<16xf32>
        %swap3A_1395 = arith.index_cast %add3A_884 : i32 to index
        %swap3A_1396 = tpu.vector_load %arg6[%swap3A_1395] masked %ge3A_1394 {strides = array<i32>} : memref<1056xf32, #tpu.memory_space<vmem>>, vector<16xf32>, vector<16xi1>
        tpu.vector_store %arg6[%swap3A_1395], %get3A_1392 masked %ge3A_1394 {strides = array<i32>} : memref<1056xf32, #tpu.memory_space<vmem>>, vector<16xf32>, vector<16xi1>
        %add3A_1397 = arith.constant 640 : i32
        %add3A_1398 = vector.broadcast %add3A_1397 : i32 to vector<16xi32>
        %add3A_1399 = arith.addi %iota3A, %add3A_1398 : vector<16xi32>
        %swap3A_1400 = arith.index_cast %add3A_884 : i32 to index
        %swap3A_1401 = tpu.vector_load %arg7[%swap3A_1400] masked %ge3A_1394 {strides = array<i32>} : memref<1056xi32, #tpu.memory_space<vmem>>, vector<16xi32>, vector<16xi1>
        tpu.vector_store %arg7[%swap3A_1400], %add3A_1399 masked %ge3A_1394 {strides = array<i32>} : memref<1056xi32, #tpu.memory_space<vmem>>, vector<16xi32>, vector<16xi1>
        %get3A_1402 = arith.index_cast %scan3A_23 : i32 to index
        %get3A_1403 = arith.constant 656 : index
        %get3A_1404 = tpu.vector_load %arg4[%get3A_1402, %get3A_1403] {strides = array<i32>} : memref<8x1024xf32, #tpu.memory_space<vmem>>, vector<16xf32>,
        %ge3A_1405 = vector.broadcast %reduce_min3A_335 : f32 to vector<16xf32>
        %ge3A_1406 = arith.cmpf oge, %get3A_1404, %ge3A_1405 : vector<16xf32>
        %swap3A_1407 = arith.index_cast %add3A_885 : i32 to index
        %swap3A_1408 = tpu.vector_load %arg6[%swap3A_1407] masked %ge3A_1406 {strides = array<i32>} : memref<1056xf32, #tpu.memory_space<vmem>>, vector<16xf32>, vector<16xi1>
        tpu.vector_store %arg6[%swap3A_1407], %get3A_1404 masked %ge3A_1406 {strides = array<i32>} : memref<1056xf32, #tpu.memory_space<vmem>>, vector<16xf32>, vector<16xi1>
        %add3A_1409 = arith.constant 656 : i32
        %add3A_1410 = vector.broadcast %add3A_1409 : i32 to vector<16xi32>
        %add3A_1411 = arith.addi %iota3A, %add3A_1410 : vector<16xi32>
        %swap3A_1412 = arith.index_cast %add3A_885 : i32 to index
        %swap3A_1413 = tpu.vector_load %arg7[%swap3A_1412] masked %ge3A_1406 {strides = array<i32>} : memref<1056xi32, #tpu.memory_space<vmem>>, vector<16xi32>, vector<16xi1>
        tpu.vector_store %arg7[%swap3A_1412], %add3A_1411 masked %ge3A_1406 {strides = array<i32>} : memref<1056xi32, #tpu.memory_space<vmem>>, vector<16xi32>, vector<16xi1>
        %get3A_1414 = arith.index_cast %scan3A_23 : i32 to index
        %get3A_1415 = arith.constant 672 : index
        %get3A_1416 = tpu.vector_load %arg4[%get3A_1414, %get3A_1415] {strides = array<i32>} : memref<8x1024xf32, #tpu.memory_space<vmem>>, vector<16xf32>,
        %ge3A_1417 = vector.broadcast %reduce_min3A_335 : f32 to vector<16xf32>
        %ge3A_1418 = arith.cmpf oge, %get3A_1416, %ge3A_1417 : vector<16xf32>
        %swap3A_1419 = arith.index_cast %add3A_886 : i32 to index
        %swap3A_1420 = tpu.vector_load %arg6[%swap3A_1419] masked %ge3A_1418 {strides = array<i32>} : memref<1056xf32, #tpu.memory_space<vmem>>, vector<16xf32>, vector<16xi1>
        tpu.vector_store %arg6[%swap3A_1419], %get3A_1416 masked %ge3A_1418 {strides = array<i32>} : memref<1056xf32, #tpu.memory_space<vmem>>, vector<16xf32>, vector<16xi1>
        %add3A_1421 = arith.constant 672 : i32
        %add3A_1422 = vector.broadcast %add3A_1421 : i32 to vector<16xi32>
        %add3A_1423 = arith.addi %iota3A, %add3A_1422 : vector<16xi32>
        %swap3A_1424 = arith.index_cast %add3A_886 : i32 to index
        %swap3A_1425 = tpu.vector_load %arg7[%swap3A_1424] masked %ge3A_1418 {strides = array<i32>} : memref<1056xi32, #tpu.memory_space<vmem>>, vector<16xi32>, vector<16xi1>
        tpu.vector_store %arg7[%swap3A_1424], %add3A_1423 masked %ge3A_1418 {strides = array<i32>} : memref<1056xi32, #tpu.memory_space<vmem>>, vector<16xi32>, vector<16xi1>
        %get3A_1426 = arith.index_cast %scan3A_23 : i32 to index
        %get3A_1427 = arith.constant 688 : index
        %get3A_1428 = tpu.vector_load %arg4[%get3A_1426, %get3A_1427] {strides = array<i32>} : memref<8x1024xf32, #tpu.memory_space<vmem>>, vector<16xf32>,
        %ge3A_1429 = vector.broadcast %reduce_min3A_335 : f32 to vector<16xf32>
        %ge3A_1430 = arith.cmpf oge, %get3A_1428, %ge3A_1429 : vector<16xf32>
        %swap3A_1431 = arith.index_cast %add3A_887 : i32 to index
        %swap3A_1432 = tpu.vector_load %arg6[%swap3A_1431] masked %ge3A_1430 {strides = array<i32>} : memref<1056xf32, #tpu.memory_space<vmem>>, vector<16xf32>, vector<16xi1>
        tpu.vector_store %arg6[%swap3A_1431], %get3A_1428 masked %ge3A_1430 {strides = array<i32>} : memref<1056xf32, #tpu.memory_space<vmem>>, vector<16xf32>, vector<16xi1>
        %add3A_1433 = arith.constant 688 : i32
        %add3A_1434 = vector.broadcast %add3A_1433 : i32 to vector<16xi32>
        %add3A_1435 = arith.addi %iota3A, %add3A_1434 : vector<16xi32>
        %swap3A_1436 = arith.index_cast %add3A_887 : i32 to index
        %swap3A_1437 = tpu.vector_load %arg7[%swap3A_1436] masked %ge3A_1430 {strides = array<i32>} : memref<1056xi32, #tpu.memory_space<vmem>>, vector<16xi32>, vector<16xi1>
        tpu.vector_store %arg7[%swap3A_1436], %add3A_1435 masked %ge3A_1430 {strides = array<i32>} : memref<1056xi32, #tpu.memory_space<vmem>>, vector<16xi32>, vector<16xi1>
        %get3A_1438 = arith.index_cast %scan3A_23 : i32 to index
        %get3A_1439 = arith.constant 704 : index
        %get3A_1440 = tpu.vector_load %arg4[%get3A_1438, %get3A_1439] {strides = array<i32>} : memref<8x1024xf32, #tpu.memory_space<vmem>>, vector<16xf32>,
        %ge3A_1441 = vector.broadcast %reduce_min3A_335 : f32 to vector<16xf32>
        %ge3A_1442 = arith.cmpf oge, %get3A_1440, %ge3A_1441 : vector<16xf32>
        %swap3A_1443 = arith.index_cast %add3A_888 : i32 to index
        %swap3A_1444 = tpu.vector_load %arg6[%swap3A_1443] masked %ge3A_1442 {strides = array<i32>} : memref<1056xf32, #tpu.memory_space<vmem>>, vector<16xf32>, vector<16xi1>
        tpu.vector_store %arg6[%swap3A_1443], %get3A_1440 masked %ge3A_1442 {strides = array<i32>} : memref<1056xf32, #tpu.memory_space<vmem>>, vector<16xf32>, vector<16xi1>
        %add3A_1445 = arith.constant 704 : i32
        %add3A_1446 = vector.broadcast %add3A_1445 : i32 to vector<16xi32>
        %add3A_1447 = arith.addi %iota3A, %add3A_1446 : vector<16xi32>
        %swap3A_1448 = arith.index_cast %add3A_888 : i32 to index
        %swap3A_1449 = tpu.vector_load %arg7[%swap3A_1448] masked %ge3A_1442 {strides = array<i32>} : memref<1056xi32, #tpu.memory_space<vmem>>, vector<16xi32>, vector<16xi1>
        tpu.vector_store %arg7[%swap3A_1448], %add3A_1447 masked %ge3A_1442 {strides = array<i32>} : memref<1056xi32, #tpu.memory_space<vmem>>, vector<16xi32>, vector<16xi1>
        %get3A_1450 = arith.index_cast %scan3A_23 : i32 to index
        %get3A_1451 = arith.constant 720 : index
        %get3A_1452 = tpu.vector_load %arg4[%get3A_1450, %get3A_1451] {strides = array<i32>} : memref<8x1024xf32, #tpu.memory_space<vmem>>, vector<16xf32>,
        %ge3A_1453 = vector.broadcast %reduce_min3A_335 : f32 to vector<16xf32>
        %ge3A_1454 = arith.cmpf oge, %get3A_1452, %ge3A_1453 : vector<16xf32>
        %swap3A_1455 = arith.index_cast %add3A_889 : i32 to index
        %swap3A_1456 = tpu.vector_load %arg6[%swap3A_1455] masked %ge3A_1454 {strides = array<i32>} : memref<1056xf32, #tpu.memory_space<vmem>>, vector<16xf32>, vector<16xi1>
        tpu.vector_store %arg6[%swap3A_1455], %get3A_1452 masked %ge3A_1454 {strides = array<i32>} : memref<1056xf32, #tpu.memory_space<vmem>>, vector<16xf32>, vector<16xi1>
        %add3A_1457 = arith.constant 720 : i32
        %add3A_1458 = vector.broadcast %add3A_1457 : i32 to vector<16xi32>
        %add3A_1459 = arith.addi %iota3A, %add3A_1458 : vector<16xi32>
        %swap3A_1460 = arith.index_cast %add3A_889 : i32 to index
        %swap3A_1461 = tpu.vector_load %arg7[%swap3A_1460] masked %ge3A_1454 {strides = array<i32>} : memref<1056xi32, #tpu.memory_space<vmem>>, vector<16xi32>, vector<16xi1>
        tpu.vector_store %arg7[%swap3A_1460], %add3A_1459 masked %ge3A_1454 {strides = array<i32>} : memref<1056xi32, #tpu.memory_space<vmem>>, vector<16xi32>, vector<16xi1>
        %get3A_1462 = arith.index_cast %scan3A_23 : i32 to index
        %get3A_1463 = arith.constant 736 : index
        %get3A_1464 = tpu.vector_load %arg4[%get3A_1462, %get3A_1463] {strides = array<i32>} : memref<8x1024xf32, #tpu.memory_space<vmem>>, vector<16xf32>,
        %ge3A_1465 = vector.broadcast %reduce_min3A_335 : f32 to vector<16xf32>
        %ge3A_1466 = arith.cmpf oge, %get3A_1464, %ge3A_1465 : vector<16xf32>
        %swap3A_1467 = arith.index_cast %add3A_890 : i32 to index
        %swap3A_1468 = tpu.vector_load %arg6[%swap3A_1467] masked %ge3A_1466 {strides = array<i32>} : memref<1056xf32, #tpu.memory_space<vmem>>, vector<16xf32>, vector<16xi1>
        tpu.vector_store %arg6[%swap3A_1467], %get3A_1464 masked %ge3A_1466 {strides = array<i32>} : memref<1056xf32, #tpu.memory_space<vmem>>, vector<16xf32>, vector<16xi1>
        %add3A_1469 = arith.constant 736 : i32
        %add3A_1470 = vector.broadcast %add3A_1469 : i32 to vector<16xi32>
        %add3A_1471 = arith.addi %iota3A, %add3A_1470 : vector<16xi32>
        %swap3A_1472 = arith.index_cast %add3A_890 : i32 to index
        %swap3A_1473 = tpu.vector_load %arg7[%swap3A_1472] masked %ge3A_1466 {strides = array<i32>} : memref<1056xi32, #tpu.memory_space<vmem>>, vector<16xi32>, vector<16xi1>
        tpu.vector_store %arg7[%swap3A_1472], %add3A_1471 masked %ge3A_1466 {strides = array<i32>} : memref<1056xi32, #tpu.memory_space<vmem>>, vector<16xi32>, vector<16xi1>
        %get3A_1474 = arith.index_cast %scan3A_23 : i32 to index
        %get3A_1475 = arith.constant 752 : index
        %get3A_1476 = tpu.vector_load %arg4[%get3A_1474, %get3A_1475] {strides = array<i32>} : memref<8x1024xf32, #tpu.memory_space<vmem>>, vector<16xf32>,
        %ge3A_1477 = vector.broadcast %reduce_min3A_335 : f32 to vector<16xf32>
        %ge3A_1478 = arith.cmpf oge, %get3A_1476, %ge3A_1477 : vector<16xf32>
        %swap3A_1479 = arith.index_cast %add3A_891 : i32 to index
        %swap3A_1480 = tpu.vector_load %arg6[%swap3A_1479] masked %ge3A_1478 {strides = array<i32>} : memref<1056xf32, #tpu.memory_space<vmem>>, vector<16xf32>, vector<16xi1>
        tpu.vector_store %arg6[%swap3A_1479], %get3A_1476 masked %ge3A_1478 {strides = array<i32>} : memref<1056xf32, #tpu.memory_space<vmem>>, vector<16xf32>, vector<16xi1>
        %add3A_1481 = arith.constant 752 : i32
        %add3A_1482 = vector.broadcast %add3A_1481 : i32 to vector<16xi32>
        %add3A_1483 = arith.addi %iota3A, %add3A_1482 : vector<16xi32>
        %swap3A_1484 = arith.index_cast %add3A_891 : i32 to index
        %swap3A_1485 = tpu.vector_load %arg7[%swap3A_1484] masked %ge3A_1478 {strides = array<i32>} : memref<1056xi32, #tpu.memory_space<vmem>>, vector<16xi32>, vector<16xi1>
        tpu.vector_store %arg7[%swap3A_1484], %add3A_1483 masked %ge3A_1478 {strides = array<i32>} : memref<1056xi32, #tpu.memory_space<vmem>>, vector<16xi32>, vector<16xi1>
        %get3A_1486 = arith.index_cast %scan3A_23 : i32 to index
        %get3A_1487 = arith.constant 768 : index
        %get3A_1488 = tpu.vector_load %arg4[%get3A_1486, %get3A_1487] {strides = array<i32>} : memref<8x1024xf32, #tpu.memory_space<vmem>>, vector<16xf32>,
        %ge3A_1489 = vector.broadcast %reduce_min3A_335 : f32 to vector<16xf32>
        %ge3A_1490 = arith.cmpf oge, %get3A_1488, %ge3A_1489 : vector<16xf32>
        %swap3A_1491 = arith.index_cast %add3A_892 : i32 to index
        %swap3A_1492 = tpu.vector_load %arg6[%swap3A_1491] masked %ge3A_1490 {strides = array<i32>} : memref<1056xf32, #tpu.memory_space<vmem>>, vector<16xf32>, vector<16xi1>
        tpu.vector_store %arg6[%swap3A_1491], %get3A_1488 masked %ge3A_1490 {strides = array<i32>} : memref<1056xf32, #tpu.memory_space<vmem>>, vector<16xf32>, vector<16xi1>
        %add3A_1493 = arith.constant 768 : i32
        %add3A_1494 = vector.broadcast %add3A_1493 : i32 to vector<16xi32>
        %add3A_1495 = arith.addi %iota3A, %add3A_1494 : vector<16xi32>
        %swap3A_1496 = arith.index_cast %add3A_892 : i32 to index
        %swap3A_1497 = tpu.vector_load %arg7[%swap3A_1496] masked %ge3A_1490 {strides = array<i32>} : memref<1056xi32, #tpu.memory_space<vmem>>, vector<16xi32>, vector<16xi1>
        tpu.vector_store %arg7[%swap3A_1496], %add3A_1495 masked %ge3A_1490 {strides = array<i32>} : memref<1056xi32, #tpu.memory_space<vmem>>, vector<16xi32>, vector<16xi1>
        %get3A_1498 = arith.index_cast %scan3A_23 : i32 to index
        %get3A_1499 = arith.constant 784 : index
        %get3A_1500 = tpu.vector_load %arg4[%get3A_1498, %get3A_1499] {strides = array<i32>} : memref<8x1024xf32, #tpu.memory_space<vmem>>, vector<16xf32>,
        %ge3A_1501 = vector.broadcast %reduce_min3A_335 : f32 to vector<16xf32>
        %ge3A_1502 = arith.cmpf oge, %get3A_1500, %ge3A_1501 : vector<16xf32>
        %swap3A_1503 = arith.index_cast %add3A_893 : i32 to index
        %swap3A_1504 = tpu.vector_load %arg6[%swap3A_1503] masked %ge3A_1502 {strides = array<i32>} : memref<1056xf32, #tpu.memory_space<vmem>>, vector<16xf32>, vector<16xi1>
        tpu.vector_store %arg6[%swap3A_1503], %get3A_1500 masked %ge3A_1502 {strides = array<i32>} : memref<1056xf32, #tpu.memory_space<vmem>>, vector<16xf32>, vector<16xi1>
        %add3A_1505 = arith.constant 784 : i32
        %add3A_1506 = vector.broadcast %add3A_1505 : i32 to vector<16xi32>
        %add3A_1507 = arith.addi %iota3A, %add3A_1506 : vector<16xi32>
        %swap3A_1508 = arith.index_cast %add3A_893 : i32 to index
        %swap3A_1509 = tpu.vector_load %arg7[%swap3A_1508] masked %ge3A_1502 {strides = array<i32>} : memref<1056xi32, #tpu.memory_space<vmem>>, vector<16xi32>, vector<16xi1>
        tpu.vector_store %arg7[%swap3A_1508], %add3A_1507 masked %ge3A_1502 {strides = array<i32>} : memref<1056xi32, #tpu.memory_space<vmem>>, vector<16xi32>, vector<16xi1>
        %get3A_1510 = arith.index_cast %scan3A_23 : i32 to index
        %get3A_1511 = arith.constant 800 : index
        %get3A_1512 = tpu.vector_load %arg4[%get3A_1510, %get3A_1511] {strides = array<i32>} : memref<8x1024xf32, #tpu.memory_space<vmem>>, vector<16xf32>,
        %ge3A_1513 = vector.broadcast %reduce_min3A_335 : f32 to vector<16xf32>
        %ge3A_1514 = arith.cmpf oge, %get3A_1512, %ge3A_1513 : vector<16xf32>
        %swap3A_1515 = arith.index_cast %add3A_894 : i32 to index
        %swap3A_1516 = tpu.vector_load %arg6[%swap3A_1515] masked %ge3A_1514 {strides = array<i32>} : memref<1056xf32, #tpu.memory_space<vmem>>, vector<16xf32>, vector<16xi1>
        tpu.vector_store %arg6[%swap3A_1515], %get3A_1512 masked %ge3A_1514 {strides = array<i32>} : memref<1056xf32, #tpu.memory_space<vmem>>, vector<16xf32>, vector<16xi1>
        %add3A_1517 = arith.constant 800 : i32
        %add3A_1518 = vector.broadcast %add3A_1517 : i32 to vector<16xi32>
        %add3A_1519 = arith.addi %iota3A, %add3A_1518 : vector<16xi32>
        %swap3A_1520 = arith.index_cast %add3A_894 : i32 to index
        %swap3A_1521 = tpu.vector_load %arg7[%swap3A_1520] masked %ge3A_1514 {strides = array<i32>} : memref<1056xi32, #tpu.memory_space<vmem>>, vector<16xi32>, vector<16xi1>
        tpu.vector_store %arg7[%swap3A_1520], %add3A_1519 masked %ge3A_1514 {strides = array<i32>} : memref<1056xi32, #tpu.memory_space<vmem>>, vector<16xi32>, vector<16xi1>
        %get3A_1522 = arith.index_cast %scan3A_23 : i32 to index
        %get3A_1523 = arith.constant 816 : index
        %get3A_1524 = tpu.vector_load %arg4[%get3A_1522, %get3A_1523] {strides = array<i32>} : memref<8x1024xf32, #tpu.memory_space<vmem>>, vector<16xf32>,
        %ge3A_1525 = vector.broadcast %reduce_min3A_335 : f32 to vector<16xf32>
        %ge3A_1526 = arith.cmpf oge, %get3A_1524, %ge3A_1525 : vector<16xf32>
        %swap3A_1527 = arith.index_cast %add3A_895 : i32 to index
        %swap3A_1528 = tpu.vector_load %arg6[%swap3A_1527] masked %ge3A_1526 {strides = array<i32>} : memref<1056xf32, #tpu.memory_space<vmem>>, vector<16xf32>, vector<16xi1>
        tpu.vector_store %arg6[%swap3A_1527], %get3A_1524 masked %ge3A_1526 {strides = array<i32>} : memref<1056xf32, #tpu.memory_space<vmem>>, vector<16xf32>, vector<16xi1>
        %add3A_1529 = arith.constant 816 : i32
        %add3A_1530 = vector.broadcast %add3A_1529 : i32 to vector<16xi32>
        %add3A_1531 = arith.addi %iota3A, %add3A_1530 : vector<16xi32>
        %swap3A_1532 = arith.index_cast %add3A_895 : i32 to index
        %swap3A_1533 = tpu.vector_load %arg7[%swap3A_1532] masked %ge3A_1526 {strides = array<i32>} : memref<1056xi32, #tpu.memory_space<vmem>>, vector<16xi32>, vector<16xi1>
        tpu.vector_store %arg7[%swap3A_1532], %add3A_1531 masked %ge3A_1526 {strides = array<i32>} : memref<1056xi32, #tpu.memory_space<vmem>>, vector<16xi32>, vector<16xi1>
        %get3A_1534 = arith.index_cast %scan3A_23 : i32 to index
        %get3A_1535 = arith.constant 832 : index
        %get3A_1536 = tpu.vector_load %arg4[%get3A_1534, %get3A_1535] {strides = array<i32>} : memref<8x1024xf32, #tpu.memory_space<vmem>>, vector<16xf32>,
        %ge3A_1537 = vector.broadcast %reduce_min3A_335 : f32 to vector<16xf32>
        %ge3A_1538 = arith.cmpf oge, %get3A_1536, %ge3A_1537 : vector<16xf32>
        %swap3A_1539 = arith.index_cast %add3A_896 : i32 to index
        %swap3A_1540 = tpu.vector_load %arg6[%swap3A_1539] masked %ge3A_1538 {strides = array<i32>} : memref<1056xf32, #tpu.memory_space<vmem>>, vector<16xf32>, vector<16xi1>
        tpu.vector_store %arg6[%swap3A_1539], %get3A_1536 masked %ge3A_1538 {strides = array<i32>} : memref<1056xf32, #tpu.memory_space<vmem>>, vector<16xf32>, vector<16xi1>
        %add3A_1541 = arith.constant 832 : i32
        %add3A_1542 = vector.broadcast %add3A_1541 : i32 to vector<16xi32>
        %add3A_1543 = arith.addi %iota3A, %add3A_1542 : vector<16xi32>
        %swap3A_1544 = arith.index_cast %add3A_896 : i32 to index
        %swap3A_1545 = tpu.vector_load %arg7[%swap3A_1544] masked %ge3A_1538 {strides = array<i32>} : memref<1056xi32, #tpu.memory_space<vmem>>, vector<16xi32>, vector<16xi1>
        tpu.vector_store %arg7[%swap3A_1544], %add3A_1543 masked %ge3A_1538 {strides = array<i32>} : memref<1056xi32, #tpu.memory_space<vmem>>, vector<16xi32>, vector<16xi1>
        %get3A_1546 = arith.index_cast %scan3A_23 : i32 to index
        %get3A_1547 = arith.constant 848 : index
        %get3A_1548 = tpu.vector_load %arg4[%get3A_1546, %get3A_1547] {strides = array<i32>} : memref<8x1024xf32, #tpu.memory_space<vmem>>, vector<16xf32>,
        %ge3A_1549 = vector.broadcast %reduce_min3A_335 : f32 to vector<16xf32>
        %ge3A_1550 = arith.cmpf oge, %get3A_1548, %ge3A_1549 : vector<16xf32>
        %swap3A_1551 = arith.index_cast %add3A_897 : i32 to index
        %swap3A_1552 = tpu.vector_load %arg6[%swap3A_1551] masked %ge3A_1550 {strides = array<i32>} : memref<1056xf32, #tpu.memory_space<vmem>>, vector<16xf32>, vector<16xi1>
        tpu.vector_store %arg6[%swap3A_1551], %get3A_1548 masked %ge3A_1550 {strides = array<i32>} : memref<1056xf32, #tpu.memory_space<vmem>>, vector<16xf32>, vector<16xi1>
        %add3A_1553 = arith.constant 848 : i32
        %add3A_1554 = vector.broadcast %add3A_1553 : i32 to vector<16xi32>
        %add3A_1555 = arith.addi %iota3A, %add3A_1554 : vector<16xi32>
        %swap3A_1556 = arith.index_cast %add3A_897 : i32 to index
        %swap3A_1557 = tpu.vector_load %arg7[%swap3A_1556] masked %ge3A_1550 {strides = array<i32>} : memref<1056xi32, #tpu.memory_space<vmem>>, vector<16xi32>, vector<16xi1>
        tpu.vector_store %arg7[%swap3A_1556], %add3A_1555 masked %ge3A_1550 {strides = array<i32>} : memref<1056xi32, #tpu.memory_space<vmem>>, vector<16xi32>, vector<16xi1>
        %get3A_1558 = arith.index_cast %scan3A_23 : i32 to index
        %get3A_1559 = arith.constant 864 : index
        %get3A_1560 = tpu.vector_load %arg4[%get3A_1558, %get3A_1559] {strides = array<i32>} : memref<8x1024xf32, #tpu.memory_space<vmem>>, vector<16xf32>,
        %ge3A_1561 = vector.broadcast %reduce_min3A_335 : f32 to vector<16xf32>
        %ge3A_1562 = arith.cmpf oge, %get3A_1560, %ge3A_1561 : vector<16xf32>
        %swap3A_1563 = arith.index_cast %add3A_898 : i32 to index
        %swap3A_1564 = tpu.vector_load %arg6[%swap3A_1563] masked %ge3A_1562 {strides = array<i32>} : memref<1056xf32, #tpu.memory_space<vmem>>, vector<16xf32>, vector<16xi1>
        tpu.vector_store %arg6[%swap3A_1563], %get3A_1560 masked %ge3A_1562 {strides = array<i32>} : memref<1056xf32, #tpu.memory_space<vmem>>, vector<16xf32>, vector<16xi1>
        %add3A_1565 = arith.constant 864 : i32
        %add3A_1566 = vector.broadcast %add3A_1565 : i32 to vector<16xi32>
        %add3A_1567 = arith.addi %iota3A, %add3A_1566 : vector<16xi32>
        %swap3A_1568 = arith.index_cast %add3A_898 : i32 to index
        %swap3A_1569 = tpu.vector_load %arg7[%swap3A_1568] masked %ge3A_1562 {strides = array<i32>} : memref<1056xi32, #tpu.memory_space<vmem>>, vector<16xi32>, vector<16xi1>
        tpu.vector_store %arg7[%swap3A_1568], %add3A_1567 masked %ge3A_1562 {strides = array<i32>} : memref<1056xi32, #tpu.memory_space<vmem>>, vector<16xi32>, vector<16xi1>
        %get3A_1570 = arith.index_cast %scan3A_23 : i32 to index
        %get3A_1571 = arith.constant 880 : index
        %get3A_1572 = tpu.vector_load %arg4[%get3A_1570, %get3A_1571] {strides = array<i32>} : memref<8x1024xf32, #tpu.memory_space<vmem>>, vector<16xf32>,
        %ge3A_1573 = vector.broadcast %reduce_min3A_335 : f32 to vector<16xf32>
        %ge3A_1574 = arith.cmpf oge, %get3A_1572, %ge3A_1573 : vector<16xf32>
        %swap3A_1575 = arith.index_cast %add3A_899 : i32 to index
        %swap3A_1576 = tpu.vector_load %arg6[%swap3A_1575] masked %ge3A_1574 {strides = array<i32>} : memref<1056xf32, #tpu.memory_space<vmem>>, vector<16xf32>, vector<16xi1>
        tpu.vector_store %arg6[%swap3A_1575], %get3A_1572 masked %ge3A_1574 {strides = array<i32>} : memref<1056xf32, #tpu.memory_space<vmem>>, vector<16xf32>, vector<16xi1>
        %add3A_1577 = arith.constant 880 : i32
        %add3A_1578 = vector.broadcast %add3A_1577 : i32 to vector<16xi32>
        %add3A_1579 = arith.addi %iota3A, %add3A_1578 : vector<16xi32>
        %swap3A_1580 = arith.index_cast %add3A_899 : i32 to index
        %swap3A_1581 = tpu.vector_load %arg7[%swap3A_1580] masked %ge3A_1574 {strides = array<i32>} : memref<1056xi32, #tpu.memory_space<vmem>>, vector<16xi32>, vector<16xi1>
        tpu.vector_store %arg7[%swap3A_1580], %add3A_1579 masked %ge3A_1574 {strides = array<i32>} : memref<1056xi32, #tpu.memory_space<vmem>>, vector<16xi32>, vector<16xi1>
        %get3A_1582 = arith.index_cast %scan3A_23 : i32 to index
        %get3A_1583 = arith.constant 896 : index
        %get3A_1584 = tpu.vector_load %arg4[%get3A_1582, %get3A_1583] {strides = array<i32>} : memref<8x1024xf32, #tpu.memory_space<vmem>>, vector<16xf32>,
        %ge3A_1585 = vector.broadcast %reduce_min3A_335 : f32 to vector<16xf32>
        %ge3A_1586 = arith.cmpf oge, %get3A_1584, %ge3A_1585 : vector<16xf32>
        %swap3A_1587 = arith.index_cast %add3A_900 : i32 to index
        %swap3A_1588 = tpu.vector_load %arg6[%swap3A_1587] masked %ge3A_1586 {strides = array<i32>} : memref<1056xf32, #tpu.memory_space<vmem>>, vector<16xf32>, vector<16xi1>
        tpu.vector_store %arg6[%swap3A_1587], %get3A_1584 masked %ge3A_1586 {strides = array<i32>} : memref<1056xf32, #tpu.memory_space<vmem>>, vector<16xf32>, vector<16xi1>
        %add3A_1589 = arith.constant 896 : i32
        %add3A_1590 = vector.broadcast %add3A_1589 : i32 to vector<16xi32>
        %add3A_1591 = arith.addi %iota3A, %add3A_1590 : vector<16xi32>
        %swap3A_1592 = arith.index_cast %add3A_900 : i32 to index
        %swap3A_1593 = tpu.vector_load %arg7[%swap3A_1592] masked %ge3A_1586 {strides = array<i32>} : memref<1056xi32, #tpu.memory_space<vmem>>, vector<16xi32>, vector<16xi1>
        tpu.vector_store %arg7[%swap3A_1592], %add3A_1591 masked %ge3A_1586 {strides = array<i32>} : memref<1056xi32, #tpu.memory_space<vmem>>, vector<16xi32>, vector<16xi1>
        %get3A_1594 = arith.index_cast %scan3A_23 : i32 to index
        %get3A_1595 = arith.constant 912 : index
        %get3A_1596 = tpu.vector_load %arg4[%get3A_1594, %get3A_1595] {strides = array<i32>} : memref<8x1024xf32, #tpu.memory_space<vmem>>, vector<16xf32>,
        %ge3A_1597 = vector.broadcast %reduce_min3A_335 : f32 to vector<16xf32>
        %ge3A_1598 = arith.cmpf oge, %get3A_1596, %ge3A_1597 : vector<16xf32>
        %swap3A_1599 = arith.index_cast %add3A_901 : i32 to index
        %swap3A_1600 = tpu.vector_load %arg6[%swap3A_1599] masked %ge3A_1598 {strides = array<i32>} : memref<1056xf32, #tpu.memory_space<vmem>>, vector<16xf32>, vector<16xi1>
        tpu.vector_store %arg6[%swap3A_1599], %get3A_1596 masked %ge3A_1598 {strides = array<i32>} : memref<1056xf32, #tpu.memory_space<vmem>>, vector<16xf32>, vector<16xi1>
        %add3A_1601 = arith.constant 912 : i32
        %add3A_1602 = vector.broadcast %add3A_1601 : i32 to vector<16xi32>
        %add3A_1603 = arith.addi %iota3A, %add3A_1602 : vector<16xi32>
        %swap3A_1604 = arith.index_cast %add3A_901 : i32 to index
        %swap3A_1605 = tpu.vector_load %arg7[%swap3A_1604] masked %ge3A_1598 {strides = array<i32>} : memref<1056xi32, #tpu.memory_space<vmem>>, vector<16xi32>, vector<16xi1>
        tpu.vector_store %arg7[%swap3A_1604], %add3A_1603 masked %ge3A_1598 {strides = array<i32>} : memref<1056xi32, #tpu.memory_space<vmem>>, vector<16xi32>, vector<16xi1>
        %get3A_1606 = arith.index_cast %scan3A_23 : i32 to index
        %get3A_1607 = arith.constant 928 : index
        %get3A_1608 = tpu.vector_load %arg4[%get3A_1606, %get3A_1607] {strides = array<i32>} : memref<8x1024xf32, #tpu.memory_space<vmem>>, vector<16xf32>,
        %ge3A_1609 = vector.broadcast %reduce_min3A_335 : f32 to vector<16xf32>
        %ge3A_1610 = arith.cmpf oge, %get3A_1608, %ge3A_1609 : vector<16xf32>
        %swap3A_1611 = arith.index_cast %add3A_902 : i32 to index
        %swap3A_1612 = tpu.vector_load %arg6[%swap3A_1611] masked %ge3A_1610 {strides = array<i32>} : memref<1056xf32, #tpu.memory_space<vmem>>, vector<16xf32>, vector<16xi1>
        tpu.vector_store %arg6[%swap3A_1611], %get3A_1608 masked %ge3A_1610 {strides = array<i32>} : memref<1056xf32, #tpu.memory_space<vmem>>, vector<16xf32>, vector<16xi1>
        %add3A_1613 = arith.constant 928 : i32
        %add3A_1614 = vector.broadcast %add3A_1613 : i32 to vector<16xi32>
        %add3A_1615 = arith.addi %iota3A, %add3A_1614 : vector<16xi32>
        %swap3A_1616 = arith.index_cast %add3A_902 : i32 to index
        %swap3A_1617 = tpu.vector_load %arg7[%swap3A_1616] masked %ge3A_1610 {strides = array<i32>} : memref<1056xi32, #tpu.memory_space<vmem>>, vector<16xi32>, vector<16xi1>
        tpu.vector_store %arg7[%swap3A_1616], %add3A_1615 masked %ge3A_1610 {strides = array<i32>} : memref<1056xi32, #tpu.memory_space<vmem>>, vector<16xi32>, vector<16xi1>
        %get3A_1618 = arith.index_cast %scan3A_23 : i32 to index
        %get3A_1619 = arith.constant 944 : index
        %get3A_1620 = tpu.vector_load %arg4[%get3A_1618, %get3A_1619] {strides = array<i32>} : memref<8x1024xf32, #tpu.memory_space<vmem>>, vector<16xf32>,
        %ge3A_1621 = vector.broadcast %reduce_min3A_335 : f32 to vector<16xf32>
        %ge3A_1622 = arith.cmpf oge, %get3A_1620, %ge3A_1621 : vector<16xf32>
        %swap3A_1623 = arith.index_cast %add3A_903 : i32 to index
        %swap3A_1624 = tpu.vector_load %arg6[%swap3A_1623] masked %ge3A_1622 {strides = array<i32>} : memref<1056xf32, #tpu.memory_space<vmem>>, vector<16xf32>, vector<16xi1>
        tpu.vector_store %arg6[%swap3A_1623], %get3A_1620 masked %ge3A_1622 {strides = array<i32>} : memref<1056xf32, #tpu.memory_space<vmem>>, vector<16xf32>, vector<16xi1>
        %add3A_1625 = arith.constant 944 : i32
        %add3A_1626 = vector.broadcast %add3A_1625 : i32 to vector<16xi32>
        %add3A_1627 = arith.addi %iota3A, %add3A_1626 : vector<16xi32>
        %swap3A_1628 = arith.index_cast %add3A_903 : i32 to index
        %swap3A_1629 = tpu.vector_load %arg7[%swap3A_1628] masked %ge3A_1622 {strides = array<i32>} : memref<1056xi32, #tpu.memory_space<vmem>>, vector<16xi32>, vector<16xi1>
        tpu.vector_store %arg7[%swap3A_1628], %add3A_1627 masked %ge3A_1622 {strides = array<i32>} : memref<1056xi32, #tpu.memory_space<vmem>>, vector<16xi32>, vector<16xi1>
        %get3A_1630 = arith.index_cast %scan3A_23 : i32 to index
        %get3A_1631 = arith.constant 960 : index
        %get3A_1632 = tpu.vector_load %arg4[%get3A_1630, %get3A_1631] {strides = array<i32>} : memref<8x1024xf32, #tpu.memory_space<vmem>>, vector<16xf32>,
        %ge3A_1633 = vector.broadcast %reduce_min3A_335 : f32 to vector<16xf32>
        %ge3A_1634 = arith.cmpf oge, %get3A_1632, %ge3A_1633 : vector<16xf32>
        %swap3A_1635 = arith.index_cast %add3A_904 : i32 to index
        %swap3A_1636 = tpu.vector_load %arg6[%swap3A_1635] masked %ge3A_1634 {strides = array<i32>} : memref<1056xf32, #tpu.memory_space<vmem>>, vector<16xf32>, vector<16xi1>
        tpu.vector_store %arg6[%swap3A_1635], %get3A_1632 masked %ge3A_1634 {strides = array<i32>} : memref<1056xf32, #tpu.memory_space<vmem>>, vector<16xf32>, vector<16xi1>
        %add3A_1637 = arith.constant 960 : i32
        %add3A_1638 = vector.broadcast %add3A_1637 : i32 to vector<16xi32>
        %add3A_1639 = arith.addi %iota3A, %add3A_1638 : vector<16xi32>
        %swap3A_1640 = arith.index_cast %add3A_904 : i32 to index
        %swap3A_1641 = tpu.vector_load %arg7[%swap3A_1640] masked %ge3A_1634 {strides = array<i32>} : memref<1056xi32, #tpu.memory_space<vmem>>, vector<16xi32>, vector<16xi1>
        tpu.vector_store %arg7[%swap3A_1640], %add3A_1639 masked %ge3A_1634 {strides = array<i32>} : memref<1056xi32, #tpu.memory_space<vmem>>, vector<16xi32>, vector<16xi1>
        %get3A_1642 = arith.index_cast %scan3A_23 : i32 to index
        %get3A_1643 = arith.constant 976 : index
        %get3A_1644 = tpu.vector_load %arg4[%get3A_1642, %get3A_1643] {strides = array<i32>} : memref<8x1024xf32, #tpu.memory_space<vmem>>, vector<16xf32>,
        %ge3A_1645 = vector.broadcast %reduce_min3A_335 : f32 to vector<16xf32>
        %ge3A_1646 = arith.cmpf oge, %get3A_1644, %ge3A_1645 : vector<16xf32>
        %swap3A_1647 = arith.index_cast %add3A_905 : i32 to index
        %swap3A_1648 = tpu.vector_load %arg6[%swap3A_1647] masked %ge3A_1646 {strides = array<i32>} : memref<1056xf32, #tpu.memory_space<vmem>>, vector<16xf32>, vector<16xi1>
        tpu.vector_store %arg6[%swap3A_1647], %get3A_1644 masked %ge3A_1646 {strides = array<i32>} : memref<1056xf32, #tpu.memory_space<vmem>>, vector<16xf32>, vector<16xi1>
        %add3A_1649 = arith.constant 976 : i32
        %add3A_1650 = vector.broadcast %add3A_1649 : i32 to vector<16xi32>
        %add3A_1651 = arith.addi %iota3A, %add3A_1650 : vector<16xi32>
        %swap3A_1652 = arith.index_cast %add3A_905 : i32 to index
        %swap3A_1653 = tpu.vector_load %arg7[%swap3A_1652] masked %ge3A_1646 {strides = array<i32>} : memref<1056xi32, #tpu.memory_space<vmem>>, vector<16xi32>, vector<16xi1>
        tpu.vector_store %arg7[%swap3A_1652], %add3A_1651 masked %ge3A_1646 {strides = array<i32>} : memref<1056xi32, #tpu.memory_space<vmem>>, vector<16xi32>, vector<16xi1>
        %get3A_1654 = arith.index_cast %scan3A_23 : i32 to index
        %get3A_1655 = arith.constant 992 : index
        %get3A_1656 = tpu.vector_load %arg4[%get3A_1654, %get3A_1655] {strides = array<i32>} : memref<8x1024xf32, #tpu.memory_space<vmem>>, vector<16xf32>,
        %ge3A_1657 = vector.broadcast %reduce_min3A_335 : f32 to vector<16xf32>
        %ge3A_1658 = arith.cmpf oge, %get3A_1656, %ge3A_1657 : vector<16xf32>
        %swap3A_1659 = arith.index_cast %add3A_906 : i32 to index
        %swap3A_1660 = tpu.vector_load %arg6[%swap3A_1659] masked %ge3A_1658 {strides = array<i32>} : memref<1056xf32, #tpu.memory_space<vmem>>, vector<16xf32>, vector<16xi1>
        tpu.vector_store %arg6[%swap3A_1659], %get3A_1656 masked %ge3A_1658 {strides = array<i32>} : memref<1056xf32, #tpu.memory_space<vmem>>, vector<16xf32>, vector<16xi1>
        %add3A_1661 = arith.constant 992 : i32
        %add3A_1662 = vector.broadcast %add3A_1661 : i32 to vector<16xi32>
        %add3A_1663 = arith.addi %iota3A, %add3A_1662 : vector<16xi32>
        %swap3A_1664 = arith.index_cast %add3A_906 : i32 to index
        %swap3A_1665 = tpu.vector_load %arg7[%swap3A_1664] masked %ge3A_1658 {strides = array<i32>} : memref<1056xi32, #tpu.memory_space<vmem>>, vector<16xi32>, vector<16xi1>
        tpu.vector_store %arg7[%swap3A_1664], %add3A_1663 masked %ge3A_1658 {strides = array<i32>} : memref<1056xi32, #tpu.memory_space<vmem>>, vector<16xi32>, vector<16xi1>
        %get3A_1666 = arith.index_cast %scan3A_23 : i32 to index
        %get3A_1667 = arith.constant 1008 : index
        %get3A_1668 = tpu.vector_load %arg4[%get3A_1666, %get3A_1667] {strides = array<i32>} : memref<8x1024xf32, #tpu.memory_space<vmem>>, vector<16xf32>,
        %ge3A_1669 = vector.broadcast %reduce_min3A_335 : f32 to vector<16xf32>
        %ge3A_1670 = arith.cmpf oge, %get3A_1668, %ge3A_1669 : vector<16xf32>
        %swap3A_1671 = arith.index_cast %add3A_907 : i32 to index
        %swap3A_1672 = tpu.vector_load %arg6[%swap3A_1671] masked %ge3A_1670 {strides = array<i32>} : memref<1056xf32, #tpu.memory_space<vmem>>, vector<16xf32>, vector<16xi1>
        tpu.vector_store %arg6[%swap3A_1671], %get3A_1668 masked %ge3A_1670 {strides = array<i32>} : memref<1056xf32, #tpu.memory_space<vmem>>, vector<16xf32>, vector<16xi1>
        %add3A_1673 = arith.constant 1008 : i32
        %add3A_1674 = vector.broadcast %add3A_1673 : i32 to vector<16xi32>
        %add3A_1675 = arith.addi %iota3A, %add3A_1674 : vector<16xi32>
        %swap3A_1676 = arith.index_cast %add3A_907 : i32 to index
        %swap3A_1677 = tpu.vector_load %arg7[%swap3A_1676] masked %ge3A_1670 {strides = array<i32>} : memref<1056xi32, #tpu.memory_space<vmem>>, vector<16xi32>, vector<16xi1>
        tpu.vector_store %arg7[%swap3A_1676], %add3A_1675 masked %ge3A_1670 {strides = array<i32>} : memref<1056xi32, #tpu.memory_space<vmem>>, vector<16xi32>, vector<16xi1>
        %add3A_1678 = vector.broadcast %add3A_908 : i32 to vector<16xi32>
        %add3A_1679 = arith.addi %add3A_1678, %iota3A : vector<16xi32>
        tpu.vector_store_idx %arg6[%add3A_1679], %broadcast_in_dim3A_3 : memref<1056xf32, #tpu.memory_space<vmem>>[vector<16xi32>], vector<16xf32>,
        %add3A_1680 = arith.constant 15 : i32
        %add3A_1681 = arith.addi %add3A_908, %add3A_1680 : i32
        %jit3A = arith.constant 16 : i32
        %div3A = arith.divsi %add3A_1681, %jit3A : i32
        %sign3A = arith.constant 0 : i32
        %sign3A_1682 = arith.cmpi sgt, %add3A_1681, %sign3A : i32
        %sign3A_1683 = arith.extui %sign3A_1682 : i1 to i32
        %sign3A_1684 = arith.constant 0 : i32
        %sign3A_1685 = arith.cmpi slt, %add3A_1681, %sign3A_1684 : i32
        %sign3A_1686 = arith.extui %sign3A_1685 : i1 to i32
        %sign3A_1687 = arith.subi %sign3A_1683, %sign3A_1686 : i32
        %sign3A_1688 = arith.constant 0 : i32
        %sign3A_1689 = arith.cmpi sgt, %jit3A, %sign3A_1688 : i32
        %sign3A_1690 = arith.extui %sign3A_1689 : i1 to i32
        %sign3A_1691 = arith.constant 0 : i32
        %sign3A_1692 = arith.cmpi slt, %jit3A, %sign3A_1691 : i32
        %sign3A_1693 = arith.extui %sign3A_1692 : i1 to i32
        %sign3A_1694 = arith.subi %sign3A_1690, %sign3A_1693 : i32
        %ne3A = arith.cmpi ne, %sign3A_1687, %sign3A_1694 : i32
        %rem3A = arith.remsi %add3A_1681, %jit3A : i32
        %ne3A_1695 = arith.constant 0 : i32
        %ne3A_1696 = arith.cmpi ne, %rem3A, %ne3A_1695 : i32
        %and3A = arith.andi %ne3A, %ne3A_1696 : i1
        %sub3A = arith.constant 1 : i32
        %sub3A_1697 = arith.subi %div3A, %sub3A : i32
        %select_n3A = arith.select %and3A, %sub3A_1697, %div3A : i32
        %get3A_1698 = arith.constant 0 : index
        %get3A_1699 = tpu.vector_load %arg6[%get3A_1698] {strides = array<i32>} : memref<1056xf32, #tpu.memory_space<vmem>>, vector<16xf32>,
        %get3A_1700 = arith.constant 0 : index
        %get3A_1701 = tpu.vector_load %arg7[%get3A_1700] {strides = array<i32>} : memref<1056xi32, #tpu.memory_space<vmem>>, vector<16xi32>,
        %masked_sort3A_1702 = arith.constant dense<true> : vector<16xi1>
        %masked_sort3A_1703, %masked_sort3A_1704, %masked_sort3A_1705 = tpu.sort %get3A_1699, %get3A_1701 masked %masked_sort3A_1702 {descending = true} : (vector<16xf32>, vector<16xi32>, vector<16xi1>) -> (vector<16xi1>, vector<16xf32>, vector<16xi32>)
        %get3A_1706 = arith.constant 16 : index
        %get3A_1707 = tpu.vector_load %arg6[%get3A_1706] {strides = array<i32>} : memref<1056xf32, #tpu.memory_space<vmem>>, vector<16xf32>,
        %get3A_1708 = arith.constant 16 : index
        %get3A_1709 = tpu.vector_load %arg7[%get3A_1708] {strides = array<i32>} : memref<1056xi32, #tpu.memory_space<vmem>>, vector<16xi32>,
        %masked_sort3A_1710 = arith.constant dense<true> : vector<16xi1>
        %masked_sort3A_1711, %masked_sort3A_1712, %masked_sort3A_1713 = tpu.sort %get3A_1707, %get3A_1709 masked %masked_sort3A_1710 {descending = true} : (vector<16xf32>, vector<16xi32>, vector<16xi1>) -> (vector<16xi1>, vector<16xf32>, vector<16xi32>)
        %rev3A_1714 = arith.constant 15 : i32
        %rev3A_1715 = vector.broadcast %rev3A_1714 : i32 to vector<16xi32>
        %rev3A_1716 = tpu.iota {dimensions = array<i32: 0>} : vector<16xi32>
        %rev3A_1717 = arith.subi %rev3A_1715, %rev3A_1716 : vector<16xi32>
        %rev3A_1718 = tpu.dynamic_gather %masked_sort3A_1712[%rev3A_1717] in [0] : vector<16xf32>, vector<16xi32> -> vector<16xf32>
        %rev3A_1719 = arith.constant 15 : i32
        %rev3A_1720 = vector.broadcast %rev3A_1719 : i32 to vector<16xi32>
        %rev3A_1721 = tpu.iota {dimensions = array<i32: 0>} : vector<16xi32>
        %rev3A_1722 = arith.subi %rev3A_1720, %rev3A_1721 : vector<16xi32>
        %rev3A_1723 = tpu.dynamic_gather %masked_sort3A_1713[%rev3A_1722] in [0] : vector<16xi32>, vector<16xi32> -> vector<16xi32>
        %ge3A_1724 = arith.cmpf oge, %masked_sort3A_1704, %rev3A_1718 : vector<16xf32>
        %select_n3A_1725 = arith.select %ge3A_1724, %masked_sort3A_1704, %rev3A_1718 : vector<16xi1>, vector<16xf32>
        %select_n3A_1726 = arith.select %ge3A_1724, %masked_sort3A_1705, %rev3A_1723 : vector<16xi1>, vector<16xi32>
        %select_n3A_1727 = arith.select %ge3A_1724, %rev3A_1718, %masked_sort3A_1704 : vector<16xi1>, vector<16xf32>
        %select_n3A_1728 = arith.select %ge3A_1724, %rev3A_1723, %masked_sort3A_1705 : vector<16xi1>, vector<16xi32>
        %masked_sort3A_1729 = arith.constant dense<true> : vector<16xi1>
        %masked_sort3A_1730, %masked_sort3A_1731, %masked_sort3A_1732 = tpu.sort %select_n3A_1725, %select_n3A_1726 masked %masked_sort3A_1729 {descending = true} : (vector<16xf32>, vector<16xi32>, vector<16xi1>) -> (vector<16xi1>, vector<16xf32>, vector<16xi32>)
        %masked_sort3A_1733 = arith.constant dense<true> : vector<16xi1>
        %masked_sort3A_1734, %masked_sort3A_1735, %masked_sort3A_1736 = tpu.sort %select_n3A_1727, %select_n3A_1728 masked %masked_sort3A_1733 {descending = true} : (vector<16xf32>, vector<16xi32>, vector<16xi1>) -> (vector<16xi1>, vector<16xf32>, vector<16xi32>)
        %while3A = arith.constant 2 : i32
        %while3A_1737:5 = scf.while (%while3A_1745 = %while3A, %while3A_1746 = %masked_sort3A_1731, %while3A_1747 = %masked_sort3A_1732, %while3A_1748 = %masked_sort3A_1735, %while3A_1749 = %masked_sort3A_1736) : (i32, vector<16xf32>, vector<16xi32>, vector<16xf32>, vector<16xi32>) -> (i32, vector<16xf32>, vector<16xi32>, vector<16xf32>, vector<16xi32>) {
          %lt3A = arith.cmpi slt, %while3A_1745, %select_n3A : i32
          scf.condition(%lt3A) %while3A_1745, %while3A_1746, %while3A_1747, %while3A_1748, %while3A_1749 : i32, vector<16xf32>, vector<16xi32>, vector<16xf32>, vector<16xi32>
        } do {
        ^bb0(%while3A_1745: i32, %while3A_1746: vector<16xf32>, %while3A_1747: vector<16xi32>, %while3A_1748: vector<16xf32>, %while3A_1749: vector<16xi32>):
          %mul3A_1750 = arith.constant 16 : i32
          %mul3A_1751 = arith.muli %while3A_1745, %mul3A_1750 : i32
          %get3A_1752 = arith.index_cast %mul3A_1751 : i32 to index
          %get3A_1753 = tpu.vector_load %arg6[%get3A_1752] {strides = array<i32>} : memref<1056xf32, #tpu.memory_space<vmem>>, vector<16xf32>,
          %mul3A_1754 = arith.constant 16 : i32
          %mul3A_1755 = arith.muli %while3A_1745, %mul3A_1754 : i32
          %get3A_1756 = arith.index_cast %mul3A_1755 : i32 to index
          %get3A_1757 = tpu.vector_load %arg7[%get3A_1756] {strides = array<i32>} : memref<1056xi32, #tpu.memory_space<vmem>>, vector<16xi32>,
          %masked_sort3A_1758 = arith.constant dense<true> : vector<16xi1>
          %masked_sort3A_1759, %masked_sort3A_1760, %masked_sort3A_1761 = tpu.sort %get3A_1753, %get3A_1757 masked %masked_sort3A_1758 {descending = true} : (vector<16xf32>, vector<16xi32>, vector<16xi1>) -> (vector<16xi1>, vector<16xf32>, vector<16xi32>)
          %rev3A_1762 = arith.constant 15 : i32
          %rev3A_1763 = vector.broadcast %rev3A_1762 : i32 to vector<16xi32>
          %rev3A_1764 = tpu.iota {dimensions = array<i32: 0>} : vector<16xi32>
          %rev3A_1765 = arith.subi %rev3A_1763, %rev3A_1764 : vector<16xi32>
          %rev3A_1766 = tpu.dynamic_gather %masked_sort3A_1760[%rev3A_1765] in [0] : vector<16xf32>, vector<16xi32> -> vector<16xf32>
          %rev3A_1767 = arith.constant 15 : i32
          %rev3A_1768 = vector.broadcast %rev3A_1767 : i32 to vector<16xi32>
          %rev3A_1769 = tpu.iota {dimensions = array<i32: 0>} : vector<16xi32>
          %rev3A_1770 = arith.subi %rev3A_1768, %rev3A_1769 : vector<16xi32>
          %rev3A_1771 = tpu.dynamic_gather %masked_sort3A_1761[%rev3A_1770] in [0] : vector<16xi32>, vector<16xi32> -> vector<16xi32>
          %ge3A_1772 = arith.cmpf oge, %while3A_1748, %rev3A_1766 : vector<16xf32>
          %select_n3A_1773 = arith.select %ge3A_1772, %while3A_1748, %rev3A_1766 : vector<16xi1>, vector<16xf32>
          %select_n3A_1774 = arith.select %ge3A_1772, %while3A_1749, %rev3A_1771 : vector<16xi1>, vector<16xi32>
          %ge3A_1775 = arith.cmpf oge, %while3A_1746, %select_n3A_1773 : vector<16xf32>
          %select_n3A_1776 = arith.select %ge3A_1775, %while3A_1746, %select_n3A_1773 : vector<16xi1>, vector<16xf32>
          %select_n3A_1777 = arith.select %ge3A_1775, %while3A_1747, %select_n3A_1774 : vector<16xi1>, vector<16xi32>
          %select_n3A_1778 = arith.select %ge3A_1775, %select_n3A_1773, %while3A_1746 : vector<16xi1>, vector<16xf32>
          %select_n3A_1779 = arith.select %ge3A_1775, %select_n3A_1774, %while3A_1747 : vector<16xi1>, vector<16xi32>
          %masked_sort3A_1780 = arith.constant dense<true> : vector<16xi1>
          %masked_sort3A_1781, %masked_sort3A_1782, %masked_sort3A_1783 = tpu.sort %select_n3A_1776, %select_n3A_1777 masked %masked_sort3A_1780 {descending = true} : (vector<16xf32>, vector<16xi32>, vector<16xi1>) -> (vector<16xi1>, vector<16xf32>, vector<16xi32>)
          %masked_sort3A_1784 = arith.constant dense<true> : vector<16xi1>
          %masked_sort3A_1785, %masked_sort3A_1786, %masked_sort3A_1787 = tpu.sort %select_n3A_1778, %select_n3A_1779 masked %masked_sort3A_1784 {descending = true} : (vector<16xf32>, vector<16xi32>, vector<16xi1>) -> (vector<16xi1>, vector<16xf32>, vector<16xi32>)
          %add3A_1788 = arith.constant 1 : i32
          %add3A_1789 = arith.addi %while3A_1745, %add3A_1788 : i32
          scf.yield %add3A_1789, %masked_sort3A_1782, %masked_sort3A_1783, %masked_sort3A_1786, %masked_sort3A_1787 : i32, vector<16xf32>, vector<16xi32>, vector<16xf32>, vector<16xi32>
        }
        %swap3A_1738 = arith.index_cast %scan3A_23 : i32 to index
        %swap3A_1739 = arith.constant 0 : index
        %swap3A_1740 = tpu.vector_load %arg5[%swap3A_1738, %swap3A_1739] {strides = array<i32>} : memref<8x32xi32, #tpu.memory_space<vmem>>, vector<16xi32>,
        tpu.vector_store %arg5[%swap3A_1738, %swap3A_1739], %while3A_1737#2 {strides = array<i32>} : memref<8x32xi32, #tpu.memory_space<vmem>>, vector<16xi32>,
        %swap3A_1741 = arith.index_cast %scan3A_23 : i32 to index
        %swap3A_1742 = arith.constant 16 : index
        %swap3A_1743 = tpu.vector_load %arg5[%swap3A_1741, %swap3A_1742] {strides = array<i32>} : memref<8x32xi32, #tpu.memory_space<vmem>>, vector<16xi32>,
        tpu.vector_store %arg5[%swap3A_1741, %swap3A_1742], %while3A_1737#4 {strides = array<i32>} : memref<8x32xi32, #tpu.memory_space<vmem>>, vector<16xi32>,
        %scan3A_1744 = arith.constant 0 : i32
        scf.yield %scan3A_1744 : i32
      }
      %scan3A_21 = arith.constant 8 : i32
      "tpu.region"() ({
        %run_scoped3A = tpu.sem_alloc : memref<!tpu.dma_semaphore, #tpu.memory_space<semaphore_mem>>
        %dma_start3A = arith.constant 0 : i32
        %dma_start3A_23 = tpu.memref_slice %arg3[%add3A_14, %dma_start3A] : memref<8192x32xi32, #tpu.memory_space<hbm>> -> memref<8x32xi32, #tpu.memory_space<hbm>>
        %dma_start3A_24 = arith.constant 0 : i32
        %dma_start3A_25 = tpu.memref_slice %arg3[%add3A_14, %dma_start3A_24] : memref<8192x32xi32, #tpu.memory_space<hbm>> -> memref<8x32xi32, #tpu.memory_space<hbm>>
        tpu.enqueue_dma source(%arg5 : memref<8x32xi32, #tpu.memory_space<vmem>>) target(%dma_start3A_25 : memref<8x32xi32, #tpu.memory_space<hbm>>) target_semaphore(%run_scoped3A : memref<!tpu.dma_semaphore, #tpu.memory_space<semaphore_mem>>)
        %dma_wait3A = arith.constant 0 : i32
        %dma_wait3A_26 = tpu.memref_slice %arg3[%add3A_14, %dma_wait3A] : memref<8192x32xi32, #tpu.memory_space<hbm>> -> memref<8x32xi32, #tpu.memory_space<hbm>>
        %dma_wait3A_27 = arith.constant 0 : i32
        %dma_wait3A_28 = tpu.memref_slice %arg3[%add3A_14, %dma_wait3A_27] : memref<8192x32xi32, #tpu.memory_space<hbm>> -> memref<8x32xi32, #tpu.memory_space<hbm>>
        tpu.wait_dma2 semaphore(%run_scoped3A : memref<!tpu.dma_semaphore, #tpu.memory_space<semaphore_mem>>) src(%arg5 : memref<8x32xi32, #tpu.memory_space<vmem>>) dst(%dma_wait3A_28 : memref<8x32xi32, #tpu.memory_space<hbm>>)
        tpu.yield
      }) : () -> ()
      %scan3A_22 = arith.constant 0 : i32
      scf.yield %scan3A_22 : i32
    }
    %scan3A_9 = arith.constant 32 : i32
    return
  }
}

</mosaic_0001>

<sc_bundles>
// kernel: _sc_topk.3.cloned.1.call-start
scs
__scs_entry_jumppad:
0x0: {  	(pc) =	sbr.rel $0x88, $3  }
0x1: {  	(tag) =	ssettag $0x0;
	lr =	simm.s32 $0x1  }
0x2: {  	[smem:$0x3FA0] =	sst lr;
	_ =	strace $0xD0000000  }
0x3: {  	_ = 	snop  }
0x4: {  	_ = 	snop  }
0x5: {  	_ = 	snop  }
0x6: {  	_ = 	snop  }
0x7: {  	_ = 	snop  }
__scs_overlays_trampoline_lowered:
0x8: {  	[smem:$0x3FAF] =	sst s0  }
0x9: {  	[smem:$0x3FB0] =	sst s1  }
0xa: {  	[smem:$0x3FB1] =	sst s2  }
0xb: {  	[smem:$0x3FB2] =	sst s3  }
0xc: {  	[smem:$0x3FB3] =	sst s4  }
0xd: {  	[smem:$0x3FB4] =	sst s5  }
0xe: {  	[smem:$0x3FB5] =	sst s6  }
0xf: {  	[smem:$0x3FB6] =	sst s7  }
0x10: {  	[smem:$0x3FB7] =	sst s8  }
0x11: {  	[smem:$0x3FB8] =	sst s9;
	s0 =	simm.s32 @!p0 $0x0  }
0x12: {  	s1 =	sld [smem:$0x3F9E];
	s0 =	simm.s32 @p0 $0x1  }
0x13: {  	[smem:$0x3FB9] =	sst s0;
	s0 =	simm.s32 @!p1 $0x0  }
0x14: {  	s2 =	sld [smem:$0x3F9D];
	s0 =	simm.s32 @p1 $0x1  }
0x15: {  	[smem:$0x3FBA] =	sst s0;
	s0 =	simm.s32 @!p2 $0x0  }
0x16: {  	s3 =	sld [smem:$0x3FDB];
	s0 =	simm.s32 @p2 $0x1  }
0x17: {  	s4 =	simm.s32 $0x1BF5;
	[smem:$0x3FBC] =	sst s0  }
0x18: {  	s0 =	sld [smem:$0x3F9F];
	_ =	swait.ge [sflag:s4], $0x0  }
0x19: {  	s7 =	sld [smem:$0x3FA0]  }
0x1a: {  	s8 =	sadd.s32 $0xFFFFE003, lr  }
0x1b: {  	s9 =	sadd.s32 $0xFFFFFEF7, lr;
	s5 =	simm.s32 $0xFFFFFFFF;
	p2 =	slt.u32 s8, $0xFFFFF086  }
0x1c: {  	p1 =	slt.u32 s9, $0xF7A;
	s5 =	simm.s32 @!p2 $0x0  }
0x1d: {  	s5 =	simm.s32 @p1 $0x1;
	p0 =	seq.s32 s7, s2  }
0x1e: {  	s7 =	smul.u32 @!p0 $0xF7A, s2;
	p2 =	seq.s32 @!p0 s5, $0x0  }
0x1f: {  	s9 =	smul.u32 $0xF7A, s1;
	s8 =	simm.s32 @!p0 $0x1BF5;
	p2 =	por !p2, p0  }
0x20: {  	[sflag:s8] =	ssyncset.s32 @!p0 $0xFFFFF086;
	s6 =	sadd.s32 @!p0 s3, s7;
	s7 =	simm.s32 @!p0 $0x108  }
0x21: {  	s3 =	sadd.s32 s3, s9;
	s6 =	sadd.s32 @!p0 $0x88, s6;
	s7 =	simm.s32 @p2 $0x1082  }
0x22: {  	[simem:s7], [sflag:s8] =	dma.local @!p0 [hbm:s6], $0xF7A  }
0x23: {  	s9 =	sor.u32 $0xD0000000, s2;
	s6 =	simm.s32 $0x108;
	_ =	swait.ge @!p0 [sflag:s8], $0x0  }
0x24: {  	s3 =	sadd.s32 $0x88, s3;
	s6 =	simm.s32 @!p1 $0x1082;
	[sflag:s4] =	ssyncset.s32 $0xFFFFF086  }
0x25: {  	[simem:s6], [sflag:s4] =	dma.local [hbm:s3], $0xF7A  }
0x26: {  	[smem:$0x3FA0] =	sst s1;
	(tag) =	ssettag s2;
	_ =	strace s9  }
0x27: {  	s1 =	sld [smem:$0x3FB0]  }
0x28: {  	s2 =	sld [smem:$0x3FB1]  }
0x29: {  	s4 =	sld [smem:$0x3FB3]  }
0x2a: {  	p0 =	seq.s32 s5, $0x0;
	s5 =	sld [smem:$0x3FB4]  }
0x2b: {  	s6 =	sld [smem:$0x3FB5]  }
0x2c: {  	s7 =	sld [smem:$0x3FB6]  }
0x2d: {  	s3 =	simm.s32 $0x108;
	s8 =	sld [smem:$0x3FB7]  }
0x2e: {  	s3 =	simm.s32 @!p0 $0x1082;
	s9 =	sld [smem:$0x3FB8]  }
0x2f: {  	lr =	sadd.s32 s0, s3;
	s0 =	sld [smem:$0x3FAF]  }
0x30: {  	s3 =	sld [smem:$0x3FB2]  }
0x31: {  	[smem:$0x3FBB] =	sst s10  }
0x32: {  	s10 =	sld [smem:$0x3FB9];
	_ =	sdelay $0x3  }
0x33: {  	p0 =	seq.s32 s10, $0x1;
	s10 =	sld [smem:$0x3FBB];
	_ =	sdelay $0x3  }
0x34: {  	[smem:$0x3FBB] =	sst s10  }
0x35: {  	s10 =	sld [smem:$0x3FBA];
	_ =	sdelay $0x3  }
0x36: {  	p1 =	seq.s32 s10, $0x1;
	s10 =	sld [smem:$0x3FBB];
	_ =	sdelay $0x3  }
0x37: {  	[smem:$0x3FBB] =	sst s10  }
0x38: {  	s10 =	sld [smem:$0x3FBC]  }
0x39: {  	_ = 	snop;
	(pc) =	sbr.ind lr, $3  }
0x3a: {  	_ = 	snop  }
0x3b: {  	_ = 	snop  }
0x3c: {  	p2 =	seq.s32 s10, $0x1;
	s10 =	sld [smem:$0x3FBB]  }
0x3d: {  	_ =	shalt  }
0x3e: {  	_ =	shalt  }
0x3f: {  	_ =	shalt  }
0x40: {  	_ =	shalt  }
0x41: {  	_ =	shalt  }
0x42: {  	_ =	shalt  }
0x43: {  	_ =	shalt  }
0x44: {  	_ =	shalt  }
0x45: {  	_ =	shalt  }
0x46: {  	_ =	shalt  }
0x47: {  	_ =	shalt  }
0x48: {  	_ =	shalt  }
0x49: {  	_ =	shalt  }
0x4a: {  	_ =	shalt  }
0x4b: {  	_ =	shalt  }
0x4c: {  	_ =	shalt  }
0x4d: {  	_ =	shalt  }
0x4e: {  	_ =	shalt  }
0x4f: {  	_ =	shalt  }
0x50: {  	_ =	shalt  }
0x51: {  	_ =	shalt  }
0x52: {  	_ =	shalt  }
0x53: {  	_ =	shalt  }
0x54: {  	_ =	shalt  }
0x55: {  	_ =	shalt  }
0x56: {  	_ =	shalt  }
0x57: {  	_ =	shalt  }
0x58: {  	_ =	shalt  }
0x59: {  	_ =	shalt  }
0x5a: {  	_ =	shalt  }
0x5b: {  	_ =	shalt  }
0x5c: {  	_ =	shalt  }
0x5d: {  	_ =	shalt  }
0x5e: {  	_ =	shalt  }
0x5f: {  	_ =	shalt  }
0x60: {  	_ =	shalt  }
0x61: {  	_ =	shalt  }
0x62: {  	_ =	shalt  }
0x63: {  	_ =	shalt  }
0x64: {  	_ =	shalt  }
0x65: {  	_ =	shalt  }
0x66: {  	_ =	shalt  }
0x67: {  	_ =	shalt  }
0x68: {  	_ =	shalt  }
0x69: {  	_ =	shalt  }
0x6a: {  	_ =	shalt  }
0x6b: {  	_ =	shalt  }
0x6c: {  	_ =	shalt  }
0x6d: {  	_ =	shalt  }
0x6e: {  	_ =	shalt  }
0x6f: {  	_ =	shalt  }
0x70: {  	_ =	shalt  }
0x71: {  	_ =	shalt  }
0x72: {  	_ =	shalt  }
0x73: {  	_ =	shalt  }
0x74: {  	_ =	shalt  }
0x75: {  	_ =	shalt  }
0x76: {  	_ =	shalt  }
0x77: {  	_ =	shalt  }
0x78: {  	_ =	shalt  }
0x79: {  	_ =	shalt  }
0x7a: {  	_ =	shalt  }
0x7b: {  	_ =	shalt  }
0x7c: {  	_ =	shalt  }
0x7d: {  	_ =	shalt  }
0x7e: {  	_ =	shalt  }
0x7f: {  	_ =	shalt  }
0x80: {  	_ =	shalt  }
0x81: {  	_ =	shalt  }
0x82: {  	_ =	shalt  }
0x83: {  	_ =	shalt  }
0x84: {  	_ =	shalt  }
0x85: {  	_ =	shalt  }
0x86: {  	_ =	shalt  }
0x87: {  	_ =	shalt  }
.Lfunc_end0:
.L_simem_size_0:
called_computation_lowered:
.L_overlay_start_0:
0x88: {  	s2 =	sld [smem:$0x3FD9]  }
0x89: {  	s3 =	sld [smem:$0x3FFE];
	_ =	sdelay $0x1  }
0x8a: {  	s1 =	srdreg.scid  }
0x8b: {  	s0 =	sand.u32 $0x1, s1  }
0x8c: {  	s17 =	sshll.u32 s0, $0xA;
	s2 =	sadd.s32 s3, s2  }
0x8d: {  	s2 =	sadd.s32 s2, s17  }
0x8e: {  	[smem:$0x3FC7] =	sst s2  }
0x8f: {  	_ = 	snop  }
0x90: {  	s2 =	sld [smem:$0x3FC9];
	(tm) =	ssettm $0x1  }
0x91: {  	s18 =	sld [smem:$0x3FFB];
	_ =	sdelay $0x3  }
0x92: {  	_ =	strace s18  }
0x93: {  	s3 =	sld [smem:$0x3FFC];
	_ =	sdelay $0x3  }
0x94: {  	_ =	strace s3  }
0x95: {  	s3 =	sld [smem:$0x3FFD];
	_ =	sdelay $0x3  }
0x96: {  	_ =	strace s3  }
0x97: {  	_ =	strace $0x8FFFFFFF  }
0x98: {  	s19 =	sld [smem:$0x3FDB];
	_ =	sdelay $0x1  }
0x99: {  	s4 =	simm.s32 $_scs_section_size  }
0x9a: {  	s5 =	simm.s32 $_size__tile_overlayer_lowered;
	s6 =	simm.s32 $_tile_overlayer_lowered  }
0x9b: {  	s22 =	simm.s32 $0x1BFF;
	s21 =	sshll.u32 s6, $0x1;
	s3 =	sadd.s32 s4, s19  }
0x9c: {  	s7 =	simm.s32 $0x0;
	s20 =	sshll.u32 s5, $0x1;
	s5 =	sadd.s32 s21, s3  }
0x9d: {  	[timem:s7], [sflag:s22] =	dma.local [hbm:s5], s20  }
0x9e: {  	_ =	swait.ge [sflag:s22], s20  }
0x9f: {  	s4 =	ssub.s32 $0x0, s20;
	[sflag:s22] =	ssyncset.done $0x0  }
0xa0: {  	[sflag:s22] =	ssyncadd.s32 s4;
	_ =	sdelay $0x1  }
0xa1: {  	s23 =	simm.s32 $0x1B8B  }
0xa2: {  	_ =	swait.ge [sflag:s23], $0x1  }
0xa3: {  	[sflag:s23] =	ssyncset.done $0x0  }
0xa4: {  	s25 =	simm.s32 $0x1B8E;
	s24 =	sld [smem:$0x3FFE];
	[sflag:s23] =	ssyncadd.s32 $0xFFFFFFFF  }
0xa5: {  	s26 =	simm.s32 $execute0_lowered;
	[smem:$0x3FD2] =	sst s25  }
0xa6: {  	s5 =	sshll.u32 s26, $0x1;
	_ =	strace $0x80000046;
	[dreg:$0x1] =	wrdreg $0xFFFFFFFF  }
0xa7: {  	s28 =	simm.s32 $_size_execute0_lowered;
	s3 =	sadd.s32 s3, s5;
	[dreg:$0x0] =	wrdreg $0x0  }
0xa8: {  	s5 =	sshll.u32 s28, $0x1;
	[dreg:$0x2] =	wrdreg s3  }
0xa9: {  	[dreg:$0x3] =	wrdreg s5  }
0xaa: {  	[dreg:$0x4] =	wrdreg $0xC0  }
0xab: {  	_ =	task [dreg:s7], $0x5FFFF  }
0xac: {  	[dreg:$0x1] =	wrdreg $0xFFFFFFFF  }
0xad: {  	[dreg:$0x0] =	wrdreg $0x60  }
0xae: {  	[dreg:$0x2] =	wrdreg s2  }
0xaf: {  	[dreg:$0x3] =	wrdreg s24  }
0xb0: {  	[dreg:$0x4] =	wrdreg $0x9  }
0xb1: {  	_ =	task.clear_ibuf [dreg:s7], $0x5FFFF;
	_ =	strace $0x90000046  }
0xb2: {  	s29 =	simm.s32 $0x9;
	_ =	strace $0x80000048  }
0xb3: {  	_ =	swait.ge [sflag:s29], $0x1  }
0xb4: {  	[sflag:s29] =	ssyncadd.s32 $0xFFFFFFFF  }
0xb5: {  	_ =	strace $0x90000048  }
0xb6: {  	_ =	sfence  }
0xb7: {  	s30 =	sld [smem:$0x0];
	_ =	sdelay $0x2  }
0xb8: {  	s31 =	sshll.u32 s1, $0xD;
	s1 =	sshrl.u32 s1, $0x2  }
0xb9: {  	s3 =	sand.u32 $0x4000, s31;
	s1 =	sadd.s32 s1, s30  }
0xba: {  	s0 =	sor.u32 s3, s0;
	s1 =	sshll.u32 s1, $0x11  }
0xbb: {  	s0 =	sor.u32 s1, s0  }
0xbc: {  	s0 =	sadd.s32 $0x8F2B, s0  }
0xbd: {  	[sflag:s0] =	ssyncadd.remote.s32 $0x1  }
0xbe: {  	_ =	sfence.sel $0xFFFF  }
0xbf: {  	[dreg:$0x0] =	wrdreg $0xFFFFFFFF;
	(pc) =	sbr.abs _section_cstart, $3  }
0xc0: {  	[dreg:$0x1] =	wrdreg $0xFFFFFFFF  }
0xc1: {  	_ =	task.clear_ibuf [dreg:s7], $0x2FFFF;
	_ =	strace $0x9FFFFFFF  }
0xc2: {  	(tm) =	ssettm $0x7FFFFFFF  }
0xc3: {  	_ =	shalt  }
tec
execute0_lowered:
.L_overlay_start_1:
0x0: {  	(tag) =	ssettag $0x1  }
0x1: {  	v15 =	vlaneseq.u32  }
0x2: {  	v0 =	vmul.u32 $0xFFFFFFFF, v15;
	_ =	sdelay $0x1  }
0x3: {  	v1 =	vadd.s32 $0xF, v0;
	v0 =	vor.u32 $0x10, v15  }
0x4: {  	[tilespmem:$0x1FC20] =	vst v0;
	v0 =	vor.u32 $0x20, v15  }
0x5: {  	[tilespmem:$0x1FC30] =	vst v0;
	v0 =	vor.u32 $0x30, v15  }
0x6: {  	[tilespmem:$0x1FC40] =	vst v0;
	v0 =	vor.u32 $0x40, v15  }
0x7: {  	[tilespmem:$0x1FC50] =	vst v0;
	v0 =	vor.u32 $0x50, v15  }
0x8: {  	[tilespmem:$0x1FC60] =	vst v0;
	v0 =	vor.u32 $0x60, v15  }
0x9: {  	[tilespmem:$0x1FC70] =	vst v0;
	v0 =	vor.u32 $0x70, v15  }
0xa: {  	[tilespmem:$0x1FC80] =	vst v0;
	v0 =	vor.u32 $0x80, v15  }
0xb: {  	[tilespmem:$0x1FC90] =	vst v0;
	v0 =	vor.u32 $0x90, v15  }
0xc: {  	[tilespmem:$0x1FCA0] =	vst v0;
	v0 =	vor.u32 $0xA0, v15  }
0xd: {  	[tilespmem:$0x1FCB0] =	vst v0;
	v0 =	vor.u32 $0xB0, v15  }
0xe: {  	[tilespmem:$0x1FCC0] =	vst v0;
	v0 =	vor.u32 $0xC0, v15  }
0xf: {  	[tilespmem:$0x1FCD0] =	vst v0;
	v0 =	vor.u32 $0xD0, v15  }
0x10: {  	[tilespmem:$0x1FCE0] =	vst v0;
	v0 =	vor.u32 $0xE0, v15  }
0x11: {  	[tilespmem:$0x1FCF0] =	vst v0;
	v0 =	vor.u32 $0xF0, v15  }
0x12: {  	[tilespmem:$0x1FD00] =	vst v0;
	v0 =	vor.u32 $0x100, v15  }
0x13: {  	[tilespmem:$0x1FD10] =	vst v0;
	v0 =	vor.u32 $0x110, v15  }
0x14: {  	[tilespmem:$0x1FD20] =	vst v0;
	v0 =	vor.u32 $0x120, v15  }
0x15: {  	[tilespmem:$0x1FD30] =	vst v0;
	v0 =	vor.u32 $0x130, v15  }
0x16: {  	[tilespmem:$0x1FD40] =	vst v0;
	v0 =	vor.u32 $0x140, v15  }
0x17: {  	[tilespmem:$0x1FD50] =	vst v0;
	v0 =	vor.u32 $0x150, v15  }
0x18: {  	[tilespmem:$0x1FD60] =	vst v0;
	v0 =	vor.u32 $0x160, v15  }
0x19: {  	[tilespmem:$0x1FD70] =	vst v0;
	v0 =	vor.u32 $0x170, v15  }
0x1a: {  	[tilespmem:$0x1FD80] =	vst v0;
	v0 =	vor.u32 $0x180, v15  }
0x1b: {  	[tilespmem:$0x1FD90] =	vst v0;
	v0 =	vor.u32 $0x190, v15  }
0x1c: {  	[tilespmem:$0x1FDA0] =	vst v0;
	v0 =	vor.u32 $0x1A0, v15  }
0x1d: {  	[tilespmem:$0x1FDB0] =	vst v0;
	v0 =	vor.u32 $0x1B0, v15  }
0x1e: {  	[tilespmem:$0x1FDC0] =	vst v0;
	v0 =	vor.u32 $0x1C0, v15  }
0x1f: {  	[tilespmem:$0x1FDD0] =	vst v0;
	v0 =	vor.u32 $0x1D0, v15  }
0x20: {  	[tilespmem:$0x1FDE0] =	vst v0;
	v0 =	vor.u32 $0x1E0, v15  }
0x21: {  	[tilespmem:$0x1FDF0] =	vst v0;
	v0 =	vor.u32 $0x1F0, v15  }
0x22: {  	[tilespmem:$0x1FE00] =	vst v0;
	v0 =	vor.u32 $0x200, v15  }
0x23: {  	[tilespmem:$0x1FE10] =	vst v0;
	v0 =	vor.u32 $0x210, v15  }
0x24: {  	[tilespmem:$0x1FE20] =	vst v0;
	v0 =	vor.u32 $0x220, v15  }
0x25: {  	[tilespmem:$0x1FE30] =	vst v0;
	v0 =	vor.u32 $0x230, v15  }
0x26: {  	[tilespmem:$0x1FE40] =	vst v0;
	v0 =	vor.u32 $0x240, v15  }
0x27: {  	[tilespmem:$0x1FE50] =	vst v0;
	v0 =	vor.u32 $0x250, v15  }
0x28: {  	[tilespmem:$0x1FE60] =	vst v0;
	v0 =	vor.u32 $0x260, v15  }
0x29: {  	[tilespmem:$0x1FE70] =	vst v0;
	v0 =	vor.u32 $0x270, v15  }
0x2a: {  	[tilespmem:$0x1FE80] =	vst v0;
	v0 =	vor.u32 $0x280, v15  }
0x2b: {  	[tilespmem:$0x1FE90] =	vst v0;
	v0 =	vor.u32 $0x290, v15  }
0x2c: {  	[tilespmem:$0x1FEA0] =	vst v0;
	v0 =	vor.u32 $0x2A0, v15  }
0x2d: {  	[tilespmem:$0x1FEB0] =	vst v0;
	v0 =	vor.u32 $0x2B0, v15  }
0x2e: {  	[tilespmem:$0x1FEC0] =	vst v0;
	v0 =	vor.u32 $0x2C0, v15  }
0x2f: {  	[tilespmem:$0x1FED0] =	vst v0;
	v0 =	vor.u32 $0x2D0, v15  }
0x30: {  	[tilespmem:$0x1FEE0] =	vst v0;
	v0 =	vor.u32 $0x2E0, v15  }
0x31: {  	s0 =	rddreg [dreg:$0x0];
	[tilespmem:$0x1FEF0] =	vst v0;
	v0 =	vor.u32 $0x2F0, v15  }
0x32: {  	s4 =	rddreg [dreg:$0x1];
	s2 =	simm.s32 $0x0;
	[tilespmem:$0x1FF00] =	vst v0;
	v0 =	vor.u32 $0x300, v15  }
0x33: {  	[smem:$0x7FF] =	sst s2;
	[tilespmem:$0x1FF10] =	vst v0;
	v0 =	vor.u32 $0x310, v15  }
0x34: {  	s1 =	rddreg [dreg:$0x2];
	_ =	strace $0x80000047;
	[tilespmem:$0x1FF20] =	vst v0;
	v0 =	vor.u32 $0x320, v15  }
0x35: {  	[tilespmem:$0x1FF30] =	vst v0;
	v0 =	vor.u32 $0x330, v15  }
0x36: {  	[tilespmem:$0x1FF40] =	vst v0;
	v0 =	vor.u32 $0x340, v15  }
0x37: {  	[tilespmem:$0x1FF50] =	vst v0;
	v0 =	vor.u32 $0x350, v15  }
0x38: {  	[tilespmem:$0x1FF60] =	vst v0;
	v0 =	vor.u32 $0x360, v15  }
0x39: {  	[tilespmem:$0x1FF70] =	vst v0;
	v0 =	vor.u32 $0x370, v15  }
0x3a: {  	[tilespmem:$0x1FF80] =	vst v0;
	v0 =	vor.u32 $0x380, v15  }
0x3b: {  	[tilespmem:$0x1FF90] =	vst v0;
	v0 =	vor.u32 $0x390, v15  }
0x3c: {  	s3 =	srdreg.scid;
	s9 =	simm.s32 $0x2880;
	[tilespmem:$0x1FFA0] =	vst v0;
	v0 =	vor.u32 $0x3A0, v15  }
.Ltmp0:
0x3d: {  	s10 =	simm.s32 $0x2000;
	s5 =	sand.u32 $0x1, s3;
	[tilespmem:$0x1FFB0] =	vst v0;
	v0 =	vor.u32 $0x3B0, v15;
	(pc) =	sbr.rel .LBB2_1-.Ltmp0, $4  }
0x3e: {  	s11 =	simm.s32 $0x0;
	s3 =	stileid.u32;
	s6 =	ssub.s32 $0x2, s5;
	[tilespmem:$0x1FFC0] =	vst v0;
	v0 =	vor.u32 $0x3C0, v15  }
0x3f: {  	s8 =	sshll.u32 s3, $0x6;
	s5 =	sshll.u32 s5, $0x5;
	s7 =	sshrl.u32 s6, $0x1;
	[tilespmem:$0x1FFD0] =	vst v0;
	v0 =	vor.u32 $0x3D0, v15  }
0x40: {  	s4 =	sadd.s32 $0x400, s4;
	s5 =	sor.u32 s5, s8;
	s6 =	ssub.s32 s6, s7;
	[tilespmem:$0x1FFE0] =	vst v0;
	v0 =	vor.u32 $0x3E0, v15  }
0x41: {  	s8 =	simm.s32 $0x2400;
	s7 =	simm.s32 $0x1;
	s6 =	smax.u32 s6, $0x1;
	[tilespmem:$0x1FFF0] =	vst v0  }
.LBB2_12:
0x42: {  	s11 =	sadd.s32 $0x1, s11  }
0x43: {  	p0 =	sne.s32 s11, s6  }
.Ltmp1:
0x44: {  	_ = 	snop;
	(pc) =	sbr.rel @!p0 .LBB2_13-.Ltmp1, $1  }
0x45: {  	_ =	sdelay $0x3  }
.LBB2_1:
.Ltmp2:
0x46: {  	(pc) =	sbr.rel .LBB2_2-.Ltmp2, $2  }
0x47: {  	_ =	sdelay $0x2  }
0x48: {  	s12 =	simm.s32 $0x0  }
.LBB2_11:
0x49: {  	s12 =	sadd.s32 $0x1, s12  }
0x4a: {  	s13 =	sshll.u32 s13, $0x7;
	p0 =	sne.s32 s12, $0x20  }
.Ltmp3:
0x4b: {  	s13 =	sadd.s32 s4, s13;
	(pc) =	sbr.rel @!p0 .LBB2_12-.Ltmp3, $4  }
0x4c: {  	[hbm4b:s13+s2] =	stream.linear.scatter [tilespmem:s10], [sflag:$0x1], $0x400, $0x38;
	[tilespmem:$0x2D00] =	vst v63  }
0x4d: {  	_ =	swait.ge [sflag:s7], $0x400  }
0x4e: {  	[sflag:s7] =	ssyncset.done $0x0  }
0x4f: {  	[sflag:s7] =	ssyncadd.s32 $0xFFFFFC00  }
.LBB2_2:
0x50: {  	s13 =	sadd.s32 s5, s12  }
0x51: {  	s14 =	sshll.u32 s13, $0xA  }
.Ltmp4:
0x52: {  	s15 =	sadd.s32 s0, s14;
	s14 =	simm.s32 $0x0;
	(pc) =	sbr.rel .LBB2_3-.Ltmp4, $4  }
0x53: {  	[tilespmem:s14], [sflag:$0x1] =	stream.linear.gather [hbm4b:s15+s14], $0x2000, $0x38;
	[tilespmem:$0x2D00] =	vst v63  }
0x54: {  	_ =	swait.ge [sflag:s7], $0x2000  }
0x55: {  	[sflag:s7] =	ssyncset.done $0x0  }
0x56: {  	[sflag:s7] =	ssyncadd.s32 $0xFFFFE000  }
.LBB2_5:
0x57: {  	v7 =	vmov v0  }
.LBB2_9:
0x58: {  	(xrf1) =	vsort.dscd.msk.f32 @p0 $0xffff, v9, v10  }
0x59: {  	v4 =	vsel @p0 vm0, v7, v6  }
0x5a: {  	(xrf1) =	vsort.dscd.msk.f32 @p0 $0xffff, v8, v4;
	_ =	sdelay $0xa  }
0x5b: {  	v63, v6, _ =	vpop (xrf1)  }
0x5c: {  	v4 =	vperm.xlane v63, v1;
	v7, v8, _ =	vpop @p0 (xrf1)  }
0x5d: {  	v5 =	vpsel p0, v7, v5  }
0x5e: {  	v6 =	vperm.xlane v6, v1;
	v7, v9, _ =	vpop @p0 (xrf1);
	vm14 =	vge.f32 v5, v4  }
0x5f: {  	v2 =	vpsel p0, v8, v2;
	v3 =	vpsel p0, v7, v3;
	v4 =	vsel vm14, v5, v4  }
0x60: {  	v0 =	vpsel p0, v9, v0;
	v2 =	vsel vm14, v2, v6;
	vm15 =	vge.f32 v3, v4  }
0x61: {  	v5 =	vsel vm15, v4, v3;
	v6 =	vsel vm15, v2, v0  }
0x62: {  	(xrf1) =	vsort.dscd.msk.f32 $0xffff, v5, v6  }
0x63: {  	v3 =	vsel vm15, v3, v4;
	v0 =	vsel vm15, v0, v2  }
0x64: {  	(xrf1) =	vsort.dscd.msk.f32 $0xffff, v3, v0;
	_ =	sdelay $0xb  }
0x65: {  	v0, v2, _ =	vpop (xrf1);
	_ =	sdelay $0x1  }
0x66: {  	v3, v0, _ =	vpop (xrf1)  }
.LBB2_10:
0x67: {  	s14 =	sadd.s32 $0x1, s14  }
0x68: {  	p0 =	sne.s32 s14, $0x8  }
.Ltmp5:
0x69: {  	_ = 	snop;
	(pc) =	sbr.rel @!p0 .LBB2_11-.Ltmp5, $3  }
0x6a: {  	_ =	sdelay $0x1  }
0x6b: {  	[tilespmem:s15+$0x2000] =	vst v0  }
0x6c: {  	[tilespmem:s15+$0x2010] =	vst v2  }
.LBB2_3:
0x6d: {  	s15 =	sshll.u32 s14, $0x7  }
0x6e: {  	v2 =	vld [tilespmem:s15+$0x0]  }
0x6f: {  	v3 =	vld [tilespmem:s15+$0x10]  }
0x70: {  	v0 =	vld [tilespmem:s15+$0x20]  }
0x71: {  	v63 =	vld [tilespmem:s15+$0x30]  }
0x72: {  	v62 =	vld [tilespmem:s15+$0x40]  }
0x73: {  	v61 =	vld [tilespmem:s15+$0x50]  }
0x74: {  	v60 =	vld [tilespmem:s15+$0x60]  }
0x75: {  	v59 =	vld [tilespmem:s15+$0x70]  }
0x76: {  	v58 =	vld [tilespmem:s15+$0x400]  }
0x77: {  	v57 =	vld [tilespmem:s15+$0x410]  }
0x78: {  	v56 =	vld [tilespmem:s15+$0x420]  }
0x79: {  	v55 =	vld [tilespmem:s15+$0x430]  }
0x7a: {  	v54 =	vld [tilespmem:s15+$0x440]  }
0x7b: {  	v53 =	vld [tilespmem:s15+$0x450]  }
0x7c: {  	v52 =	vld [tilespmem:s15+$0x460]  }
0x7d: {  	v51 =	vld [tilespmem:s15+$0x470]  }
0x7e: {  	v50 =	vld [tilespmem:s15+$0x800]  }
0x7f: {  	v49 =	vld [tilespmem:s15+$0x810]  }
0x80: {  	v48 =	vld [tilespmem:s15+$0x820]  }
0x81: {  	v47 =	vld [tilespmem:s15+$0x830]  }
0x82: {  	v46 =	vld [tilespmem:s15+$0x840]  }
0x83: {  	v45 =	vld [tilespmem:s15+$0x850]  }
0x84: {  	v44 =	vld [tilespmem:s15+$0x860]  }
0x85: {  	v43 =	vld [tilespmem:s15+$0x870]  }
0x86: {  	v42 =	vld [tilespmem:s15+$0xC00]  }
0x87: {  	v41 =	vld [tilespmem:s15+$0xC10]  }
0x88: {  	v40 =	vld [tilespmem:s15+$0xC20]  }
0x89: {  	v39 =	vld [tilespmem:s15+$0xC30]  }
0x8a: {  	v38 =	vld [tilespmem:s15+$0xC40]  }
0x8b: {  	v37 =	vld [tilespmem:s15+$0xC50]  }
0x8c: {  	v36 =	vld [tilespmem:s15+$0xC60]  }
0x8d: {  	v35 =	vld [tilespmem:s15+$0xC70]  }
0x8e: {  	v34 =	vld [tilespmem:s15+$0x1000]  }
0x8f: {  	v33 =	vld [tilespmem:s15+$0x1010]  }
0x90: {  	v32 =	vld [tilespmem:s15+$0x1020]  }
0x91: {  	v31 =	vld [tilespmem:s15+$0x1030]  }
0x92: {  	v30 =	vld [tilespmem:s15+$0x1040]  }
0x93: {  	v29 =	vld [tilespmem:s15+$0x1050]  }
0x94: {  	v28 =	vld [tilespmem:s15+$0x1060];
	v5 =	vmax.f32 v2, v3  }
0x95: {  	v27 =	vld [tilespmem:s15+$0x1070];
	v5 =	vmax.f32 v5, v0  }
0x96: {  	v26 =	vld [tilespmem:s15+$0x1400];
	v5 =	vmax.f32 v5, v63  }
0x97: {  	v25 =	vld [tilespmem:s15+$0x1410];
	v5 =	vmax.f32 v5, v62  }
0x98: {  	v24 =	vld [tilespmem:s15+$0x1420];
	v5 =	vmax.f32 v5, v61  }
0x99: {  	v23 =	vld [tilespmem:s15+$0x1430];
	v5 =	vmax.f32 v5, v60  }
0x9a: {  	v22 =	vld [tilespmem:s15+$0x1440];
	v5 =	vmax.f32 v5, v59  }
0x9b: {  	v21 =	vld [tilespmem:s15+$0x1450];
	v5 =	vmax.f32 v5, v58  }
0x9c: {  	v20 =	vld [tilespmem:s15+$0x1460];
	v5 =	vmax.f32 v5, v57  }
0x9d: {  	v19 =	vld [tilespmem:s15+$0x1470];
	v5 =	vmax.f32 v5, v56  }
0x9e: {  	v18 =	vld [tilespmem:s15+$0x1800];
	v5 =	vmax.f32 v5, v55  }
0x9f: {  	v17 =	vld [tilespmem:s15+$0x1810];
	v5 =	vmax.f32 v5, v54  }
0xa0: {  	v16 =	vld [tilespmem:s15+$0x1820];
	v5 =	vmax.f32 v5, v53  }
0xa1: {  	v9 =	vld [tilespmem:s15+$0x1830];
	v5 =	vmax.f32 v5, v52  }
0xa2: {  	v10 =	vld [tilespmem:s15+$0x1840];
	v6 =	vmax.f32 v50, v49;
	v5 =	vmax.f32 v5, v51  }
0xa3: {  	v4 =	vld [tilespmem:s15+$0x1850];
	(xrf1) =	vsort.dscd.msk.f32 $0xffff, v5, v15;
	v5 =	vmax.f32 v6, v48;
	v6 =	vmax.f32 v34, v33  }
0xa4: {  	v11 =	vld [tilespmem:s15+$0x1860];
	v7 =	vmax.f32 v18, v17;
	v5 =	vmax.f32 v5, v47;
	v6 =	vmax.f32 v6, v32  }
0xa5: {  	v14 =	vld [tilespmem:s15+$0x1870];
	v7 =	vmax.f32 v7, v16;
	v5 =	vmax.f32 v5, v46;
	v6 =	vmax.f32 v6, v31  }
0xa6: {  	v13 =	vld [tilespmem:s15+$0x1C00];
	v7 =	vmax.f32 v7, v9;
	v5 =	vmax.f32 v5, v45;
	v6 =	vmax.f32 v6, v30  }
0xa7: {  	v12 =	vld [tilespmem:s15+$0x1C10];
	v7 =	vmax.f32 v7, v10;
	v5 =	vmax.f32 v5, v44;
	v6 =	vmax.f32 v6, v29  }
0xa8: {  	[tilespmem:$0x1FBB0] =	vst v4;
	v8 =	vmax.f32 v7, v4;
	v7 =	vld [tilespmem:s15+$0x1C20];
	v5 =	vmax.f32 v5, v43;
	v6 =	vmax.f32 v6, v28  }
0xa9: {  	[tilespmem:$0x1FBC0] =	vst v11;
	v8 =	vmax.f32 v8, v11;
	v5 =	vmax.f32 v5, v42;
	v4 =	vmax.f32 v6, v27;
	v6 =	vld [tilespmem:s15+$0x1C30]  }
0xaa: {  	[tilespmem:$0x1FBD0] =	vst v14;
	v8 =	vmax.f32 v8, v14;
	v14 =	vld [tilespmem:s15+$0x1C40];
	v5 =	vmax.f32 v5, v41;
	v11 =	vmax.f32 v4, v26  }
0xab: {  	[tilespmem:$0x1FBE0] =	vst v13;
	v8 =	vmax.f32 v8, v13;
	v13 =	vld [tilespmem:s15+$0x1C50];
	v5 =	vmax.f32 v5, v40;
	v11 =	vmax.f32 v11, v25  }
0xac: {  	v8 =	vmax.f32 v8, v12;
	v4 =	vld [tilespmem:s15+$0x1C60];
	v5 =	vmax.f32 v5, v39;
	v11 =	vmax.f32 v11, v24  }
0xad: {  	[tilespmem:$0x1FBF0] =	vst v12;
	v12 =	vld [tilespmem:s15+$0x1C70];
	v8 =	vmax.f32 v8, v7;
	v5 =	vmax.f32 v5, v38;
	v11 =	vmax.f32 v11, v23  }
0xae: {  	v5 =	vmax.f32 v5, v37;
	v11 =	vmax.f32 v11, v22;
	v8 =	vmax.f32 v8, v6  }
0xaf: {  	v5 =	vmax.f32 v5, v36;
	v11 =	vmax.f32 v11, v21;
	v8 =	vmax.f32 v8, v14  }
0xb0: {  	v5 =	vmax.f32 v5, v35;
	v11 =	vmax.f32 v11, v20;
	v8 =	vmax.f32 v8, v13  }
0xb1: {  	(xrf1) =	vsort.dscd.msk.f32 $0xffff, v5, v15;
	v5 =	vmax.f32 v11, v19;
	v8 =	vmax.f32 v8, v4  }
0xb2: {  	(xrf1) =	vsort.dscd.msk.f32 $0xffff, v5, v15;
	v5 =	vmax.f32 v8, v12  }
0xb3: {  	(xrf1) =	vsort.dscd.msk.f32 $0xffff, v5, v15;
	_ =	sdelay $0xa  }
0xb4: {  	v5, _, _ =	vpop (xrf1)  }
0xb5: {  	v8, _, _ =	vpop (xrf1)  }
0xb6: {  	v8 =	vperm.xlane v8, v1;
	v11, _, _ =	vpop (xrf1)  }
0xb7: {  	[tilespmem:$0x1FC00] =	vst v14;
	v14 =	vmov v4;
	v4, _, _ =	vpop (xrf1)  }
0xb8: {  	[tilespmem:$0x1FC10] =	vst v13;
	v13 =	vmov v12;
	v4 =	vperm.xlane v4, v1;
	v12 =	vmax.f32 v5, v8  }
0xb9: {  	v5 =	vmin.f32 v5, v8;
	(xrf1) =	vsort.dscd.msk.f32 $0xffff, v12, v15  }
0xba: {  	(xrf1) =	vsort.dscd.msk.f32 $0xffff, v5, v15;
	v5 =	vmax.f32 v11, v4  }
0xbb: {  	v4 =	vmin.f32 v11, v4;
	(xrf1) =	vsort.dscd.msk.f32 $0xffff, v5, v15  }
0xbc: {  	(xrf1) =	vsort.dscd.msk.f32 $0xffff, v4, v15;
	_ =	sdelay $0xa  }
0xbd: {  	v4, _, _ =	vpop (xrf1)  }
0xbe: {  	v5, _, _ =	vpop (xrf1)  }
0xbf: {  	v8, _, _ =	vpop (xrf1)  }
0xc0: {  	v11, _, _ =	vpop (xrf1)  }
0xc1: {  	v8 =	vperm.xlane v8, v1;
	v11 =	vperm.xlane v11, v1;
	_ =	sdelay $0x1  }
0xc2: {  	v5 =	vmax.f32 v5, v8;
	v4 =	vmax.f32 v4, v11  }
0xc3: {  	v4 =	vmin.f32 v4, v5  }
0xc4: {  	(xrf0) =	vmin.scan.msk.f32 $0xffff, v4;
	_ =	sdelay $0x5  }
0xc5: {  	v4, _, _ =	vpop (xrf0)  }
0xc6: {  	v8 =	vbroadcast v4, $0xF;
	_ =	sdelay $0x1  }
0xc7: {  	vm0 =	vge.f32 v2, v8  }
0xc8: {  	v4 =	vmpcnt.ones.xlane vm0;
	_ =	sdelay $0x1  }
0xc9: {  	(v2sf) =	vpush v4, $0x0;
	_ =	sdelay $0x3  }
0xca: {  	vm1 =	vge.f32 v3, v8  }
0xcb: {  	v3 =	vmpcnt.ones.xlane vm1;
	_ =	sdelay $0x1  }
0xcc: {  	(v2sf) =	vpush v3, $0x0  }
0xcd: {  	[tilespmem:s8+$0x0] =	vst.msk vm0, v2  }
0xce: {  	vm10 =	vge.f32 v0, v8;
	[tilespmem:s9+$0x0] =	vst.msk vm0, v15  }
0xcf: {  	v0 =	vmpcnt.ones.xlane vm10;
	v2 =	vld [tilespmem:s15+$0x10];
	_ =	sdelay $0x1  }
0xd0: {  	(v2sf) =	vpush v0, $0x0;
	v0 =	vld [tilespmem:$0x1FC20];
	_ =	sdelay $0x2  }
0xd1: {  	vm11 =	vge.f32 v2, v8;
	s16 =	spop (v2sf)  }
0xd2: {  	[tilespmem:s16+$0x2400] =	vst.msk vm11, v2  }
0xd3: {  	[tilespmem:s16+$0x2880] =	vst.msk vm11, v0  }
0xd4: {  	v0 =	vld [tilespmem:s15+$0x20];
	_ =	sdelay $0x3  }
0xd5: {  	s17 =	spop (v2sf)  }
0xd6: {  	s16 =	sadd.s32 s16, s17;
	vm13 =	vge.f32 v0, v8  }
0xd7: {  	[tilespmem:s16+$0x2400] =	vst.msk vm13, v0;
	v0 =	vld [tilespmem:$0x1FC30];
	_ =	sdelay $0x3  }
0xd8: {  	vm12 =	vge.f32 v63, v8  }
0xd9: {  	v2 =	vmpcnt.ones.xlane vm12;
	[tilespmem:s16+$0x2880] =	vst.msk vm13, v0  }
0xda: {  	v0 =	vld [tilespmem:s15+$0x30]  }
0xdb: {  	(v2sf) =	vpush v2, $0x0;
	_ =	sdelay $0x2  }
0xdc: {  	s19 =	spop (v2sf)  }
0xdd: {  	s16 =	sadd.s32 s19, s16;
	vm15 =	vge.f32 v0, v8  }
0xde: {  	[tilespmem:s16+$0x2400] =	vst.msk vm15, v0;
	v0 =	vld [tilespmem:$0x1FC40];
	_ =	sdelay $0x3  }
0xdf: {  	vm14 =	vge.f32 v62, v8  }
0xe0: {  	v2 =	vmpcnt.ones.xlane vm14;
	[tilespmem:s16+$0x2880] =	vst.msk vm15, v0  }
0xe1: {  	v0 =	vld [tilespmem:s15+$0x40]  }
0xe2: {  	(v2sf) =	vpush v2, $0x0;
	_ =	sdelay $0x2  }
0xe3: {  	s20 =	spop (v2sf)  }
0xe4: {  	s16 =	sadd.s32 s20, s16;
	vm5 =	vge.f32 v0, v8  }
0xe5: {  	[tilespmem:s16+$0x2400] =	vst.msk vm5, v0;
	v0 =	vld [tilespmem:$0x1FC50];
	_ =	sdelay $0x3  }
0xe6: {  	vm4 =	vge.f32 v61, v8  }
0xe7: {  	v2 =	vmpcnt.ones.xlane vm4;
	[tilespmem:s16+$0x2880] =	vst.msk vm5, v0  }
0xe8: {  	v0 =	vld [tilespmem:s15+$0x50]  }
0xe9: {  	(v2sf) =	vpush v2, $0x0;
	_ =	sdelay $0x2  }
0xea: {  	s21 =	spop (v2sf)  }
0xeb: {  	s16 =	sadd.s32 s21, s16;
	vm7 =	vge.f32 v0, v8  }
0xec: {  	[tilespmem:s16+$0x2400] =	vst.msk vm7, v0;
	v0 =	vld [tilespmem:$0x1FC60];
	_ =	sdelay $0x3  }
0xed: {  	vm6 =	vge.f32 v60, v8  }
0xee: {  	v2 =	vmpcnt.ones.xlane vm6;
	[tilespmem:s16+$0x2880] =	vst.msk vm7, v0  }
0xef: {  	v0 =	vld [tilespmem:s15+$0x60]  }
0xf0: {  	(v2sf) =	vpush v2, $0x0;
	_ =	sdelay $0x2  }
0xf1: {  	s22 =	spop (v2sf)  }
0xf2: {  	s16 =	sadd.s32 s22, s16;
	vm9 =	vge.f32 v0, v8  }
0xf3: {  	[tilespmem:s16+$0x2400] =	vst.msk vm9, v0;
	v0 =	vld [tilespmem:$0x1FC70];
	_ =	sdelay $0x3  }
0xf4: {  	vm8 =	vge.f32 v59, v8  }
0xf5: {  	v2 =	vmpcnt.ones.xlane vm8;
	[tilespmem:s16+$0x2880] =	vst.msk vm9, v0  }
0xf6: {  	v0 =	vld [tilespmem:s15+$0x70]  }
0xf7: {  	(v2sf) =	vpush v2, $0x0;
	_ =	sdelay $0x2  }
0xf8: {  	s23 =	spop (v2sf)  }
0xf9: {  	s16 =	sadd.s32 s23, s16;
	vm11 =	vge.f32 v0, v8  }
0xfa: {  	[tilespmem:s16+$0x2400] =	vst.msk vm11, v0;
	v0 =	vld [tilespmem:$0x1FC80];
	_ =	sdelay $0x3  }
0xfb: {  	vm10 =	vge.f32 v58, v8  }
0xfc: {  	v2 =	vmpcnt.ones.xlane vm10;
	[tilespmem:s16+$0x2880] =	vst.msk vm11, v0  }
0xfd: {  	v0 =	vld [tilespmem:s15+$0x400]  }
0xfe: {  	(v2sf) =	vpush v2, $0x0;
	_ =	sdelay $0x2  }
0xff: {  	s24 =	spop (v2sf)  }
0x100: {  	s16 =	sadd.s32 s24, s16;
	vm13 =	vge.f32 v0, v8  }
0x101: {  	[tilespmem:s16+$0x2400] =	vst.msk vm13, v0;
	v0 =	vld [tilespmem:$0x1FC90];
	_ =	sdelay $0x3  }
0x102: {  	vm12 =	vge.f32 v57, v8  }
0x103: {  	v2 =	vmpcnt.ones.xlane vm12;
	[tilespmem:s16+$0x2880] =	vst.msk vm13, v0  }
0x104: {  	v0 =	vld [tilespmem:s15+$0x410]  }
0x105: {  	(v2sf) =	vpush v2, $0x0;
	_ =	sdelay $0x2  }
0x106: {  	s25 =	spop (v2sf)  }
0x107: {  	s16 =	sadd.s32 s25, s16;
	vm15 =	vge.f32 v0, v8  }
0x108: {  	[tilespmem:s16+$0x2400] =	vst.msk vm15, v0;
	v0 =	vld [tilespmem:$0x1FCA0];
	_ =	sdelay $0x3  }
0x109: {  	vm14 =	vge.f32 v56, v8  }
0x10a: {  	v2 =	vmpcnt.ones.xlane vm14;
	[tilespmem:s16+$0x2880] =	vst.msk vm15, v0  }
0x10b: {  	v0 =	vld [tilespmem:s15+$0x420]  }
0x10c: {  	(v2sf) =	vpush v2, $0x0;
	_ =	sdelay $0x2  }
0x10d: {  	s26 =	spop (v2sf)  }
0x10e: {  	s16 =	sadd.s32 s26, s16;
	vm5 =	vge.f32 v0, v8  }
0x10f: {  	[tilespmem:s16+$0x2400] =	vst.msk vm5, v0;
	v0 =	vld [tilespmem:$0x1FCB0];
	_ =	sdelay $0x3  }
0x110: {  	vm4 =	vge.f32 v55, v8  }
0x111: {  	v2 =	vmpcnt.ones.xlane vm4;
	[tilespmem:s16+$0x2880] =	vst.msk vm5, v0  }
0x112: {  	v0 =	vld [tilespmem:s15+$0x430]  }
0x113: {  	(v2sf) =	vpush v2, $0x0;
	_ =	sdelay $0x2  }
0x114: {  	s28 =	spop (v2sf)  }
0x115: {  	s16 =	sadd.s32 s28, s16;
	vm7 =	vge.f32 v0, v8  }
0x116: {  	[tilespmem:s16+$0x2400] =	vst.msk vm7, v0;
	v0 =	vld [tilespmem:$0x1FCC0];
	_ =	sdelay $0x3  }
0x117: {  	vm6 =	vge.f32 v54, v8  }
0x118: {  	v2 =	vmpcnt.ones.xlane vm6;
	[tilespmem:s16+$0x2880] =	vst.msk vm7, v0  }
0x119: {  	v0 =	vld [tilespmem:s15+$0x440]  }
0x11a: {  	(v2sf) =	vpush v2, $0x0;
	_ =	sdelay $0x2  }
0x11b: {  	s29 =	spop (v2sf)  }
0x11c: {  	s16 =	sadd.s32 s29, s16;
	vm9 =	vge.f32 v0, v8  }
0x11d: {  	[tilespmem:s16+$0x2400] =	vst.msk vm9, v0;
	v0 =	vld [tilespmem:$0x1FCD0];
	_ =	sdelay $0x3  }
0x11e: {  	vm8 =	vge.f32 v53, v8  }
0x11f: {  	v2 =	vmpcnt.ones.xlane vm8;
	[tilespmem:s16+$0x2880] =	vst.msk vm9, v0  }
0x120: {  	v0 =	vld [tilespmem:s15+$0x450]  }
0x121: {  	(v2sf) =	vpush v2, $0x0;
	_ =	sdelay $0x2  }
0x122: {  	s30 =	spop (v2sf)  }
0x123: {  	s16 =	sadd.s32 s30, s16;
	vm11 =	vge.f32 v0, v8  }
0x124: {  	[tilespmem:s16+$0x2400] =	vst.msk vm11, v0;
	v0 =	vld [tilespmem:$0x1FCE0];
	_ =	sdelay $0x3  }
0x125: {  	vm10 =	vge.f32 v52, v8  }
0x126: {  	v2 =	vmpcnt.ones.xlane vm10;
	[tilespmem:s16+$0x2880] =	vst.msk vm11, v0  }
0x127: {  	v0 =	vld [tilespmem:s15+$0x460]  }
0x128: {  	(v2sf) =	vpush v2, $0x0;
	_ =	sdelay $0x2  }
0x129: {  	s31 =	spop (v2sf)  }
0x12a: {  	s16 =	sadd.s32 s31, s16;
	vm13 =	vge.f32 v0, v8  }
0x12b: {  	[tilespmem:s16+$0x2400] =	vst.msk vm13, v0;
	v0 =	vld [tilespmem:$0x1FCF0];
	_ =	sdelay $0x3  }
0x12c: {  	vm12 =	vge.f32 v51, v8  }
0x12d: {  	v2 =	vmpcnt.ones.xlane vm12;
	[tilespmem:s16+$0x2880] =	vst.msk vm13, v0  }
0x12e: {  	v0 =	vld [tilespmem:s15+$0x470]  }
0x12f: {  	(v2sf) =	vpush v2, $0x0;
	_ =	sdelay $0x2  }
0x130: {  	s18 =	spop (v2sf)  }
0x131: {  	s16 =	sadd.s32 s18, s16;
	vm15 =	vge.f32 v0, v8  }
0x132: {  	[tilespmem:s16+$0x2400] =	vst.msk vm15, v0;
	v0 =	vld [tilespmem:$0x1FD00];
	_ =	sdelay $0x3  }
0x133: {  	vm14 =	vge.f32 v50, v8  }
0x134: {  	v2 =	vmpcnt.ones.xlane vm14;
	[tilespmem:s16+$0x2880] =	vst.msk vm15, v0  }
0x135: {  	v0 =	vld [tilespmem:s15+$0x800]  }
0x136: {  	(v2sf) =	vpush v2, $0x0;
	_ =	sdelay $0x2  }
0x137: {  	s19 =	spop (v2sf)  }
0x138: {  	s16 =	sadd.s32 s19, s16;
	vm5 =	vge.f32 v0, v8  }
0x139: {  	[tilespmem:s16+$0x2400] =	vst.msk vm5, v0;
	v0 =	vld [tilespmem:$0x1FD10];
	_ =	sdelay $0x3  }
0x13a: {  	vm4 =	vge.f32 v49, v8  }
0x13b: {  	v2 =	vmpcnt.ones.xlane vm4;
	[tilespmem:s16+$0x2880] =	vst.msk vm5, v0  }
0x13c: {  	v0 =	vld [tilespmem:s15+$0x810]  }
0x13d: {  	(v2sf) =	vpush v2, $0x0;
	_ =	sdelay $0x2  }
0x13e: {  	s20 =	spop (v2sf)  }
0x13f: {  	s16 =	sadd.s32 s20, s16;
	vm7 =	vge.f32 v0, v8  }
0x140: {  	[tilespmem:s16+$0x2400] =	vst.msk vm7, v0;
	v0 =	vld [tilespmem:$0x1FD20];
	_ =	sdelay $0x3  }
0x141: {  	vm6 =	vge.f32 v48, v8  }
0x142: {  	v2 =	vmpcnt.ones.xlane vm6;
	[tilespmem:s16+$0x2880] =	vst.msk vm7, v0  }
0x143: {  	v0 =	vld [tilespmem:s15+$0x820]  }
0x144: {  	(v2sf) =	vpush v2, $0x0;
	_ =	sdelay $0x2  }
0x145: {  	s21 =	spop (v2sf)  }
0x146: {  	s16 =	sadd.s32 s21, s16;
	vm9 =	vge.f32 v0, v8  }
0x147: {  	[tilespmem:s16+$0x2400] =	vst.msk vm9, v0;
	v0 =	vld [tilespmem:$0x1FD30];
	_ =	sdelay $0x3  }
0x148: {  	vm8 =	vge.f32 v47, v8  }
0x149: {  	v2 =	vmpcnt.ones.xlane vm8;
	[tilespmem:s16+$0x2880] =	vst.msk vm9, v0  }
0x14a: {  	v0 =	vld [tilespmem:s15+$0x830]  }
0x14b: {  	(v2sf) =	vpush v2, $0x0;
	_ =	sdelay $0x2  }
0x14c: {  	s22 =	spop (v2sf)  }
0x14d: {  	s16 =	sadd.s32 s22, s16;
	vm11 =	vge.f32 v0, v8  }
0x14e: {  	[tilespmem:s16+$0x2400] =	vst.msk vm11, v0;
	v0 =	vld [tilespmem:$0x1FD40];
	_ =	sdelay $0x3  }
0x14f: {  	vm10 =	vge.f32 v46, v8  }
0x150: {  	v2 =	vmpcnt.ones.xlane vm10;
	[tilespmem:s16+$0x2880] =	vst.msk vm11, v0  }
0x151: {  	v0 =	vld [tilespmem:s15+$0x840]  }
0x152: {  	(v2sf) =	vpush v2, $0x0;
	_ =	sdelay $0x2  }
0x153: {  	s23 =	spop (v2sf)  }
0x154: {  	s16 =	sadd.s32 s23, s16;
	vm13 =	vge.f32 v0, v8  }
0x155: {  	[tilespmem:s16+$0x2400] =	vst.msk vm13, v0;
	v0 =	vld [tilespmem:$0x1FD50];
	_ =	sdelay $0x3  }
0x156: {  	vm12 =	vge.f32 v45, v8  }
0x157: {  	v2 =	vmpcnt.ones.xlane vm12;
	[tilespmem:s16+$0x2880] =	vst.msk vm13, v0  }
0x158: {  	v0 =	vld [tilespmem:s15+$0x850]  }
0x159: {  	(v2sf) =	vpush v2, $0x0;
	_ =	sdelay $0x2  }
0x15a: {  	s24 =	spop (v2sf)  }
0x15b: {  	s16 =	sadd.s32 s24, s16;
	vm15 =	vge.f32 v0, v8  }
0x15c: {  	[tilespmem:s16+$0x2400] =	vst.msk vm15, v0;
	v0 =	vld [tilespmem:$0x1FD60];
	_ =	sdelay $0x3  }
0x15d: {  	vm14 =	vge.f32 v44, v8  }
0x15e: {  	v2 =	vmpcnt.ones.xlane vm14;
	[tilespmem:s16+$0x2880] =	vst.msk vm15, v0  }
0x15f: {  	v0 =	vld [tilespmem:s15+$0x860]  }
0x160: {  	(v2sf) =	vpush v2, $0x0;
	_ =	sdelay $0x2  }
0x161: {  	s25 =	spop (v2sf)  }
0x162: {  	s16 =	sadd.s32 s25, s16;
	vm5 =	vge.f32 v0, v8  }
0x163: {  	[tilespmem:s16+$0x2400] =	vst.msk vm5, v0;
	v0 =	vld [tilespmem:$0x1FD70];
	_ =	sdelay $0x3  }
0x164: {  	vm4 =	vge.f32 v43, v8  }
0x165: {  	v2 =	vmpcnt.ones.xlane vm4;
	[tilespmem:s16+$0x2880] =	vst.msk vm5, v0  }
0x166: {  	v0 =	vld [tilespmem:s15+$0x870]  }
0x167: {  	(v2sf) =	vpush v2, $0x0;
	_ =	sdelay $0x2  }
0x168: {  	s26 =	spop (v2sf)  }
0x169: {  	s16 =	sadd.s32 s26, s16;
	vm7 =	vge.f32 v0, v8  }
0x16a: {  	[tilespmem:s16+$0x2400] =	vst.msk vm7, v0;
	v0 =	vld [tilespmem:$0x1FD80];
	_ =	sdelay $0x3  }
0x16b: {  	vm6 =	vge.f32 v42, v8  }
0x16c: {  	v2 =	vmpcnt.ones.xlane vm6;
	[tilespmem:s16+$0x2880] =	vst.msk vm7, v0  }
0x16d: {  	v0 =	vld [tilespmem:s15+$0xC00]  }
0x16e: {  	(v2sf) =	vpush v2, $0x0;
	_ =	sdelay $0x2  }
0x16f: {  	s28 =	spop (v2sf)  }
0x170: {  	s16 =	sadd.s32 s28, s16;
	vm9 =	vge.f32 v0, v8  }
0x171: {  	[tilespmem:s16+$0x2400] =	vst.msk vm9, v0;
	v0 =	vld [tilespmem:$0x1FD90];
	_ =	sdelay $0x3  }
0x172: {  	vm8 =	vge.f32 v41, v8  }
0x173: {  	v2 =	vmpcnt.ones.xlane vm8;
	[tilespmem:s16+$0x2880] =	vst.msk vm9, v0  }
0x174: {  	v0 =	vld [tilespmem:s15+$0xC10]  }
0x175: {  	(v2sf) =	vpush v2, $0x0;
	_ =	sdelay $0x2  }
0x176: {  	s29 =	spop (v2sf)  }
0x177: {  	s16 =	sadd.s32 s29, s16;
	vm11 =	vge.f32 v0, v8  }
0x178: {  	[tilespmem:s16+$0x2400] =	vst.msk vm11, v0;
	v0 =	vld [tilespmem:$0x1FDA0];
	_ =	sdelay $0x3  }
0x179: {  	vm10 =	vge.f32 v40, v8  }
0x17a: {  	v2 =	vmpcnt.ones.xlane vm10;
	[tilespmem:s16+$0x2880] =	vst.msk vm11, v0  }
0x17b: {  	v0 =	vld [tilespmem:s15+$0xC20]  }
0x17c: {  	(v2sf) =	vpush v2, $0x0;
	_ =	sdelay $0x2  }
0x17d: {  	s30 =	spop (v2sf)  }
0x17e: {  	s16 =	sadd.s32 s30, s16;
	vm13 =	vge.f32 v0, v8  }
0x17f: {  	[tilespmem:s16+$0x2400] =	vst.msk vm13, v0;
	v0 =	vld [tilespmem:$0x1FDB0];
	_ =	sdelay $0x3  }
0x180: {  	vm12 =	vge.f32 v39, v8  }
0x181: {  	v2 =	vmpcnt.ones.xlane vm12;
	[tilespmem:s16+$0x2880] =	vst.msk vm13, v0  }
0x182: {  	v0 =	vld [tilespmem:s15+$0xC30]  }
0x183: {  	(v2sf) =	vpush v2, $0x0;
	_ =	sdelay $0x2  }
0x184: {  	s31 =	spop (v2sf)  }
0x185: {  	s16 =	sadd.s32 s31, s16;
	vm15 =	vge.f32 v0, v8  }
0x186: {  	[tilespmem:s16+$0x2400] =	vst.msk vm15, v0;
	v0 =	vld [tilespmem:$0x1FDC0];
	_ =	sdelay $0x3  }
0x187: {  	vm14 =	vge.f32 v38, v8  }
0x188: {  	v2 =	vmpcnt.ones.xlane vm14;
	[tilespmem:s16+$0x2880] =	vst.msk vm15, v0  }
0x189: {  	v0 =	vld [tilespmem:s15+$0xC40]  }
0x18a: {  	(v2sf) =	vpush v2, $0x0;
	_ =	sdelay $0x2  }
0x18b: {  	s18 =	spop (v2sf)  }
0x18c: {  	s16 =	sadd.s32 s18, s16;
	vm5 =	vge.f32 v0, v8  }
0x18d: {  	[tilespmem:s16+$0x2400] =	vst.msk vm5, v0;
	v0 =	vld [tilespmem:$0x1FDD0];
	_ =	sdelay $0x3  }
0x18e: {  	vm4 =	vge.f32 v37, v8  }
0x18f: {  	v2 =	vmpcnt.ones.xlane vm4;
	[tilespmem:s16+$0x2880] =	vst.msk vm5, v0  }
0x190: {  	v0 =	vld [tilespmem:s15+$0xC50]  }
0x191: {  	(v2sf) =	vpush v2, $0x0;
	_ =	sdelay $0x2  }
0x192: {  	s19 =	spop (v2sf)  }
0x193: {  	s16 =	sadd.s32 s19, s16;
	vm7 =	vge.f32 v0, v8  }
0x194: {  	[tilespmem:s16+$0x2400] =	vst.msk vm7, v0;
	v0 =	vld [tilespmem:$0x1FDE0];
	_ =	sdelay $0x3  }
0x195: {  	vm6 =	vge.f32 v36, v8  }
0x196: {  	v2 =	vmpcnt.ones.xlane vm6;
	[tilespmem:s16+$0x2880] =	vst.msk vm7, v0  }
0x197: {  	v0 =	vld [tilespmem:s15+$0xC60]  }
0x198: {  	(v2sf) =	vpush v2, $0x0;
	_ =	sdelay $0x2  }
0x199: {  	s20 =	spop (v2sf)  }
0x19a: {  	s16 =	sadd.s32 s20, s16;
	vm9 =	vge.f32 v0, v8  }
0x19b: {  	[tilespmem:s16+$0x2400] =	vst.msk vm9, v0;
	v0 =	vld [tilespmem:$0x1FDF0];
	_ =	sdelay $0x3  }
0x19c: {  	vm8 =	vge.f32 v35, v8  }
0x19d: {  	v2 =	vmpcnt.ones.xlane vm8;
	[tilespmem:s16+$0x2880] =	vst.msk vm9, v0  }
0x19e: {  	v0 =	vld [tilespmem:s15+$0xC70]  }
0x19f: {  	(v2sf) =	vpush v2, $0x0;
	_ =	sdelay $0x2  }
0x1a0: {  	s21 =	spop (v2sf)  }
0x1a1: {  	s16 =	sadd.s32 s21, s16;
	vm11 =	vge.f32 v0, v8  }
0x1a2: {  	[tilespmem:s16+$0x2400] =	vst.msk vm11, v0;
	v0 =	vld [tilespmem:$0x1FE00];
	_ =	sdelay $0x3  }
0x1a3: {  	vm10 =	vge.f32 v34, v8  }
0x1a4: {  	v2 =	vmpcnt.ones.xlane vm10;
	[tilespmem:s16+$0x2880] =	vst.msk vm11, v0  }
0x1a5: {  	v0 =	vld [tilespmem:s15+$0x1000]  }
0x1a6: {  	(v2sf) =	vpush v2, $0x0;
	_ =	sdelay $0x2  }
0x1a7: {  	s22 =	spop (v2sf)  }
0x1a8: {  	s16 =	sadd.s32 s22, s16;
	vm13 =	vge.f32 v0, v8  }
0x1a9: {  	[tilespmem:s16+$0x2400] =	vst.msk vm13, v0;
	v0 =	vld [tilespmem:$0x1FE10];
	_ =	sdelay $0x3  }
0x1aa: {  	vm12 =	vge.f32 v33, v8  }
0x1ab: {  	v2 =	vmpcnt.ones.xlane vm12;
	[tilespmem:s16+$0x2880] =	vst.msk vm13, v0  }
0x1ac: {  	v0 =	vld [tilespmem:s15+$0x1010]  }
0x1ad: {  	(v2sf) =	vpush v2, $0x0;
	_ =	sdelay $0x2  }
0x1ae: {  	s23 =	spop (v2sf)  }
0x1af: {  	s16 =	sadd.s32 s23, s16;
	vm15 =	vge.f32 v0, v8  }
0x1b0: {  	[tilespmem:s16+$0x2400] =	vst.msk vm15, v0;
	v0 =	vld [tilespmem:$0x1FE20];
	_ =	sdelay $0x3  }
0x1b1: {  	vm14 =	vge.f32 v32, v8  }
0x1b2: {  	v2 =	vmpcnt.ones.xlane vm14;
	[tilespmem:s16+$0x2880] =	vst.msk vm15, v0  }
0x1b3: {  	v0 =	vld [tilespmem:s15+$0x1020]  }
0x1b4: {  	(v2sf) =	vpush v2, $0x0;
	_ =	sdelay $0x2  }
0x1b5: {  	s24 =	spop (v2sf)  }
0x1b6: {  	s16 =	sadd.s32 s24, s16;
	vm5 =	vge.f32 v0, v8  }
0x1b7: {  	[tilespmem:s16+$0x2400] =	vst.msk vm5, v0;
	v0 =	vld [tilespmem:$0x1FE30];
	_ =	sdelay $0x3  }
0x1b8: {  	vm4 =	vge.f32 v31, v8  }
0x1b9: {  	v2 =	vmpcnt.ones.xlane vm4;
	[tilespmem:s16+$0x2880] =	vst.msk vm5, v0  }
0x1ba: {  	v0 =	vld [tilespmem:s15+$0x1030]  }
0x1bb: {  	(v2sf) =	vpush v2, $0x0;
	_ =	sdelay $0x2  }
0x1bc: {  	s25 =	spop (v2sf)  }
0x1bd: {  	s16 =	sadd.s32 s25, s16;
	vm7 =	vge.f32 v0, v8  }
0x1be: {  	[tilespmem:s16+$0x2400] =	vst.msk vm7, v0;
	v0 =	vld [tilespmem:$0x1FE40];
	_ =	sdelay $0x3  }
0x1bf: {  	vm6 =	vge.f32 v30, v8  }
0x1c0: {  	v2 =	vmpcnt.ones.xlane vm6;
	[tilespmem:s16+$0x2880] =	vst.msk vm7, v0  }
0x1c1: {  	v0 =	vld [tilespmem:s15+$0x1040]  }
0x1c2: {  	(v2sf) =	vpush v2, $0x0;
	_ =	sdelay $0x2  }
0x1c3: {  	s26 =	spop (v2sf)  }
0x1c4: {  	s16 =	sadd.s32 s26, s16;
	vm9 =	vge.f32 v0, v8  }
0x1c5: {  	[tilespmem:s16+$0x2400] =	vst.msk vm9, v0;
	v0 =	vld [tilespmem:$0x1FE50];
	_ =	sdelay $0x3  }
0x1c6: {  	vm8 =	vge.f32 v29, v8  }
0x1c7: {  	v2 =	vmpcnt.ones.xlane vm8;
	[tilespmem:s16+$0x2880] =	vst.msk vm9, v0  }
0x1c8: {  	v0 =	vld [tilespmem:s15+$0x1050]  }
0x1c9: {  	(v2sf) =	vpush v2, $0x0;
	_ =	sdelay $0x2  }
0x1ca: {  	s28 =	spop (v2sf)  }
0x1cb: {  	s16 =	sadd.s32 s28, s16;
	vm11 =	vge.f32 v0, v8  }
0x1cc: {  	[tilespmem:s16+$0x2400] =	vst.msk vm11, v0;
	v0 =	vld [tilespmem:$0x1FE60];
	_ =	sdelay $0x3  }
0x1cd: {  	vm10 =	vge.f32 v28, v8  }
0x1ce: {  	v2 =	vmpcnt.ones.xlane vm10;
	[tilespmem:s16+$0x2880] =	vst.msk vm11, v0  }
0x1cf: {  	v0 =	vld [tilespmem:s15+$0x1060]  }
0x1d0: {  	(v2sf) =	vpush v2, $0x0;
	_ =	sdelay $0x2  }
0x1d1: {  	s29 =	spop (v2sf)  }
0x1d2: {  	s16 =	sadd.s32 s29, s16;
	vm13 =	vge.f32 v0, v8  }
0x1d3: {  	[tilespmem:s16+$0x2400] =	vst.msk vm13, v0;
	v0 =	vld [tilespmem:$0x1FE70];
	_ =	sdelay $0x3  }
0x1d4: {  	vm12 =	vge.f32 v27, v8  }
0x1d5: {  	v2 =	vmpcnt.ones.xlane vm12;
	[tilespmem:s16+$0x2880] =	vst.msk vm13, v0  }
0x1d6: {  	v0 =	vld [tilespmem:s15+$0x1070]  }
0x1d7: {  	(v2sf) =	vpush v2, $0x0;
	_ =	sdelay $0x2  }
0x1d8: {  	s30 =	spop (v2sf)  }
0x1d9: {  	s16 =	sadd.s32 s30, s16;
	vm15 =	vge.f32 v0, v8  }
0x1da: {  	[tilespmem:s16+$0x2400] =	vst.msk vm15, v0;
	v0 =	vld [tilespmem:$0x1FE80];
	_ =	sdelay $0x3  }
0x1db: {  	vm14 =	vge.f32 v26, v8  }
0x1dc: {  	v2 =	vmpcnt.ones.xlane vm14;
	[tilespmem:s16+$0x2880] =	vst.msk vm15, v0  }
0x1dd: {  	v0 =	vld [tilespmem:s15+$0x1400]  }
0x1de: {  	(v2sf) =	vpush v2, $0x0;
	_ =	sdelay $0x2  }
0x1df: {  	s31 =	spop (v2sf)  }
0x1e0: {  	s16 =	sadd.s32 s31, s16;
	vm5 =	vge.f32 v0, v8  }
0x1e1: {  	[tilespmem:s16+$0x2400] =	vst.msk vm5, v0;
	v0 =	vld [tilespmem:$0x1FE90];
	_ =	sdelay $0x3  }
0x1e2: {  	vm4 =	vge.f32 v25, v8  }
0x1e3: {  	v2 =	vmpcnt.ones.xlane vm4;
	[tilespmem:s16+$0x2880] =	vst.msk vm5, v0  }
0x1e4: {  	v0 =	vld [tilespmem:s15+$0x1410]  }
0x1e5: {  	(v2sf) =	vpush v2, $0x0;
	_ =	sdelay $0x2  }
0x1e6: {  	s18 =	spop (v2sf)  }
0x1e7: {  	s16 =	sadd.s32 s18, s16;
	vm7 =	vge.f32 v0, v8  }
0x1e8: {  	[tilespmem:s16+$0x2400] =	vst.msk vm7, v0;
	v0 =	vld [tilespmem:$0x1FEA0];
	_ =	sdelay $0x3  }
0x1e9: {  	vm6 =	vge.f32 v24, v8  }
0x1ea: {  	v2 =	vmpcnt.ones.xlane vm6;
	[tilespmem:s16+$0x2880] =	vst.msk vm7, v0  }
0x1eb: {  	v0 =	vld [tilespmem:s15+$0x1420]  }
0x1ec: {  	(v2sf) =	vpush v2, $0x0;
	_ =	sdelay $0x2  }
0x1ed: {  	s19 =	spop (v2sf)  }
0x1ee: {  	s16 =	sadd.s32 s19, s16;
	vm9 =	vge.f32 v0, v8  }
0x1ef: {  	[tilespmem:s16+$0x2400] =	vst.msk vm9, v0;
	v0 =	vld [tilespmem:$0x1FEB0];
	_ =	sdelay $0x3  }
0x1f0: {  	vm8 =	vge.f32 v23, v8  }
0x1f1: {  	v2 =	vmpcnt.ones.xlane vm8;
	[tilespmem:s16+$0x2880] =	vst.msk vm9, v0  }
0x1f2: {  	v0 =	vld [tilespmem:s15+$0x1430]  }
0x1f3: {  	(v2sf) =	vpush v2, $0x0;
	_ =	sdelay $0x2  }
0x1f4: {  	s20 =	spop (v2sf)  }
0x1f5: {  	s16 =	sadd.s32 s20, s16;
	vm11 =	vge.f32 v0, v8  }
0x1f6: {  	[tilespmem:s16+$0x2400] =	vst.msk vm11, v0;
	v0 =	vld [tilespmem:$0x1FEC0];
	_ =	sdelay $0x3  }
0x1f7: {  	vm10 =	vge.f32 v22, v8  }
0x1f8: {  	v2 =	vmpcnt.ones.xlane vm10;
	[tilespmem:s16+$0x2880] =	vst.msk vm11, v0  }
0x1f9: {  	v0 =	vld [tilespmem:s15+$0x1440]  }
0x1fa: {  	(v2sf) =	vpush v2, $0x0;
	_ =	sdelay $0x2  }
0x1fb: {  	s21 =	spop (v2sf)  }
0x1fc: {  	s16 =	sadd.s32 s21, s16;
	vm13 =	vge.f32 v0, v8  }
0x1fd: {  	[tilespmem:s16+$0x2400] =	vst.msk vm13, v0;
	v0 =	vld [tilespmem:$0x1FED0];
	_ =	sdelay $0x3  }
0x1fe: {  	vm12 =	vge.f32 v21, v8  }
0x1ff: {  	v2 =	vmpcnt.ones.xlane vm12;
	[tilespmem:s16+$0x2880] =	vst.msk vm13, v0  }
0x200: {  	v0 =	vld [tilespmem:s15+$0x1450]  }
0x201: {  	(v2sf) =	vpush v2, $0x0;
	_ =	sdelay $0x2  }
0x202: {  	s22 =	spop (v2sf)  }
0x203: {  	s16 =	sadd.s32 s22, s16;
	vm15 =	vge.f32 v0, v8  }
0x204: {  	[tilespmem:s16+$0x2400] =	vst.msk vm15, v0;
	v0 =	vld [tilespmem:$0x1FEE0];
	_ =	sdelay $0x3  }
0x205: {  	vm14 =	vge.f32 v20, v8  }
0x206: {  	v2 =	vmpcnt.ones.xlane vm14;
	[tilespmem:s16+$0x2880] =	vst.msk vm15, v0  }
0x207: {  	v0 =	vld [tilespmem:s15+$0x1460]  }
0x208: {  	(v2sf) =	vpush v2, $0x0;
	_ =	sdelay $0x2  }
0x209: {  	s23 =	spop (v2sf)  }
0x20a: {  	s16 =	sadd.s32 s23, s16;
	vm5 =	vge.f32 v0, v8  }
0x20b: {  	[tilespmem:s16+$0x2400] =	vst.msk vm5, v0;
	v0 =	vld [tilespmem:$0x1FEF0];
	_ =	sdelay $0x3  }
0x20c: {  	vm4 =	vge.f32 v19, v8  }
0x20d: {  	v2 =	vmpcnt.ones.xlane vm4;
	[tilespmem:s16+$0x2880] =	vst.msk vm5, v0  }
0x20e: {  	v0 =	vld [tilespmem:s15+$0x1470]  }
0x20f: {  	(v2sf) =	vpush v2, $0x0;
	_ =	sdelay $0x2  }
0x210: {  	s24 =	spop (v2sf)  }
0x211: {  	s16 =	sadd.s32 s24, s16;
	vm7 =	vge.f32 v0, v8  }
0x212: {  	[tilespmem:s16+$0x2400] =	vst.msk vm7, v0;
	v0 =	vld [tilespmem:$0x1FF00];
	_ =	sdelay $0x3  }
0x213: {  	vm6 =	vge.f32 v18, v8  }
0x214: {  	v2 =	vmpcnt.ones.xlane vm6;
	[tilespmem:s16+$0x2880] =	vst.msk vm7, v0  }
0x215: {  	v0 =	vld [tilespmem:s15+$0x1800]  }
0x216: {  	(v2sf) =	vpush v2, $0x0;
	_ =	sdelay $0x2  }
0x217: {  	s25 =	spop (v2sf)  }
0x218: {  	s16 =	sadd.s32 s25, s16;
	vm9 =	vge.f32 v0, v8  }
0x219: {  	[tilespmem:s16+$0x2400] =	vst.msk vm9, v0;
	v0 =	vld [tilespmem:$0x1FF10];
	_ =	sdelay $0x3  }
0x21a: {  	vm8 =	vge.f32 v17, v8  }
0x21b: {  	v2 =	vmpcnt.ones.xlane vm8;
	[tilespmem:s16+$0x2880] =	vst.msk vm9, v0  }
0x21c: {  	v0 =	vld [tilespmem:s15+$0x1810]  }
0x21d: {  	(v2sf) =	vpush v2, $0x0;
	_ =	sdelay $0x2  }
0x21e: {  	s26 =	spop (v2sf)  }
0x21f: {  	s16 =	sadd.s32 s26, s16;
	vm11 =	vge.f32 v0, v8  }
0x220: {  	[tilespmem:s16+$0x2400] =	vst.msk vm11, v0;
	v0 =	vld [tilespmem:$0x1FF20];
	_ =	sdelay $0x3  }
0x221: {  	vm10 =	vge.f32 v16, v8  }
0x222: {  	v2 =	vmpcnt.ones.xlane vm10;
	[tilespmem:s16+$0x2880] =	vst.msk vm11, v0  }
0x223: {  	v0 =	vld [tilespmem:s15+$0x1820]  }
0x224: {  	(v2sf) =	vpush v2, $0x0;
	_ =	sdelay $0x2  }
0x225: {  	s28 =	spop (v2sf)  }
0x226: {  	s16 =	sadd.s32 s28, s16;
	vm13 =	vge.f32 v0, v8  }
0x227: {  	[tilespmem:s16+$0x2400] =	vst.msk vm13, v0;
	v0 =	vld [tilespmem:$0x1FF30];
	_ =	sdelay $0x3  }
0x228: {  	vm12 =	vge.f32 v9, v8  }
0x229: {  	v2 =	vmpcnt.ones.xlane vm12;
	[tilespmem:s16+$0x2880] =	vst.msk vm13, v0  }
0x22a: {  	v0 =	vld [tilespmem:s15+$0x1830]  }
0x22b: {  	(v2sf) =	vpush v2, $0x0;
	_ =	sdelay $0x2  }
0x22c: {  	s29 =	spop (v2sf)  }
0x22d: {  	s16 =	sadd.s32 s29, s16;
	vm15 =	vge.f32 v0, v8  }
0x22e: {  	[tilespmem:s16+$0x2400] =	vst.msk vm15, v0;
	v0 =	vld [tilespmem:$0x1FF40];
	_ =	sdelay $0x3  }
0x22f: {  	vm14 =	vge.f32 v10, v8  }
0x230: {  	v2 =	vmpcnt.ones.xlane vm14;
	[tilespmem:s16+$0x2880] =	vst.msk vm15, v0  }
0x231: {  	v0 =	vld [tilespmem:s15+$0x1840]  }
0x232: {  	(v2sf) =	vpush v2, $0x0;
	_ =	sdelay $0x2  }
0x233: {  	s30 =	spop (v2sf)  }
0x234: {  	v2 =	vld [tilespmem:$0x1FBB0];
	s16 =	sadd.s32 s30, s16;
	vm5 =	vge.f32 v0, v8  }
0x235: {  	[tilespmem:s16+$0x2400] =	vst.msk vm5, v0;
	v0 =	vld [tilespmem:$0x1FF50];
	_ =	sdelay $0x3  }
0x236: {  	vm4 =	vge.f32 v2, v8  }
0x237: {  	v2 =	vmpcnt.ones.xlane vm4;
	[tilespmem:s16+$0x2880] =	vst.msk vm5, v0  }
0x238: {  	v0 =	vld [tilespmem:s15+$0x1850]  }
0x239: {  	(v2sf) =	vpush v2, $0x0;
	_ =	sdelay $0x2  }
0x23a: {  	s31 =	spop (v2sf)  }
0x23b: {  	v2 =	vld [tilespmem:$0x1FBC0];
	s16 =	sadd.s32 s31, s16;
	vm7 =	vge.f32 v0, v8  }
0x23c: {  	[tilespmem:s16+$0x2400] =	vst.msk vm7, v0;
	v0 =	vld [tilespmem:$0x1FF60];
	_ =	sdelay $0x3  }
0x23d: {  	vm6 =	vge.f32 v2, v8  }
0x23e: {  	v2 =	vmpcnt.ones.xlane vm6;
	[tilespmem:s16+$0x2880] =	vst.msk vm7, v0  }
0x23f: {  	v0 =	vld [tilespmem:s15+$0x1860]  }
0x240: {  	(v2sf) =	vpush v2, $0x0;
	_ =	sdelay $0x2  }
0x241: {  	s18 =	spop (v2sf)  }
0x242: {  	v2 =	vld [tilespmem:$0x1FBD0];
	s16 =	sadd.s32 s18, s16;
	vm9 =	vge.f32 v0, v8  }
0x243: {  	[tilespmem:s16+$0x2400] =	vst.msk vm9, v0;
	v0 =	vld [tilespmem:$0x1FF70];
	_ =	sdelay $0x3  }
0x244: {  	vm8 =	vge.f32 v2, v8  }
0x245: {  	v2 =	vmpcnt.ones.xlane vm8;
	[tilespmem:s16+$0x2880] =	vst.msk vm9, v0  }
0x246: {  	v0 =	vld [tilespmem:s15+$0x1870]  }
0x247: {  	(v2sf) =	vpush v2, $0x0;
	_ =	sdelay $0x2  }
0x248: {  	s19 =	spop (v2sf)  }
0x249: {  	v2 =	vld [tilespmem:$0x1FBE0];
	s16 =	sadd.s32 s19, s16;
	vm11 =	vge.f32 v0, v8  }
0x24a: {  	[tilespmem:s16+$0x2400] =	vst.msk vm11, v0;
	v0 =	vld [tilespmem:$0x1FF80];
	_ =	sdelay $0x3  }
0x24b: {  	vm10 =	vge.f32 v2, v8  }
0x24c: {  	v2 =	vmpcnt.ones.xlane vm10;
	[tilespmem:s16+$0x2880] =	vst.msk vm11, v0  }
0x24d: {  	v0 =	vld [tilespmem:s15+$0x1C00]  }
0x24e: {  	(v2sf) =	vpush v2, $0x0;
	_ =	sdelay $0x2  }
0x24f: {  	s20 =	spop (v2sf)  }
0x250: {  	v2 =	vld [tilespmem:$0x1FBF0];
	s16 =	sadd.s32 s20, s16;
	vm13 =	vge.f32 v0, v8  }
0x251: {  	[tilespmem:s16+$0x2400] =	vst.msk vm13, v0;
	v0 =	vld [tilespmem:$0x1FF90];
	_ =	sdelay $0x3  }
0x252: {  	vm12 =	vge.f32 v2, v8  }
0x253: {  	v2 =	vmpcnt.ones.xlane vm12;
	[tilespmem:s16+$0x2880] =	vst.msk vm13, v0  }
0x254: {  	v0 =	vld [tilespmem:s15+$0x1C10]  }
0x255: {  	(v2sf) =	vpush v2, $0x0;
	_ =	sdelay $0x2  }
0x256: {  	s21 =	spop (v2sf)  }
0x257: {  	s16 =	sadd.s32 s21, s16;
	vm15 =	vge.f32 v0, v8  }
0x258: {  	[tilespmem:s16+$0x2400] =	vst.msk vm15, v0;
	v0 =	vld [tilespmem:$0x1FFA0];
	_ =	sdelay $0x3  }
0x259: {  	vm14 =	vge.f32 v7, v8  }
0x25a: {  	v2 =	vmpcnt.ones.xlane vm14;
	[tilespmem:s16+$0x2880] =	vst.msk vm15, v0  }
0x25b: {  	v0 =	vld [tilespmem:s15+$0x1C20]  }
0x25c: {  	(v2sf) =	vpush v2, $0x0;
	_ =	sdelay $0x2  }
0x25d: {  	s22 =	spop (v2sf)  }
0x25e: {  	s16 =	sadd.s32 s22, s16;
	vm5 =	vge.f32 v0, v8  }
0x25f: {  	vm4 =	vge.f32 v6, v8;
	[tilespmem:s16+$0x2400] =	vst.msk vm5, v0;
	v0 =	vld [tilespmem:$0x1FFB0]  }
0x260: {  	v2 =	vmpcnt.ones.xlane vm4;
	_ =	sdelay $0x1  }
0x261: {  	(v2sf) =	vpush v2, $0x0;
	v2 =	vld [tilespmem:$0x1FC00];
	_ =	sdelay $0x1  }
0x262: {  	[tilespmem:s16+$0x2880] =	vst.msk vm5, v0  }
0x263: {  	v0 =	vld [tilespmem:s15+$0x1C30];
	_ =	sdelay $0x1  }
0x264: {  	vm6 =	vge.f32 v2, v8  }
0x265: {  	v2 =	vmpcnt.ones.xlane vm6  }
0x266: {  	s23 =	spop (v2sf)  }
0x267: {  	(v2sf) =	vpush v2, $0x0;
	v2 =	vld [tilespmem:$0x1FC10];
	s16 =	sadd.s32 s23, s16;
	vm7 =	vge.f32 v0, v8  }
0x268: {  	[tilespmem:s16+$0x2400] =	vst.msk vm7, v0;
	v0 =	vld [tilespmem:$0x1FFC0];
	_ =	sdelay $0x4  }
0x269: {  	vm8 =	vge.f32 v2, v8;
	[tilespmem:s16+$0x2880] =	vst.msk vm7, v0  }
0x26a: {  	v2 =	vmpcnt.ones.xlane vm8;
	v0 =	vld [tilespmem:s15+$0x1C40];
	_ =	sdelay $0x1  }
0x26b: {  	(v2sf) =	vpush v2, $0x0;
	v2 =	vld [tilespmem:$0x1FFD0];
	_ =	sdelay $0x1  }
0x26c: {  	s24 =	spop (v2sf)  }
0x26d: {  	s16 =	sadd.s32 s24, s16;
	vm9 =	vge.f32 v0, v8  }
0x26e: {  	[tilespmem:s16+$0x2400] =	vst.msk vm9, v0  }
0x26f: {  	vm10 =	vge.f32 v14, v8;
	[tilespmem:s16+$0x2880] =	vst.msk vm9, v2  }
0x270: {  	v0 =	vmpcnt.ones.xlane vm10;
	v3 =	vld [tilespmem:s15+$0x1C50];
	_ =	sdelay $0x1  }
0x271: {  	(v2sf) =	vpush v0, $0x0;
	v0 =	vld [tilespmem:$0x1FFE0]  }
0x272: {  	vm11 =	vge.f32 v13, v8  }
0x273: {  	s25 =	spop (v2sf);
	v2 =	vmpcnt.ones.xlane vm11  }
0x274: {  	s16 =	sadd.s32 s25, s16;
	vm12 =	vge.f32 v3, v8  }
0x275: {  	(v2sf) =	vpush v2, $0x0;
	[tilespmem:s16+$0x2400] =	vst.msk vm12, v3  }
0x276: {  	[tilespmem:s16+$0x2880] =	vst.msk vm12, v0  }
0x277: {  	v0 =	vld [tilespmem:s15+$0x1C60];
	_ =	sdelay $0x3  }
0x278: {  	s26 =	spop (v2sf)  }
0x279: {  	s16 =	sadd.s32 s26, s16;
	vm13 =	vge.f32 v0, v8  }
0x27a: {  	[tilespmem:s16+$0x2400] =	vst.msk vm13, v0;
	v0 =	vld [tilespmem:$0x1FFF0];
	_ =	sdelay $0x4  }
0x27b: {  	[tilespmem:s16+$0x2880] =	vst.msk vm13, v0  }
0x27c: {  	s28 =	spop (v2sf);
	v0 =	vld [tilespmem:s15+$0x1C70]  }
0x27d: {  	s29 =	spop (v2sf);
	s16 =	sadd.s32 s28, s16  }
0x27e: {  	s17 =	sadd.s32 s29, s16  }
0x27f: {  	v2 =	vadd.s32 s17, v15;
	_ =	sdelay $0x1  }
0x280: {  	vm14 =	vge.f32 v0, v8  }
0x281: {  	[tilespmem:s16+$0x2400] =	vst.msk vm14, v0;
	v0 =	vor.u32 $0x3F0, v15  }
0x282: {  	[tilespmem:s16+$0x2880] =	vst.msk vm14, v0;
	v0 =	vimm.f32 $-Inf  }
0x283: {  	[tilespmem:v2+s8+$0x0] =	vst.idx.msk $0xffff, v0  }
0x284: {  	v0 =	vld [tilespmem:$0x2400]  }
0x285: {  	v2 =	vld [tilespmem:$0x2880]  }
0x286: {  	v3 =	vld [tilespmem:$0x2410]  }
0x287: {  	v4 =	vld [tilespmem:$0x2890];
	_ =	sdelay $0x3  }
0x288: {  	(xrf1) =	vsort.dscd.msk.f32 $0xffff, v0, v2  }
0x289: {  	(xrf1) =	vsort.dscd.msk.f32 $0xffff, v3, v4;
	_ =	sdelay $0xc  }
0x28a: {  	v0, v2, _ =	vpop (xrf1)  }
0x28b: {  	v3, v4, _ =	vpop (xrf1)  }
0x28c: {  	v3 =	vperm.xlane v3, v1  }
0x28d: {  	v4 =	vperm.xlane v4, v1  }
0x28e: {  	vm15 =	vge.f32 v0, v3  }
0x28f: {  	v5 =	vsel vm15, v0, v3;
	v6 =	vsel vm15, v2, v4  }
0x290: {  	v0 =	vsel vm15, v3, v0;
	v2 =	vsel vm15, v4, v2;
	(xrf1) =	vsort.dscd.msk.f32 $0xffff, v5, v6  }
0x291: {  	(xrf1) =	vsort.dscd.msk.f32 $0xffff, v0, v2;
	_ =	sdelay $0x1  }
0x292: {  	s30 =	sadd.s32 $0xF, s17  }
0x293: {  	s17 =	sand.u32 $0xF, s30  }
0x294: {  	s31 =	sshra.s32 s30, $0x1F;
	p1 =	slt.s32 s30, $0x1;
	p0 =	sne.s32 s17, $0x0  }
0x295: {  	s17 =	sshrl.u32 s31, $0x1C;
	p0 =	por !p1, !p0  }
0x296: {  	p0 =	por !p0, !p0;
	s16 =	sadd.s32 s17, s30;
	s17 =	simm.s32 $0x1  }
0x297: {  	s16 =	sshra.s32 s16, $0x4;
	s17 =	simm.s32 @!p0 $0x0  }
0x298: {  	s17 =	ssub.s32 s16, s17  }
0x299: {  	p1 =	slt.s32 s17, $0x3  }
.Ltmp6:
0x29a: {  	_ = 	snop;
	(pc) =	sbr.rel @p1 .LBB2_10-.Ltmp6, $3  }
0x29b: {  	_ =	sdelay $0x1  }
0x29c: {  	v3, v0, _ =	vpop (xrf1)  }
0x29d: {  	v5, v2, _ =	vpop (xrf1)  }
0x29e: {  	s17 =	simm.s32 $0x2420  }
0x29f: {  	v4 =	vld [tilespmem:s17+$0x0];
	s17 =	simm.s32 $0xFFFFFFFF  }
0x2a0: {  	s17 =	simm.s32 @!p0 $0x0  }
0x2a1: {  	s16 =	sadd.s32 s17, s16  }
0x2a2: {  	s18 =	simm.s32 $0x28A0;
	s16 =	sadd.s32 $0xFFFFFFFE, s16  }
0x2a3: {  	v6 =	vld [tilespmem:s18+$0x0];
	p1 =	sne.s32 s16, $0x1  }
.Ltmp7:
0x2a4: {  	_ = 	snop;
	(pc) =	sbr.rel @!p1 .LBB2_5-.Ltmp7, $2  }
0x2a5: {  	_ =	sdelay $0x2  }
0x2a6: {  	p0 =	por $0x0, $0x0;
	s18 =	sadd.s32 $0xFFFFFFFF, s16;
	(xrf1) =	vsort.dscd.msk.f32 $0xffff, v4, v6  }
0x2a7: {  	_ =	sdelay $0xb  }
0x2a8: {  	s16 =	simm.s32 $0x2430  }
0x2a9: {  	s17 =	simm.s32 $0x28B0;
	v4 =	vld [tilespmem:s16+$0x0];
	v7, v8, _ =	vpop (xrf1)  }
0x2aa: {  	v6 =	vld [tilespmem:s17+$0x0];
	v7 =	vperm.xlane v7, v1  }
0x2ab: {  	p1 =	sne.s32 s18, $0x1  }
.Ltmp8:
0x2ac: {  	vm0 =	vge.f32 v5, v7;
	(pc) =	sbr.rel @!p1 .LBB2_7-.Ltmp8, $3  }
0x2ad: {  	v8 =	vperm.xlane v8, v1;
	v7 =	vsel vm0, v5, v7;
	_ =	sdelay $0x1  }
0x2ae: {  	(xrf1) =	vsort.dscd.msk.f32 $0xffff, v4, v6;
	v6 =	vsel vm0, v2, v8;
	vm0 =	vge.f32 v3, v7  }
0x2af: {  	s18 =	sadd.s32 $0xFFFFFFFF, s18;
	p0 =	por $0x1, $0x1;
	v8 =	vsel vm0, v3, v7;
	v9 =	vsel vm0, v7, v3;
	v10 =	vsel vm0, v6, v0;
	v7 =	vmovc v0  }
.LBB2_8:
0x2b0: {  	p1 =	sne.s32 s18, $0x1;
	s18 =	sadd.s32 $0xFFFFFFFF, s18;
	v4 =	vsel vm0, v7, v6;
	(xrf1) =	vsort.dscd.msk.f32 $0xffff, v9, v10  }
0x2b1: {  	(xrf1) =	vsort.dscd.msk.f32 $0xffff, v8, v4;
	_ =	sdelay $0x8  }
0x2b2: {  	s16 =	sadd.s32 $0x10, s16  }
0x2b3: {  	s17 =	sadd.s32 $0x10, s17;
	v4 =	vld [tilespmem:s16+$0x0]  }
0x2b4: {  	v6 =	vld [tilespmem:s17+$0x0];
	v7, v8, _ =	vpop (xrf1)  }
0x2b5: {  	v9 =	vperm.xlane v7, v1  }
.Ltmp9:
0x2b6: {  	v10, v11, _ =	vpop (xrf1);
	(pc) =	sbr.rel @p1 .LBB2_8-.Ltmp9, $4  }
0x2b7: {  	v8 =	vperm.xlane v8, v1;
	vm0 =	vge.f32 v10, v9;
	v12, v7, _ =	vpop (xrf1)  }
0x2b8: {  	v9 =	vsel vm0, v10, v9  }
0x2b9: {  	(xrf1) =	vsort.dscd.msk.f32 $0xffff, v4, v6;
	v6 =	vsel vm0, v11, v8;
	vm0 =	vge.f32 v12, v9  }
0x2ba: {  	v8 =	vsel vm0, v12, v9;
	v9 =	vsel vm0, v9, v12;
	v10 =	vsel vm0, v6, v7  }
.Ltmp10:
0x2bb: {  	_ = 	snop;
	(pc) =	sbr.rel .LBB2_9-.Ltmp10, $1  }
0x2bc: {  	_ =	sdelay $0x3  }
.LBB2_7:
.Ltmp11:
0x2bd: {  	(pc) =	sbr.rel .LBB2_9-.Ltmp11, $2  }
0x2be: {  	_ =	sdelay $0x2  }
0x2bf: {  	v7 =	vmov v0  }
.LBB2_13:
0x2c0: {  	_ =	sfence.sel $0x180000  }
0x2c1: {  	[bflag:$0x0] =	sbarrier.arrive $0xFFFF  }
0x2c2: {  	p0 =	sne.s32 s3, $0x0;
	_ =	strace $0x90000047  }
0x2c3: {  	s0 =	sadd.s32 @!p0 $0x100000, s1;
	[bflag:$0x2] =	sbarrier.arrive $0xFFFF  }
0x2c4: {  	[sflag:s0] =	ssyncadd.tile.s32 @!p0 $0x1;
	_ =	shalt  }
.Lfunc_end2:
_tile_overlayer_lowered:
.L_overlay_start_2:
0x2c5: {  	(tag) =	ssettag $0x2  }
0x2c6: {  	s0 =	rddreg [dreg:$0x0];
	s2 =	stileid.u32  }
0x2c7: {  	s1 =	rddreg [dreg:$0x1];
	p0 =	sne.s32 s2, $0x0  }
0x2c8: {  	s3 =	rddreg [dreg:$0x2];
	[bflag:$0x3] =	sbarrier.arrive $0xFFFF;
	s2 =	simm.s32 @!p0 $0x1C01  }
0x2c9: {  	[timem:s3], [sflag:s2] =	dma.local @!p0 [hbm:s0], s1  }
0x2ca: {  	s0 =	simm.s32 @!p0 $0x1  }
0x2cb: {  	_ =	swait.ge @!p0 [sflag:s0], s1  }
0x2cc: {  	s1 =	ssub.s32 @!p0 $0x0, s1;
	[sflag:s0] =	ssyncset.done @!p0 $0x0  }
0x2cd: {  	[sflag:s0] =	ssyncadd.s32 @!p0 s1  }
0x2ce: {  	[bflag:$0x3] =	sbarrier.arrive $0xFFFF  }
0x2cf: {  	_ =	shalt  }

</sc_bundles>
